<compile_context>
chip_gen: v7x
topology: tpu7x:2x2x1
jax: 0.10.2.dev20260603
libtpu: 0.0.44.dev20260713+nightly
codegen_flags: <defaults>
</compile_context>

<pallas_src>
import functools

import jax
import jax.numpy as jnp
from jax import lax
from jax.experimental import pallas as pl
from jax.experimental.pallas import tpu as pltpu
from jax.experimental.pallas import tpu_sc as plsc

NUM_ROWS = 1_000_000
EMBED_DIM = 32
BATCH = 16384
HIST_LEN = 50
NUM_WORKERS = 32
BLK = 128
NBLK = BATCH // BLK
BLK_PER_W = NBLK // NUM_WORKERS
BPW = BLK * BLK_PER_W
NBUF = 8


_mesh = plsc.VectorSubcoreMesh(core_axis_name="c", subcore_axis_name="s")

_scratch = (
    [pltpu.VMEM((HIST_LEN, BPW), jnp.int32)]
    + [pltpu.VMEM((BLK, EMBED_DIM), jnp.float32) for _ in range(NBUF)]
    + [pltpu.VMEM((4, 8, BLK + 1), jnp.float32) for _ in range(NBUF)]
    + [pltpu.SemaphoreType.DMA for _ in range(2 * NBUF + 1)]
)


@functools.partial(
    pl.kernel,
    mesh=_mesh,
    out_type=jax.ShapeDtypeStruct((HIST_LEN, 4, NBLK, 8, BLK), jnp.float32),
    scratch_types=_scratch,
    compiler_params=pltpu.CompilerParams(
        use_tc_tiling_on_sc=False, needs_layout_passes=False
    ),
)
def _embed_sc(idx_hbm, table_hbm, out_hbm, idx_v, *bufs_and_sems):
    gbuf = bufs_and_sems[:NBUF]
    tbuf = bufs_and_sems[NBUF : 2 * NBUF]
    sem_g = bufs_and_sems[2 * NBUF : 3 * NBUF]
    sem_o = bufs_and_sems[3 * NBUF : 4 * NBUF]
    sem_i = bufs_and_sems[4 * NBUF]

    wid = lax.axis_index("s") * 2 + lax.axis_index("c")
    b_base = wid * BPW
    c_base = wid * BLK_PER_W

    pltpu.async_copy(idx_hbm.at[:, pl.ds(b_base, BPW)], idx_v, sem_i).wait()

    def gather(h, j, s):
        idx = idx_v.at[h, pl.ds(j * BLK, BLK)]
        pltpu.async_copy(table_hbm.at[idx], gbuf[s], sem_g[s])

    def store(h, j, s):
        pltpu.async_copy(
            tbuf[s].at[:, :, pl.ds(0, BLK)],
            out_hbm.at[h, :, c_base + j, :, :],
            sem_o[s],
        )

    def wait_gather(s):
        idx = idx_v.at[0, pl.ds(0, BLK)]
        pltpu.make_async_copy(table_hbm.at[idx], gbuf[s], sem_g[s]).wait()

    def wait_store(s):
        pltpu.make_async_copy(
            tbuf[s].at[:, :, pl.ds(0, BLK)], out_hbm.at[0, :, 0, :, :], sem_o[s]
        ).wait()

    lanes = jax.lax.iota(jnp.int32, 16)
    fcoords = [
        ((lanes + f0) // 8, (lanes + f0) % 8) for f0 in range(0, EMBED_DIM, 16)
    ]

    UNROLL = 4

    def transpose(s):
        def trow(t, carry):
            for u in range(UNROLL):
                b = t * UNROLL + u
                col = jnp.full((16,), b, jnp.int32)
                for fi, f0 in enumerate(range(0, EMBED_DIM, 16)):
                    v = gbuf[s][b, pl.ds(f0, 16)]
                    plsc.store_scatter(
                        tbuf[s], [fcoords[fi][0], fcoords[fi][1], col], v
                    )
            return carry

        lax.fori_loop(0, BLK // UNROLL, trow, 0)

    for s in range(NBUF):
        gather(s // BLK_PER_W, s % BLK_PER_W, s)

    def body(g, carry):
        h0 = 2 * g
        for s in range(NBUF):
            h = h0 + s // BLK_PER_W
            j = s % BLK_PER_W
            wait_gather(s)

            @pl.when(g > 0)
            def _():
                wait_store(s)

            transpose(s)

            @pl.when(h < HIST_LEN - 2)
            def _():
                gather(h + 2, j, s)

            store(h, j, s)
        return carry

    lax.fori_loop(0, HIST_LEN // 2, body, 0)

    for s in range(NBUF):
        wait_store(s)


def kernel(input, weight):
    out5 = _embed_sc(input.T, weight)
    return out5.transpose(2, 4, 0, 1, 3).reshape(BATCH, HIST_LEN, EMBED_DIM)

# --- scband reference (transcript-rebuilt; emitter-appended) ---
"""Pipeline reference for scband-embedding-41652592836971 (READ-ONLY COPY).

The authoritative reference and input builder live on the scoring server;
editing this copy changes nothing except your own understanding.
"""

import jax, jax.numpy as jnp
import numpy as np

NUM_EMBEDDINGS = 1000000
EMBED_DIM = 32
BATCH = 16384
HIST_LEN = 50

def setup_inputs(seed: int = 0) -> dict:
    key = jax.random.key(seed)
    k_idx, k_w = jax.random.split(key)
    input_ids = jax.random.randint(k_idx, (BATCH, HIST_LEN), 0, NUM_EMBEDDINGS, dtype=jnp.int64 if jax.config.jax_enable_x64 else jnp.int32)
    # trunc_normal_(mean=0, std=1, a=-3, b=3)
    weight = jax.random.truncated_normal(k_w, -3.0, 3.0, (NUM_EMBEDDINGS, EMBED_DIM), dtype=jnp.float32)
    return {"input": input_ids, "weight": weight}

def reference(input, weight):
    # Embedding lookup: weight[input]
    return jnp.take(weight, input, axis=0)

if __name__ == "__main__":
    import jax
    _d = setup_inputs()
    print(jax.jit(kernel)(*tuple(_d.values())))

</pallas_src>

<mosaic_0001>
#map = affine_map<(d0, d1) -> (0, 0)>
#map1 = affine_map<(d0, d1) -> (0, 0, 0, 0, 0)>
module attributes {stable_mosaic.version = 14 : i64} {
  func.func @_embed_sc(%arg0: i32, %arg1: i32, %arg2: memref<50x16384xi32, #tpu.memory_space<hbm>>, %arg3: memref<1000000x32xf32, #tpu.memory_space<hbm>>, %arg4: memref<50x4x128x8x128xf32, #tpu.memory_space<hbm>>, %arg5: memref<50x512xi32, #tpu.memory_space<vmem>>, %arg6: memref<128x32xf32, #tpu.memory_space<vmem>>, %arg7: memref<128x32xf32, #tpu.memory_space<vmem>>, %arg8: memref<128x32xf32, #tpu.memory_space<vmem>>, %arg9: memref<128x32xf32, #tpu.memory_space<vmem>>, %arg10: memref<128x32xf32, #tpu.memory_space<vmem>>, %arg11: memref<128x32xf32, #tpu.memory_space<vmem>>, %arg12: memref<128x32xf32, #tpu.memory_space<vmem>>, %arg13: memref<128x32xf32, #tpu.memory_space<vmem>>, %arg14: memref<4x8x129xf32, #tpu.memory_space<vmem>>, %arg15: memref<4x8x129xf32, #tpu.memory_space<vmem>>, %arg16: memref<4x8x129xf32, #tpu.memory_space<vmem>>, %arg17: memref<4x8x129xf32, #tpu.memory_space<vmem>>, %arg18: memref<4x8x129xf32, #tpu.memory_space<vmem>>, %arg19: memref<4x8x129xf32, #tpu.memory_space<vmem>>, %arg20: memref<4x8x129xf32, #tpu.memory_space<vmem>>, %arg21: memref<4x8x129xf32, #tpu.memory_space<vmem>>, %arg22: memref<!tpu.dma_semaphore, #tpu.memory_space<semaphore_mem>>, %arg23: memref<!tpu.dma_semaphore, #tpu.memory_space<semaphore_mem>>, %arg24: memref<!tpu.dma_semaphore, #tpu.memory_space<semaphore_mem>>, %arg25: memref<!tpu.dma_semaphore, #tpu.memory_space<semaphore_mem>>, %arg26: memref<!tpu.dma_semaphore, #tpu.memory_space<semaphore_mem>>, %arg27: memref<!tpu.dma_semaphore, #tpu.memory_space<semaphore_mem>>, %arg28: memref<!tpu.dma_semaphore, #tpu.memory_space<semaphore_mem>>, %arg29: memref<!tpu.dma_semaphore, #tpu.memory_space<semaphore_mem>>, %arg30: memref<!tpu.dma_semaphore, #tpu.memory_space<semaphore_mem>>, %arg31: memref<!tpu.dma_semaphore, #tpu.memory_space<semaphore_mem>>, %arg32: memref<!tpu.dma_semaphore, #tpu.memory_space<semaphore_mem>>, %arg33: memref<!tpu.dma_semaphore, #tpu.memory_space<semaphore_mem>>, %arg34: memref<!tpu.dma_semaphore, #tpu.memory_space<semaphore_mem>>, %arg35: memref<!tpu.dma_semaphore, #tpu.memory_space<semaphore_mem>>, %arg36: memref<!tpu.dma_semaphore, #tpu.memory_space<semaphore_mem>>, %arg37: memref<!tpu.dma_semaphore, #tpu.memory_space<semaphore_mem>>, %arg38: memref<!tpu.dma_semaphore, #tpu.memory_space<semaphore_mem>>) attributes {dimension_semantics = [#tpu.dimension_semantics<core_parallel>, #tpu.dimension_semantics<subcore_parallel>], iteration_bounds = array<i64: 2, 16>, scalar_prefetch = 0 : i64, scratch_operands = 34 : i64, tpu.core_type = #tpu.core_type<sc_vector_subcore>, window_params = [{transform_indices = #map}, {transform_indices = #map}, {transform_indices = #map1}]} {
    %mul3A = arith.constant 2 : i32
    %mul3A_0 = arith.muli %arg1, %mul3A : i32
    %add3A = arith.addi %mul3A_0, %arg0 : i32
    %mul3A_1 = arith.constant 512 : i32
    %mul3A_2 = arith.muli %add3A, %mul3A_1 : i32
    %mul3A_3 = arith.constant 4 : i32
    %mul3A_4 = arith.muli %add3A, %mul3A_3 : i32
    %dma_start3A = arith.constant 0 : i32
    %dma_start3A_5 = tpu.memref_slice %arg2[%dma_start3A, %mul3A_2] : memref<50x16384xi32, #tpu.memory_space<hbm>> -> memref<50x512xi32, #tpu.memory_space<hbm>>
    %dma_start3A_6 = arith.constant 0 : i32
    %dma_start3A_7 = tpu.memref_slice %arg2[%dma_start3A_6, %mul3A_2] : memref<50x16384xi32, #tpu.memory_space<hbm>> -> memref<50x512xi32, #tpu.memory_space<hbm>>
    tpu.enqueue_dma source(%dma_start3A_7 : memref<50x512xi32, #tpu.memory_space<hbm>>) target(%arg5 : memref<50x512xi32, #tpu.memory_space<vmem>>) target_semaphore(%arg38 : memref<!tpu.dma_semaphore, #tpu.memory_space<semaphore_mem>>)
    %dma_wait3A = arith.constant 0 : i32
    %dma_wait3A_8 = tpu.memref_slice %arg2[%dma_wait3A, %mul3A_2] : memref<50x16384xi32, #tpu.memory_space<hbm>> -> memref<50x512xi32, #tpu.memory_space<hbm>>
    %dma_wait3A_9 = arith.constant 0 : i32
    %dma_wait3A_10 = tpu.memref_slice %arg2[%dma_wait3A_9, %mul3A_2] : memref<50x16384xi32, #tpu.memory_space<hbm>> -> memref<50x512xi32, #tpu.memory_space<hbm>>
    tpu.wait_dma2 semaphore(%arg38 : memref<!tpu.dma_semaphore, #tpu.memory_space<semaphore_mem>>) src(%dma_wait3A_10 : memref<50x512xi32, #tpu.memory_space<hbm>>) dst(%arg5 : memref<50x512xi32, #tpu.memory_space<vmem>>)
    %iota3A = tpu.iota {dimensions = array<i32: 0>} : vector<16xi32>
    %add3A_11 = arith.constant 0 : i32
    %add3A_12 = vector.broadcast %add3A_11 : i32 to vector<16xi32>
    %add3A_13 = arith.addi %iota3A, %add3A_12 : vector<16xi32>
    %jit3A = arith.constant 8 : i32
    %div3A = vector.broadcast %jit3A : i32 to vector<16xi32>
    %div3A_14 = arith.divsi %add3A_13, %div3A : vector<16xi32>
    %sign3A = arith.constant 0 : i32
    %sign3A_15 = vector.broadcast %sign3A : i32 to vector<16xi32>
    %sign3A_16 = arith.cmpi sgt, %add3A_13, %sign3A_15 : vector<16xi32>
    %sign3A_17 = arith.extui %sign3A_16 : vector<16xi1> to vector<16xi32>
    %sign3A_18 = arith.constant 0 : i32
    %sign3A_19 = vector.broadcast %sign3A_18 : i32 to vector<16xi32>
    %sign3A_20 = arith.cmpi slt, %add3A_13, %sign3A_19 : vector<16xi32>
    %sign3A_21 = arith.extui %sign3A_20 : vector<16xi1> to vector<16xi32>
    %sign3A_22 = arith.subi %sign3A_17, %sign3A_21 : vector<16xi32>
    %sign3A_23 = arith.constant 0 : i32
    %sign3A_24 = arith.cmpi sgt, %jit3A, %sign3A_23 : i32
    %sign3A_25 = arith.extui %sign3A_24 : i1 to i32
    %sign3A_26 = arith.constant 0 : i32
    %sign3A_27 = arith.cmpi slt, %jit3A, %sign3A_26 : i32
    %sign3A_28 = arith.extui %sign3A_27 : i1 to i32
    %sign3A_29 = arith.subi %sign3A_25, %sign3A_28 : i32
    %ne3A = vector.broadcast %sign3A_29 : i32 to vector<16xi32>
    %ne3A_30 = arith.cmpi ne, %sign3A_22, %ne3A : vector<16xi32>
    %rem3A = vector.broadcast %jit3A : i32 to vector<16xi32>
    %rem3A_31 = arith.remsi %add3A_13, %rem3A : vector<16xi32>
    %ne3A_32 = arith.constant 0 : i32
    %ne3A_33 = vector.broadcast %ne3A_32 : i32 to vector<16xi32>
    %ne3A_34 = arith.cmpi ne, %rem3A_31, %ne3A_33 : vector<16xi32>
    %and3A = arith.andi %ne3A_30, %ne3A_34 : vector<16xi1>
    %sub3A = arith.constant 1 : i32
    %sub3A_35 = vector.broadcast %sub3A : i32 to vector<16xi32>
    %sub3A_36 = arith.subi %div3A_14, %sub3A_35 : vector<16xi32>
    %select_n3A = arith.select %and3A, %sub3A_36, %div3A_14 : vector<16xi1>, vector<16xi32>
    %add3A_37 = arith.constant 0 : i32
    %add3A_38 = vector.broadcast %add3A_37 : i32 to vector<16xi32>
    %add3A_39 = arith.addi %iota3A, %add3A_38 : vector<16xi32>
    %jit3A_40 = arith.constant 8 : i32
    %eq3A = arith.constant 0 : i32
    %eq3A_41 = arith.cmpi eq, %jit3A_40, %eq3A : i32
    %jit3A_42 = arith.constant 1 : i32
    %select_n3A_43 = arith.select %eq3A_41, %jit3A_42, %jit3A_40 : i32
    %rem3A_44 = vector.broadcast %select_n3A_43 : i32 to vector<16xi32>
    %rem3A_45 = arith.remsi %add3A_39, %rem3A_44 : vector<16xi32>
    %ne3A_46 = arith.constant 0 : i32
    %ne3A_47 = vector.broadcast %ne3A_46 : i32 to vector<16xi32>
    %ne3A_48 = arith.cmpi ne, %rem3A_45, %ne3A_47 : vector<16xi32>
    %lt3A = arith.constant 0 : i32
    %lt3A_49 = vector.broadcast %lt3A : i32 to vector<16xi32>
    %lt3A_50 = arith.cmpi slt, %rem3A_45, %lt3A_49 : vector<16xi32>
    %lt3A_51 = arith.constant 0 : i32
    %lt3A_52 = arith.cmpi slt, %select_n3A_43, %lt3A_51 : i32
    %ne3A_53 = vector.broadcast %lt3A_52 : i1 to vector<16xi1>
    %ne3A_54 = vector.broadcast %ne3A_53 : vector<16xi1> to vector<16xi1>
    %ne3A_55 = arith.xori %lt3A_50, %ne3A_54 : vector<16xi1>
    %and3A_56 = arith.andi %ne3A_55, %ne3A_48 : vector<16xi1>
    %add3A_57 = vector.broadcast %select_n3A_43 : i32 to vector<16xi32>
    %add3A_58 = arith.addi %rem3A_45, %add3A_57 : vector<16xi32>
    %select_n3A_59 = arith.select %and3A_56, %add3A_58, %rem3A_45 : vector<16xi1>, vector<16xi32>
    %add3A_60 = arith.constant 16 : i32
    %add3A_61 = vector.broadcast %add3A_60 : i32 to vector<16xi32>
    %add3A_62 = arith.addi %iota3A, %add3A_61 : vector<16xi32>
    %jit3A_63 = arith.constant 8 : i32
    %div3A_64 = vector.broadcast %jit3A_63 : i32 to vector<16xi32>
    %div3A_65 = arith.divsi %add3A_62, %div3A_64 : vector<16xi32>
    %sign3A_66 = arith.constant 0 : i32
    %sign3A_67 = vector.broadcast %sign3A_66 : i32 to vector<16xi32>
    %sign3A_68 = arith.cmpi sgt, %add3A_62, %sign3A_67 : vector<16xi32>
    %sign3A_69 = arith.extui %sign3A_68 : vector<16xi1> to vector<16xi32>
    %sign3A_70 = arith.constant 0 : i32
    %sign3A_71 = vector.broadcast %sign3A_70 : i32 to vector<16xi32>
    %sign3A_72 = arith.cmpi slt, %add3A_62, %sign3A_71 : vector<16xi32>
    %sign3A_73 = arith.extui %sign3A_72 : vector<16xi1> to vector<16xi32>
    %sign3A_74 = arith.subi %sign3A_69, %sign3A_73 : vector<16xi32>
    %sign3A_75 = arith.constant 0 : i32
    %sign3A_76 = arith.cmpi sgt, %jit3A_63, %sign3A_75 : i32
    %sign3A_77 = arith.extui %sign3A_76 : i1 to i32
    %sign3A_78 = arith.constant 0 : i32
    %sign3A_79 = arith.cmpi slt, %jit3A_63, %sign3A_78 : i32
    %sign3A_80 = arith.extui %sign3A_79 : i1 to i32
    %sign3A_81 = arith.subi %sign3A_77, %sign3A_80 : i32
    %ne3A_82 = vector.broadcast %sign3A_81 : i32 to vector<16xi32>
    %ne3A_83 = arith.cmpi ne, %sign3A_74, %ne3A_82 : vector<16xi32>
    %rem3A_84 = vector.broadcast %jit3A_63 : i32 to vector<16xi32>
    %rem3A_85 = arith.remsi %add3A_62, %rem3A_84 : vector<16xi32>
    %ne3A_86 = arith.constant 0 : i32
    %ne3A_87 = vector.broadcast %ne3A_86 : i32 to vector<16xi32>
    %ne3A_88 = arith.cmpi ne, %rem3A_85, %ne3A_87 : vector<16xi32>
    %and3A_89 = arith.andi %ne3A_83, %ne3A_88 : vector<16xi1>
    %sub3A_90 = arith.constant 1 : i32
    %sub3A_91 = vector.broadcast %sub3A_90 : i32 to vector<16xi32>
    %sub3A_92 = arith.subi %div3A_65, %sub3A_91 : vector<16xi32>
    %select_n3A_93 = arith.select %and3A_89, %sub3A_92, %div3A_65 : vector<16xi1>, vector<16xi32>
    %add3A_94 = arith.constant 16 : i32
    %add3A_95 = vector.broadcast %add3A_94 : i32 to vector<16xi32>
    %add3A_96 = arith.addi %iota3A, %add3A_95 : vector<16xi32>
    %jit3A_97 = arith.constant 8 : i32
    %eq3A_98 = arith.constant 0 : i32
    %eq3A_99 = arith.cmpi eq, %jit3A_97, %eq3A_98 : i32
    %jit3A_100 = arith.constant 1 : i32
    %select_n3A_101 = arith.select %eq3A_99, %jit3A_100, %jit3A_97 : i32
    %rem3A_102 = vector.broadcast %select_n3A_101 : i32 to vector<16xi32>
    %rem3A_103 = arith.remsi %add3A_96, %rem3A_102 : vector<16xi32>
    %ne3A_104 = arith.constant 0 : i32
    %ne3A_105 = vector.broadcast %ne3A_104 : i32 to vector<16xi32>
    %ne3A_106 = arith.cmpi ne, %rem3A_103, %ne3A_105 : vector<16xi32>
    %lt3A_107 = arith.constant 0 : i32
    %lt3A_108 = vector.broadcast %lt3A_107 : i32 to vector<16xi32>
    %lt3A_109 = arith.cmpi slt, %rem3A_103, %lt3A_108 : vector<16xi32>
    %lt3A_110 = arith.constant 0 : i32
    %lt3A_111 = arith.cmpi slt, %select_n3A_101, %lt3A_110 : i32
    %ne3A_112 = vector.broadcast %lt3A_111 : i1 to vector<16xi1>
    %ne3A_113 = vector.broadcast %ne3A_112 : vector<16xi1> to vector<16xi1>
    %ne3A_114 = arith.xori %lt3A_109, %ne3A_113 : vector<16xi1>
    %and3A_115 = arith.andi %ne3A_114, %ne3A_106 : vector<16xi1>
    %add3A_116 = vector.broadcast %select_n3A_101 : i32 to vector<16xi32>
    %add3A_117 = arith.addi %rem3A_103, %add3A_116 : vector<16xi32>
    %select_n3A_118 = arith.select %and3A_115, %add3A_117, %rem3A_103 : vector<16xi1>, vector<16xi32>
    %dma_start3A_119 = arith.constant 0 : i32
    %dma_start3A_120 = arith.constant 0 : i32
    %dma_start3A_121 = tpu.memref_slice %arg5[%dma_start3A_119, %dma_start3A_120] : memref<50x512xi32, #tpu.memory_space<vmem>> -> memref<1x128xi32, #tpu.memory_space<vmem>>
    %dma_start3A_122 = tpu.memref_squeeze %dma_start3A_121 : memref<1x128xi32, #tpu.memory_space<vmem>> -> memref<128xi32, #tpu.memory_space<vmem>>
    %dma_start3A_123 = arith.constant 0 : i32
    %dma_start3A_124 = arith.constant 0 : i32
    %dma_start3A_125 = tpu.memref_slice %arg3[%dma_start3A_123, %dma_start3A_124] : memref<1000000x32xf32, #tpu.memory_space<hbm>> -> memref<1000000x32xf32, #tpu.memory_space<hbm>>
    tpu.enqueue_indirect_dma source(%dma_start3A_125 : memref<1000000x32xf32, #tpu.memory_space<hbm>>) target(%arg6 : memref<128x32xf32, #tpu.memory_space<vmem>>) offsets(%dma_start3A_122 : memref<128xi32, #tpu.memory_space<vmem>>) semaphore(%arg22 : memref<!tpu.dma_semaphore, #tpu.memory_space<semaphore_mem>>)
    %dma_start3A_126 = arith.constant 0 : i32
    %dma_start3A_127 = arith.constant 128 : i32
    %dma_start3A_128 = tpu.memref_slice %arg5[%dma_start3A_126, %dma_start3A_127] : memref<50x512xi32, #tpu.memory_space<vmem>> -> memref<1x128xi32, #tpu.memory_space<vmem>>
    %dma_start3A_129 = tpu.memref_squeeze %dma_start3A_128 : memref<1x128xi32, #tpu.memory_space<vmem>> -> memref<128xi32, #tpu.memory_space<vmem>>
    %dma_start3A_130 = arith.constant 0 : i32
    %dma_start3A_131 = arith.constant 0 : i32
    %dma_start3A_132 = tpu.memref_slice %arg3[%dma_start3A_130, %dma_start3A_131] : memref<1000000x32xf32, #tpu.memory_space<hbm>> -> memref<1000000x32xf32, #tpu.memory_space<hbm>>
    tpu.enqueue_indirect_dma source(%dma_start3A_132 : memref<1000000x32xf32, #tpu.memory_space<hbm>>) target(%arg7 : memref<128x32xf32, #tpu.memory_space<vmem>>) offsets(%dma_start3A_129 : memref<128xi32, #tpu.memory_space<vmem>>) semaphore(%arg23 : memref<!tpu.dma_semaphore, #tpu.memory_space<semaphore_mem>>)
    %dma_start3A_133 = arith.constant 0 : i32
    %dma_start3A_134 = arith.constant 256 : i32
    %dma_start3A_135 = tpu.memref_slice %arg5[%dma_start3A_133, %dma_start3A_134] : memref<50x512xi32, #tpu.memory_space<vmem>> -> memref<1x128xi32, #tpu.memory_space<vmem>>
    %dma_start3A_136 = tpu.memref_squeeze %dma_start3A_135 : memref<1x128xi32, #tpu.memory_space<vmem>> -> memref<128xi32, #tpu.memory_space<vmem>>
    %dma_start3A_137 = arith.constant 0 : i32
    %dma_start3A_138 = arith.constant 0 : i32
    %dma_start3A_139 = tpu.memref_slice %arg3[%dma_start3A_137, %dma_start3A_138] : memref<1000000x32xf32, #tpu.memory_space<hbm>> -> memref<1000000x32xf32, #tpu.memory_space<hbm>>
    tpu.enqueue_indirect_dma source(%dma_start3A_139 : memref<1000000x32xf32, #tpu.memory_space<hbm>>) target(%arg8 : memref<128x32xf32, #tpu.memory_space<vmem>>) offsets(%dma_start3A_136 : memref<128xi32, #tpu.memory_space<vmem>>) semaphore(%arg24 : memref<!tpu.dma_semaphore, #tpu.memory_space<semaphore_mem>>)
    %dma_start3A_140 = arith.constant 0 : i32
    %dma_start3A_141 = arith.constant 384 : i32
    %dma_start3A_142 = tpu.memref_slice %arg5[%dma_start3A_140, %dma_start3A_141] : memref<50x512xi32, #tpu.memory_space<vmem>> -> memref<1x128xi32, #tpu.memory_space<vmem>>
    %dma_start3A_143 = tpu.memref_squeeze %dma_start3A_142 : memref<1x128xi32, #tpu.memory_space<vmem>> -> memref<128xi32, #tpu.memory_space<vmem>>
    %dma_start3A_144 = arith.constant 0 : i32
    %dma_start3A_145 = arith.constant 0 : i32
    %dma_start3A_146 = tpu.memref_slice %arg3[%dma_start3A_144, %dma_start3A_145] : memref<1000000x32xf32, #tpu.memory_space<hbm>> -> memref<1000000x32xf32, #tpu.memory_space<hbm>>
    tpu.enqueue_indirect_dma source(%dma_start3A_146 : memref<1000000x32xf32, #tpu.memory_space<hbm>>) target(%arg9 : memref<128x32xf32, #tpu.memory_space<vmem>>) offsets(%dma_start3A_143 : memref<128xi32, #tpu.memory_space<vmem>>) semaphore(%arg25 : memref<!tpu.dma_semaphore, #tpu.memory_space<semaphore_mem>>)
    %dma_start3A_147 = arith.constant 1 : i32
    %dma_start3A_148 = arith.constant 0 : i32
    %dma_start3A_149 = tpu.memref_slice %arg5[%dma_start3A_147, %dma_start3A_148] : memref<50x512xi32, #tpu.memory_space<vmem>> -> memref<1x128xi32, #tpu.memory_space<vmem>>
    %dma_start3A_150 = tpu.memref_squeeze %dma_start3A_149 : memref<1x128xi32, #tpu.memory_space<vmem>> -> memref<128xi32, #tpu.memory_space<vmem>>
    %dma_start3A_151 = arith.constant 0 : i32
    %dma_start3A_152 = arith.constant 0 : i32
    %dma_start3A_153 = tpu.memref_slice %arg3[%dma_start3A_151, %dma_start3A_152] : memref<1000000x32xf32, #tpu.memory_space<hbm>> -> memref<1000000x32xf32, #tpu.memory_space<hbm>>
    tpu.enqueue_indirect_dma source(%dma_start3A_153 : memref<1000000x32xf32, #tpu.memory_space<hbm>>) target(%arg10 : memref<128x32xf32, #tpu.memory_space<vmem>>) offsets(%dma_start3A_150 : memref<128xi32, #tpu.memory_space<vmem>>) semaphore(%arg26 : memref<!tpu.dma_semaphore, #tpu.memory_space<semaphore_mem>>)
    %dma_start3A_154 = arith.constant 1 : i32
    %dma_start3A_155 = arith.constant 128 : i32
    %dma_start3A_156 = tpu.memref_slice %arg5[%dma_start3A_154, %dma_start3A_155] : memref<50x512xi32, #tpu.memory_space<vmem>> -> memref<1x128xi32, #tpu.memory_space<vmem>>
    %dma_start3A_157 = tpu.memref_squeeze %dma_start3A_156 : memref<1x128xi32, #tpu.memory_space<vmem>> -> memref<128xi32, #tpu.memory_space<vmem>>
    %dma_start3A_158 = arith.constant 0 : i32
    %dma_start3A_159 = arith.constant 0 : i32
    %dma_start3A_160 = tpu.memref_slice %arg3[%dma_start3A_158, %dma_start3A_159] : memref<1000000x32xf32, #tpu.memory_space<hbm>> -> memref<1000000x32xf32, #tpu.memory_space<hbm>>
    tpu.enqueue_indirect_dma source(%dma_start3A_160 : memref<1000000x32xf32, #tpu.memory_space<hbm>>) target(%arg11 : memref<128x32xf32, #tpu.memory_space<vmem>>) offsets(%dma_start3A_157 : memref<128xi32, #tpu.memory_space<vmem>>) semaphore(%arg27 : memref<!tpu.dma_semaphore, #tpu.memory_space<semaphore_mem>>)
    %dma_start3A_161 = arith.constant 1 : i32
    %dma_start3A_162 = arith.constant 256 : i32
    %dma_start3A_163 = tpu.memref_slice %arg5[%dma_start3A_161, %dma_start3A_162] : memref<50x512xi32, #tpu.memory_space<vmem>> -> memref<1x128xi32, #tpu.memory_space<vmem>>
    %dma_start3A_164 = tpu.memref_squeeze %dma_start3A_163 : memref<1x128xi32, #tpu.memory_space<vmem>> -> memref<128xi32, #tpu.memory_space<vmem>>
    %dma_start3A_165 = arith.constant 0 : i32
    %dma_start3A_166 = arith.constant 0 : i32
    %dma_start3A_167 = tpu.memref_slice %arg3[%dma_start3A_165, %dma_start3A_166] : memref<1000000x32xf32, #tpu.memory_space<hbm>> -> memref<1000000x32xf32, #tpu.memory_space<hbm>>
    tpu.enqueue_indirect_dma source(%dma_start3A_167 : memref<1000000x32xf32, #tpu.memory_space<hbm>>) target(%arg12 : memref<128x32xf32, #tpu.memory_space<vmem>>) offsets(%dma_start3A_164 : memref<128xi32, #tpu.memory_space<vmem>>) semaphore(%arg28 : memref<!tpu.dma_semaphore, #tpu.memory_space<semaphore_mem>>)
    %dma_start3A_168 = arith.constant 1 : i32
    %dma_start3A_169 = arith.constant 384 : i32
    %dma_start3A_170 = tpu.memref_slice %arg5[%dma_start3A_168, %dma_start3A_169] : memref<50x512xi32, #tpu.memory_space<vmem>> -> memref<1x128xi32, #tpu.memory_space<vmem>>
    %dma_start3A_171 = tpu.memref_squeeze %dma_start3A_170 : memref<1x128xi32, #tpu.memory_space<vmem>> -> memref<128xi32, #tpu.memory_space<vmem>>
    %dma_start3A_172 = arith.constant 0 : i32
    %dma_start3A_173 = arith.constant 0 : i32
    %dma_start3A_174 = tpu.memref_slice %arg3[%dma_start3A_172, %dma_start3A_173] : memref<1000000x32xf32, #tpu.memory_space<hbm>> -> memref<1000000x32xf32, #tpu.memory_space<hbm>>
    tpu.enqueue_indirect_dma source(%dma_start3A_174 : memref<1000000x32xf32, #tpu.memory_space<hbm>>) target(%arg13 : memref<128x32xf32, #tpu.memory_space<vmem>>) offsets(%dma_start3A_171 : memref<128xi32, #tpu.memory_space<vmem>>) semaphore(%arg29 : memref<!tpu.dma_semaphore, #tpu.memory_space<semaphore_mem>>)
    %scan3A = arith.constant 0 : i32
    %scan3A_175 = arith.constant 0 : i32
    %scan3A_176 = arith.constant 25 : i32
    %scan3A_177 = arith.addi %scan3A_175, %scan3A_176 : i32
    %scan3A_178 = arith.constant 1 : i32
    scf.for %scan3A_340 = %scan3A_175 to %scan3A_177 step %scan3A_178  : i32 {
      %mul3A_341 = arith.constant 2 : i32
      %mul3A_342 = arith.muli %mul3A_341, %scan3A_340 : i32
      %add3A_343 = arith.constant 0 : i32
      %add3A_344 = arith.addi %mul3A_342, %add3A_343 : i32
      %dma_wait3A_345 = arith.constant 0 : i32
      %dma_wait3A_346 = arith.constant 0 : i32
      %dma_wait3A_347 = tpu.memref_slice %arg5[%dma_wait3A_345, %dma_wait3A_346] : memref<50x512xi32, #tpu.memory_space<vmem>> -> memref<1x128xi32, #tpu.memory_space<vmem>>
      %dma_wait3A_348 = tpu.memref_squeeze %dma_wait3A_347 : memref<1x128xi32, #tpu.memory_space<vmem>> -> memref<128xi32, #tpu.memory_space<vmem>>
      %dma_wait3A_349 = arith.constant 0 : i32
      %dma_wait3A_350 = arith.constant 0 : i32
      %dma_wait3A_351 = tpu.memref_slice %arg3[%dma_wait3A_349, %dma_wait3A_350] : memref<1000000x32xf32, #tpu.memory_space<hbm>> -> memref<1000000x32xf32, #tpu.memory_space<hbm>>
      tpu.wait_indirect_dma semaphore(%arg22 : memref<!tpu.dma_semaphore, #tpu.memory_space<semaphore_mem>>) src(%dma_wait3A_351 : memref<1000000x32xf32, #tpu.memory_space<hbm>>) dst(%arg6 : memref<128x32xf32, #tpu.memory_space<vmem>>)
      %gt3A = arith.constant 0 : i32
      %gt3A_352 = arith.cmpi sgt, %scan3A_340, %gt3A : i32
      %convert_element_type3A = arith.extui %gt3A_352 : i1 to i32
      %cond3A = arith.constant 0 : i32
      %cond3A_353 = arith.cmpi ne, %convert_element_type3A, %cond3A : i32
      scf.if %cond3A_353 {
        %dma_wait3A_700 = arith.constant 0 : i32
        %dma_wait3A_701 = arith.constant 0 : i32
        %dma_wait3A_702 = arith.constant 0 : i32
        %dma_wait3A_703 = arith.constant 0 : i32
        %dma_wait3A_704 = arith.constant 0 : i32
        %dma_wait3A_705 = tpu.memref_slice %arg14[%dma_wait3A_702, %dma_wait3A_703, %dma_wait3A_704] : memref<4x8x129xf32, #tpu.memory_space<vmem>> -> memref<4x8x128xf32, #tpu.memory_space<vmem>>
        %dma_wait3A_706 = arith.constant 0 : i32
        %dma_wait3A_707 = arith.constant 0 : i32
        %dma_wait3A_708 = arith.constant 0 : i32
        %dma_wait3A_709 = tpu.memref_slice %arg4[%dma_wait3A_700, %dma_wait3A_706, %dma_wait3A_701, %dma_wait3A_707, %dma_wait3A_708] : memref<50x4x128x8x128xf32, #tpu.memory_space<hbm>> -> memref<1x4x1x8x128xf32, #tpu.memory_space<hbm>>
        %dma_wait3A_710 = tpu.memref_squeeze %dma_wait3A_709 : memref<1x4x1x8x128xf32, #tpu.memory_space<hbm>> -> memref<4x8x128xf32, #tpu.memory_space<hbm>>
        %dma_wait3A_711 = arith.constant 0 : i32
        %dma_wait3A_712 = arith.constant 0 : i32
        %dma_wait3A_713 = arith.constant 0 : i32
        %dma_wait3A_714 = tpu.memref_slice %arg4[%dma_wait3A_700, %dma_wait3A_711, %dma_wait3A_701, %dma_wait3A_712, %dma_wait3A_713] : memref<50x4x128x8x128xf32, #tpu.memory_space<hbm>> -> memref<1x4x1x8x128xf32, #tpu.memory_space<hbm>>
        %dma_wait3A_715 = tpu.memref_squeeze %dma_wait3A_714 : memref<1x4x1x8x128xf32, #tpu.memory_space<hbm>> -> memref<4x8x128xf32, #tpu.memory_space<hbm>>
        %dma_wait3A_716 = arith.constant 0 : i32
        %dma_wait3A_717 = arith.constant 0 : i32
        %dma_wait3A_718 = arith.constant 0 : i32
        %dma_wait3A_719 = tpu.memref_slice %arg14[%dma_wait3A_716, %dma_wait3A_717, %dma_wait3A_718] : memref<4x8x129xf32, #tpu.memory_space<vmem>> -> memref<4x8x128xf32, #tpu.memory_space<vmem>>
        tpu.wait_dma2 semaphore(%arg30 : memref<!tpu.dma_semaphore, #tpu.memory_space<semaphore_mem>>) src(%dma_wait3A_719 : memref<4x8x128xf32, #tpu.memory_space<vmem>>) dst(%dma_wait3A_715 : memref<4x8x128xf32, #tpu.memory_space<hbm>>)
      } else {
      }
      %scan3A_354 = arith.constant 0 : i32
      %scan3A_355 = arith.constant 0 : i32
      %scan3A_356 = arith.constant 32 : i32
      %scan3A_357 = arith.addi %scan3A_355, %scan3A_356 : i32
      %scan3A_358 = arith.constant 1 : i32
      scf.for %scan3A_700 = %scan3A_355 to %scan3A_357 step %scan3A_358  : i32 {
        %mul3A_701 = arith.constant 4 : i32
        %mul3A_702 = arith.muli %scan3A_700, %mul3A_701 : i32
        %add3A_703 = arith.constant 0 : i32
        %add3A_704 = arith.addi %mul3A_702, %add3A_703 : i32
        %broadcast_in_dim3A = vector.broadcast %add3A_704 : i32 to vector<16xi32>
        %get3A = arith.index_cast %add3A_704 : i32 to index
        %get3A_705 = arith.constant 0 : index
        %get3A_706 = tpu.vector_load %arg6[%get3A, %get3A_705] {strides = array<i32>} : memref<128x32xf32, #tpu.memory_space<vmem>>, vector<16xf32>,
        tpu.vector_store_idx %arg14[%select_n3A, %select_n3A_59, %broadcast_in_dim3A], %get3A_706 : memref<4x8x129xf32, #tpu.memory_space<vmem>>[vector<16xi32>, vector<16xi32>, vector<16xi32>], vector<16xf32>,
        %get3A_707 = arith.index_cast %add3A_704 : i32 to index
        %get3A_708 = arith.constant 16 : index
        %get3A_709 = tpu.vector_load %arg6[%get3A_707, %get3A_708] {strides = array<i32>} : memref<128x32xf32, #tpu.memory_space<vmem>>, vector<16xf32>,
        tpu.vector_store_idx %arg14[%select_n3A_93, %select_n3A_118, %broadcast_in_dim3A], %get3A_709 : memref<4x8x129xf32, #tpu.memory_space<vmem>>[vector<16xi32>, vector<16xi32>, vector<16xi32>], vector<16xf32>,
        %mul3A_710 = arith.constant 4 : i32
        %mul3A_711 = arith.muli %scan3A_700, %mul3A_710 : i32
        %add3A_712 = arith.constant 1 : i32
        %add3A_713 = arith.addi %mul3A_711, %add3A_712 : i32
        %broadcast_in_dim3A_714 = vector.broadcast %add3A_713 : i32 to vector<16xi32>
        %get3A_715 = arith.index_cast %add3A_713 : i32 to index
        %get3A_716 = arith.constant 0 : index
        %get3A_717 = tpu.vector_load %arg6[%get3A_715, %get3A_716] {strides = array<i32>} : memref<128x32xf32, #tpu.memory_space<vmem>>, vector<16xf32>,
        tpu.vector_store_idx %arg14[%select_n3A, %select_n3A_59, %broadcast_in_dim3A_714], %get3A_717 : memref<4x8x129xf32, #tpu.memory_space<vmem>>[vector<16xi32>, vector<16xi32>, vector<16xi32>], vector<16xf32>,
        %get3A_718 = arith.index_cast %add3A_713 : i32 to index
        %get3A_719 = arith.constant 16 : index
        %get3A_720 = tpu.vector_load %arg6[%get3A_718, %get3A_719] {strides = array<i32>} : memref<128x32xf32, #tpu.memory_space<vmem>>, vector<16xf32>,
        tpu.vector_store_idx %arg14[%select_n3A_93, %select_n3A_118, %broadcast_in_dim3A_714], %get3A_720 : memref<4x8x129xf32, #tpu.memory_space<vmem>>[vector<16xi32>, vector<16xi32>, vector<16xi32>], vector<16xf32>,
        %mul3A_721 = arith.constant 4 : i32
        %mul3A_722 = arith.muli %scan3A_700, %mul3A_721 : i32
        %add3A_723 = arith.constant 2 : i32
        %add3A_724 = arith.addi %mul3A_722, %add3A_723 : i32
        %broadcast_in_dim3A_725 = vector.broadcast %add3A_724 : i32 to vector<16xi32>
        %get3A_726 = arith.index_cast %add3A_724 : i32 to index
        %get3A_727 = arith.constant 0 : index
        %get3A_728 = tpu.vector_load %arg6[%get3A_726, %get3A_727] {strides = array<i32>} : memref<128x32xf32, #tpu.memory_space<vmem>>, vector<16xf32>,
        tpu.vector_store_idx %arg14[%select_n3A, %select_n3A_59, %broadcast_in_dim3A_725], %get3A_728 : memref<4x8x129xf32, #tpu.memory_space<vmem>>[vector<16xi32>, vector<16xi32>, vector<16xi32>], vector<16xf32>,
        %get3A_729 = arith.index_cast %add3A_724 : i32 to index
        %get3A_730 = arith.constant 16 : index
        %get3A_731 = tpu.vector_load %arg6[%get3A_729, %get3A_730] {strides = array<i32>} : memref<128x32xf32, #tpu.memory_space<vmem>>, vector<16xf32>,
        tpu.vector_store_idx %arg14[%select_n3A_93, %select_n3A_118, %broadcast_in_dim3A_725], %get3A_731 : memref<4x8x129xf32, #tpu.memory_space<vmem>>[vector<16xi32>, vector<16xi32>, vector<16xi32>], vector<16xf32>,
        %mul3A_732 = arith.constant 4 : i32
        %mul3A_733 = arith.muli %scan3A_700, %mul3A_732 : i32
        %add3A_734 = arith.constant 3 : i32
        %add3A_735 = arith.addi %mul3A_733, %add3A_734 : i32
        %broadcast_in_dim3A_736 = vector.broadcast %add3A_735 : i32 to vector<16xi32>
        %get3A_737 = arith.index_cast %add3A_735 : i32 to index
        %get3A_738 = arith.constant 0 : index
        %get3A_739 = tpu.vector_load %arg6[%get3A_737, %get3A_738] {strides = array<i32>} : memref<128x32xf32, #tpu.memory_space<vmem>>, vector<16xf32>,
        tpu.vector_store_idx %arg14[%select_n3A, %select_n3A_59, %broadcast_in_dim3A_736], %get3A_739 : memref<4x8x129xf32, #tpu.memory_space<vmem>>[vector<16xi32>, vector<16xi32>, vector<16xi32>], vector<16xf32>,
        %get3A_740 = arith.index_cast %add3A_735 : i32 to index
        %get3A_741 = arith.constant 16 : index
        %get3A_742 = tpu.vector_load %arg6[%get3A_740, %get3A_741] {strides = array<i32>} : memref<128x32xf32, #tpu.memory_space<vmem>>, vector<16xf32>,
        tpu.vector_store_idx %arg14[%select_n3A_93, %select_n3A_118, %broadcast_in_dim3A_736], %get3A_742 : memref<4x8x129xf32, #tpu.memory_space<vmem>>[vector<16xi32>, vector<16xi32>, vector<16xi32>], vector<16xf32>,
      }
      %scan3A_359 = arith.constant 32 : i32
      %lt3A_360 = arith.constant 48 : i32
      %lt3A_361 = arith.cmpi slt, %add3A_344, %lt3A_360 : i32
      %convert_element_type3A_362 = arith.extui %lt3A_361 : i1 to i32
      %cond3A_363 = arith.constant 0 : i32
      %cond3A_364 = arith.cmpi ne, %convert_element_type3A_362, %cond3A_363 : i32
      scf.if %cond3A_364 {
        %add3A_700 = arith.constant 2 : i32
        %add3A_701 = arith.addi %add3A_344, %add3A_700 : i32
        %dma_start3A_702 = arith.constant 0 : i32
        %dma_start3A_703 = tpu.memref_slice %arg5[%add3A_701, %dma_start3A_702] : memref<50x512xi32, #tpu.memory_space<vmem>> -> memref<1x128xi32, #tpu.memory_space<vmem>>
        %dma_start3A_704 = tpu.memref_squeeze %dma_start3A_703 : memref<1x128xi32, #tpu.memory_space<vmem>> -> memref<128xi32, #tpu.memory_space<vmem>>
        %dma_start3A_705 = arith.constant 0 : i32
        %dma_start3A_706 = arith.constant 0 : i32
        %dma_start3A_707 = tpu.memref_slice %arg3[%dma_start3A_705, %dma_start3A_706] : memref<1000000x32xf32, #tpu.memory_space<hbm>> -> memref<1000000x32xf32, #tpu.memory_space<hbm>>
        tpu.enqueue_indirect_dma source(%dma_start3A_707 : memref<1000000x32xf32, #tpu.memory_space<hbm>>) target(%arg6 : memref<128x32xf32, #tpu.memory_space<vmem>>) offsets(%dma_start3A_704 : memref<128xi32, #tpu.memory_space<vmem>>) semaphore(%arg22 : memref<!tpu.dma_semaphore, #tpu.memory_space<semaphore_mem>>)
      } else {
      }
      %add3A_365 = arith.constant 0 : i32
      %add3A_366 = arith.addi %mul3A_4, %add3A_365 : i32
      %dma_start3A_367 = arith.constant 0 : i32
      %dma_start3A_368 = arith.constant 0 : i32
      %dma_start3A_369 = arith.constant 0 : i32
      %dma_start3A_370 = tpu.memref_slice %arg14[%dma_start3A_367, %dma_start3A_368, %dma_start3A_369] : memref<4x8x129xf32, #tpu.memory_space<vmem>> -> memref<4x8x128xf32, #tpu.memory_space<vmem>>
      %dma_start3A_371 = arith.constant 0 : i32
      %dma_start3A_372 = arith.constant 0 : i32
      %dma_start3A_373 = arith.constant 0 : i32
      %dma_start3A_374 = tpu.memref_slice %arg4[%add3A_344, %dma_start3A_371, %add3A_366, %dma_start3A_372, %dma_start3A_373] : memref<50x4x128x8x128xf32, #tpu.memory_space<hbm>> -> memref<1x4x1x8x128xf32, #tpu.memory_space<hbm>>
      %dma_start3A_375 = tpu.memref_squeeze %dma_start3A_374 : memref<1x4x1x8x128xf32, #tpu.memory_space<hbm>> -> memref<4x8x128xf32, #tpu.memory_space<hbm>>
      %dma_start3A_376 = arith.constant 0 : i32
      %dma_start3A_377 = arith.constant 0 : i32
      %dma_start3A_378 = arith.constant 0 : i32
      %dma_start3A_379 = tpu.memref_slice %arg4[%add3A_344, %dma_start3A_376, %add3A_366, %dma_start3A_377, %dma_start3A_378] : memref<50x4x128x8x128xf32, #tpu.memory_space<hbm>> -> memref<1x4x1x8x128xf32, #tpu.memory_space<hbm>>
      %dma_start3A_380 = tpu.memref_squeeze %dma_start3A_379 : memref<1x4x1x8x128xf32, #tpu.memory_space<hbm>> -> memref<4x8x128xf32, #tpu.memory_space<hbm>>
      %dma_start3A_381 = arith.constant 0 : i32
      %dma_start3A_382 = arith.constant 0 : i32
      %dma_start3A_383 = arith.constant 0 : i32
      %dma_start3A_384 = tpu.memref_slice %arg14[%dma_start3A_381, %dma_start3A_382, %dma_start3A_383] : memref<4x8x129xf32, #tpu.memory_space<vmem>> -> memref<4x8x128xf32, #tpu.memory_space<vmem>>
      tpu.enqueue_dma source(%dma_start3A_384 : memref<4x8x128xf32, #tpu.memory_space<vmem>>) target(%dma_start3A_380 : memref<4x8x128xf32, #tpu.memory_space<hbm>>) target_semaphore(%arg30 : memref<!tpu.dma_semaphore, #tpu.memory_space<semaphore_mem>>)
      %add3A_385 = arith.constant 0 : i32
      %add3A_386 = arith.addi %mul3A_342, %add3A_385 : i32
      %dma_wait3A_387 = arith.constant 0 : i32
      %dma_wait3A_388 = arith.constant 0 : i32
      %dma_wait3A_389 = tpu.memref_slice %arg5[%dma_wait3A_387, %dma_wait3A_388] : memref<50x512xi32, #tpu.memory_space<vmem>> -> memref<1x128xi32, #tpu.memory_space<vmem>>
      %dma_wait3A_390 = tpu.memref_squeeze %dma_wait3A_389 : memref<1x128xi32, #tpu.memory_space<vmem>> -> memref<128xi32, #tpu.memory_space<vmem>>
      %dma_wait3A_391 = arith.constant 0 : i32
      %dma_wait3A_392 = arith.constant 0 : i32
      %dma_wait3A_393 = tpu.memref_slice %arg3[%dma_wait3A_391, %dma_wait3A_392] : memref<1000000x32xf32, #tpu.memory_space<hbm>> -> memref<1000000x32xf32, #tpu.memory_space<hbm>>
      tpu.wait_indirect_dma semaphore(%arg23 : memref<!tpu.dma_semaphore, #tpu.memory_space<semaphore_mem>>) src(%dma_wait3A_393 : memref<1000000x32xf32, #tpu.memory_space<hbm>>) dst(%arg7 : memref<128x32xf32, #tpu.memory_space<vmem>>)
      %gt3A_394 = arith.constant 0 : i32
      %gt3A_395 = arith.cmpi sgt, %scan3A_340, %gt3A_394 : i32
      %convert_element_type3A_396 = arith.extui %gt3A_395 : i1 to i32
      %cond3A_397 = arith.constant 0 : i32
      %cond3A_398 = arith.cmpi ne, %convert_element_type3A_396, %cond3A_397 : i32
      scf.if %cond3A_398 {
        %dma_wait3A_700 = arith.constant 0 : i32
        %dma_wait3A_701 = arith.constant 0 : i32
        %dma_wait3A_702 = arith.constant 0 : i32
        %dma_wait3A_703 = arith.constant 0 : i32
        %dma_wait3A_704 = arith.constant 0 : i32
        %dma_wait3A_705 = tpu.memref_slice %arg15[%dma_wait3A_702, %dma_wait3A_703, %dma_wait3A_704] : memref<4x8x129xf32, #tpu.memory_space<vmem>> -> memref<4x8x128xf32, #tpu.memory_space<vmem>>
        %dma_wait3A_706 = arith.constant 0 : i32
        %dma_wait3A_707 = arith.constant 0 : i32
        %dma_wait3A_708 = arith.constant 0 : i32
        %dma_wait3A_709 = tpu.memref_slice %arg4[%dma_wait3A_700, %dma_wait3A_706, %dma_wait3A_701, %dma_wait3A_707, %dma_wait3A_708] : memref<50x4x128x8x128xf32, #tpu.memory_space<hbm>> -> memref<1x4x1x8x128xf32, #tpu.memory_space<hbm>>
        %dma_wait3A_710 = tpu.memref_squeeze %dma_wait3A_709 : memref<1x4x1x8x128xf32, #tpu.memory_space<hbm>> -> memref<4x8x128xf32, #tpu.memory_space<hbm>>
        %dma_wait3A_711 = arith.constant 0 : i32
        %dma_wait3A_712 = arith.constant 0 : i32
        %dma_wait3A_713 = arith.constant 0 : i32
        %dma_wait3A_714 = tpu.memref_slice %arg4[%dma_wait3A_700, %dma_wait3A_711, %dma_wait3A_701, %dma_wait3A_712, %dma_wait3A_713] : memref<50x4x128x8x128xf32, #tpu.memory_space<hbm>> -> memref<1x4x1x8x128xf32, #tpu.memory_space<hbm>>
        %dma_wait3A_715 = tpu.memref_squeeze %dma_wait3A_714 : memref<1x4x1x8x128xf32, #tpu.memory_space<hbm>> -> memref<4x8x128xf32, #tpu.memory_space<hbm>>
        %dma_wait3A_716 = arith.constant 0 : i32
        %dma_wait3A_717 = arith.constant 0 : i32
        %dma_wait3A_718 = arith.constant 0 : i32
        %dma_wait3A_719 = tpu.memref_slice %arg15[%dma_wait3A_716, %dma_wait3A_717, %dma_wait3A_718] : memref<4x8x129xf32, #tpu.memory_space<vmem>> -> memref<4x8x128xf32, #tpu.memory_space<vmem>>
        tpu.wait_dma2 semaphore(%arg31 : memref<!tpu.dma_semaphore, #tpu.memory_space<semaphore_mem>>) src(%dma_wait3A_719 : memref<4x8x128xf32, #tpu.memory_space<vmem>>) dst(%dma_wait3A_715 : memref<4x8x128xf32, #tpu.memory_space<hbm>>)
      } else {
      }
      %scan3A_399 = arith.constant 0 : i32
      %scan3A_400 = arith.constant 0 : i32
      %scan3A_401 = arith.constant 32 : i32
      %scan3A_402 = arith.addi %scan3A_400, %scan3A_401 : i32
      %scan3A_403 = arith.constant 1 : i32
      scf.for %scan3A_700 = %scan3A_400 to %scan3A_402 step %scan3A_403  : i32 {
        %mul3A_701 = arith.constant 4 : i32
        %mul3A_702 = arith.muli %scan3A_700, %mul3A_701 : i32
        %add3A_703 = arith.constant 0 : i32
        %add3A_704 = arith.addi %mul3A_702, %add3A_703 : i32
        %broadcast_in_dim3A = vector.broadcast %add3A_704 : i32 to vector<16xi32>
        %get3A = arith.index_cast %add3A_704 : i32 to index
        %get3A_705 = arith.constant 0 : index
        %get3A_706 = tpu.vector_load %arg7[%get3A, %get3A_705] {strides = array<i32>} : memref<128x32xf32, #tpu.memory_space<vmem>>, vector<16xf32>,
        tpu.vector_store_idx %arg15[%select_n3A, %select_n3A_59, %broadcast_in_dim3A], %get3A_706 : memref<4x8x129xf32, #tpu.memory_space<vmem>>[vector<16xi32>, vector<16xi32>, vector<16xi32>], vector<16xf32>,
        %get3A_707 = arith.index_cast %add3A_704 : i32 to index
        %get3A_708 = arith.constant 16 : index
        %get3A_709 = tpu.vector_load %arg7[%get3A_707, %get3A_708] {strides = array<i32>} : memref<128x32xf32, #tpu.memory_space<vmem>>, vector<16xf32>,
        tpu.vector_store_idx %arg15[%select_n3A_93, %select_n3A_118, %broadcast_in_dim3A], %get3A_709 : memref<4x8x129xf32, #tpu.memory_space<vmem>>[vector<16xi32>, vector<16xi32>, vector<16xi32>], vector<16xf32>,
        %mul3A_710 = arith.constant 4 : i32
        %mul3A_711 = arith.muli %scan3A_700, %mul3A_710 : i32
        %add3A_712 = arith.constant 1 : i32
        %add3A_713 = arith.addi %mul3A_711, %add3A_712 : i32
        %broadcast_in_dim3A_714 = vector.broadcast %add3A_713 : i32 to vector<16xi32>
        %get3A_715 = arith.index_cast %add3A_713 : i32 to index
        %get3A_716 = arith.constant 0 : index
        %get3A_717 = tpu.vector_load %arg7[%get3A_715, %get3A_716] {strides = array<i32>} : memref<128x32xf32, #tpu.memory_space<vmem>>, vector<16xf32>,
        tpu.vector_store_idx %arg15[%select_n3A, %select_n3A_59, %broadcast_in_dim3A_714], %get3A_717 : memref<4x8x129xf32, #tpu.memory_space<vmem>>[vector<16xi32>, vector<16xi32>, vector<16xi32>], vector<16xf32>,
        %get3A_718 = arith.index_cast %add3A_713 : i32 to index
        %get3A_719 = arith.constant 16 : index
        %get3A_720 = tpu.vector_load %arg7[%get3A_718, %get3A_719] {strides = array<i32>} : memref<128x32xf32, #tpu.memory_space<vmem>>, vector<16xf32>,
        tpu.vector_store_idx %arg15[%select_n3A_93, %select_n3A_118, %broadcast_in_dim3A_714], %get3A_720 : memref<4x8x129xf32, #tpu.memory_space<vmem>>[vector<16xi32>, vector<16xi32>, vector<16xi32>], vector<16xf32>,
        %mul3A_721 = arith.constant 4 : i32
        %mul3A_722 = arith.muli %scan3A_700, %mul3A_721 : i32
        %add3A_723 = arith.constant 2 : i32
        %add3A_724 = arith.addi %mul3A_722, %add3A_723 : i32
        %broadcast_in_dim3A_725 = vector.broadcast %add3A_724 : i32 to vector<16xi32>
        %get3A_726 = arith.index_cast %add3A_724 : i32 to index
        %get3A_727 = arith.constant 0 : index
        %get3A_728 = tpu.vector_load %arg7[%get3A_726, %get3A_727] {strides = array<i32>} : memref<128x32xf32, #tpu.memory_space<vmem>>, vector<16xf32>,
        tpu.vector_store_idx %arg15[%select_n3A, %select_n3A_59, %broadcast_in_dim3A_725], %get3A_728 : memref<4x8x129xf32, #tpu.memory_space<vmem>>[vector<16xi32>, vector<16xi32>, vector<16xi32>], vector<16xf32>,
        %get3A_729 = arith.index_cast %add3A_724 : i32 to index
        %get3A_730 = arith.constant 16 : index
        %get3A_731 = tpu.vector_load %arg7[%get3A_729, %get3A_730] {strides = array<i32>} : memref<128x32xf32, #tpu.memory_space<vmem>>, vector<16xf32>,
        tpu.vector_store_idx %arg15[%select_n3A_93, %select_n3A_118, %broadcast_in_dim3A_725], %get3A_731 : memref<4x8x129xf32, #tpu.memory_space<vmem>>[vector<16xi32>, vector<16xi32>, vector<16xi32>], vector<16xf32>,
        %mul3A_732 = arith.constant 4 : i32
        %mul3A_733 = arith.muli %scan3A_700, %mul3A_732 : i32
        %add3A_734 = arith.constant 3 : i32
        %add3A_735 = arith.addi %mul3A_733, %add3A_734 : i32
        %broadcast_in_dim3A_736 = vector.broadcast %add3A_735 : i32 to vector<16xi32>
        %get3A_737 = arith.index_cast %add3A_735 : i32 to index
        %get3A_738 = arith.constant 0 : index
        %get3A_739 = tpu.vector_load %arg7[%get3A_737, %get3A_738] {strides = array<i32>} : memref<128x32xf32, #tpu.memory_space<vmem>>, vector<16xf32>,
        tpu.vector_store_idx %arg15[%select_n3A, %select_n3A_59, %broadcast_in_dim3A_736], %get3A_739 : memref<4x8x129xf32, #tpu.memory_space<vmem>>[vector<16xi32>, vector<16xi32>, vector<16xi32>], vector<16xf32>,
        %get3A_740 = arith.index_cast %add3A_735 : i32 to index
        %get3A_741 = arith.constant 16 : index
        %get3A_742 = tpu.vector_load %arg7[%get3A_740, %get3A_741] {strides = array<i32>} : memref<128x32xf32, #tpu.memory_space<vmem>>, vector<16xf32>,
        tpu.vector_store_idx %arg15[%select_n3A_93, %select_n3A_118, %broadcast_in_dim3A_736], %get3A_742 : memref<4x8x129xf32, #tpu.memory_space<vmem>>[vector<16xi32>, vector<16xi32>, vector<16xi32>], vector<16xf32>,
      }
      %scan3A_404 = arith.constant 32 : i32
      %lt3A_405 = arith.constant 48 : i32
      %lt3A_406 = arith.cmpi slt, %add3A_386, %lt3A_405 : i32
      %convert_element_type3A_407 = arith.extui %lt3A_406 : i1 to i32
      %cond3A_408 = arith.constant 0 : i32
      %cond3A_409 = arith.cmpi ne, %convert_element_type3A_407, %cond3A_408 : i32
      scf.if %cond3A_409 {
        %add3A_700 = arith.constant 2 : i32
        %add3A_701 = arith.addi %add3A_386, %add3A_700 : i32
        %dma_start3A_702 = arith.constant 128 : i32
        %dma_start3A_703 = tpu.memref_slice %arg5[%add3A_701, %dma_start3A_702] : memref<50x512xi32, #tpu.memory_space<vmem>> -> memref<1x128xi32, #tpu.memory_space<vmem>>
        %dma_start3A_704 = tpu.memref_squeeze %dma_start3A_703 : memref<1x128xi32, #tpu.memory_space<vmem>> -> memref<128xi32, #tpu.memory_space<vmem>>
        %dma_start3A_705 = arith.constant 0 : i32
        %dma_start3A_706 = arith.constant 0 : i32
        %dma_start3A_707 = tpu.memref_slice %arg3[%dma_start3A_705, %dma_start3A_706] : memref<1000000x32xf32, #tpu.memory_space<hbm>> -> memref<1000000x32xf32, #tpu.memory_space<hbm>>
        tpu.enqueue_indirect_dma source(%dma_start3A_707 : memref<1000000x32xf32, #tpu.memory_space<hbm>>) target(%arg7 : memref<128x32xf32, #tpu.memory_space<vmem>>) offsets(%dma_start3A_704 : memref<128xi32, #tpu.memory_space<vmem>>) semaphore(%arg23 : memref<!tpu.dma_semaphore, #tpu.memory_space<semaphore_mem>>)
      } else {
      }
      %add3A_410 = arith.constant 1 : i32
      %add3A_411 = arith.addi %mul3A_4, %add3A_410 : i32
      %dma_start3A_412 = arith.constant 0 : i32
      %dma_start3A_413 = arith.constant 0 : i32
      %dma_start3A_414 = arith.constant 0 : i32
      %dma_start3A_415 = tpu.memref_slice %arg15[%dma_start3A_412, %dma_start3A_413, %dma_start3A_414] : memref<4x8x129xf32, #tpu.memory_space<vmem>> -> memref<4x8x128xf32, #tpu.memory_space<vmem>>
      %dma_start3A_416 = arith.constant 0 : i32
      %dma_start3A_417 = arith.constant 0 : i32
      %dma_start3A_418 = arith.constant 0 : i32
      %dma_start3A_419 = tpu.memref_slice %arg4[%add3A_386, %dma_start3A_416, %add3A_411, %dma_start3A_417, %dma_start3A_418] : memref<50x4x128x8x128xf32, #tpu.memory_space<hbm>> -> memref<1x4x1x8x128xf32, #tpu.memory_space<hbm>>
      %dma_start3A_420 = tpu.memref_squeeze %dma_start3A_419 : memref<1x4x1x8x128xf32, #tpu.memory_space<hbm>> -> memref<4x8x128xf32, #tpu.memory_space<hbm>>
      %dma_start3A_421 = arith.constant 0 : i32
      %dma_start3A_422 = arith.constant 0 : i32
      %dma_start3A_423 = arith.constant 0 : i32
      %dma_start3A_424 = tpu.memref_slice %arg4[%add3A_386, %dma_start3A_421, %add3A_411, %dma_start3A_422, %dma_start3A_423] : memref<50x4x128x8x128xf32, #tpu.memory_space<hbm>> -> memref<1x4x1x8x128xf32, #tpu.memory_space<hbm>>
      %dma_start3A_425 = tpu.memref_squeeze %dma_start3A_424 : memref<1x4x1x8x128xf32, #tpu.memory_space<hbm>> -> memref<4x8x128xf32, #tpu.memory_space<hbm>>
      %dma_start3A_426 = arith.constant 0 : i32
      %dma_start3A_427 = arith.constant 0 : i32
      %dma_start3A_428 = arith.constant 0 : i32
      %dma_start3A_429 = tpu.memref_slice %arg15[%dma_start3A_426, %dma_start3A_427, %dma_start3A_428] : memref<4x8x129xf32, #tpu.memory_space<vmem>> -> memref<4x8x128xf32, #tpu.memory_space<vmem>>
      tpu.enqueue_dma source(%dma_start3A_429 : memref<4x8x128xf32, #tpu.memory_space<vmem>>) target(%dma_start3A_425 : memref<4x8x128xf32, #tpu.memory_space<hbm>>) target_semaphore(%arg31 : memref<!tpu.dma_semaphore, #tpu.memory_space<semaphore_mem>>)
      %add3A_430 = arith.constant 0 : i32
      %add3A_431 = arith.addi %mul3A_342, %add3A_430 : i32
      %dma_wait3A_432 = arith.constant 0 : i32
      %dma_wait3A_433 = arith.constant 0 : i32
      %dma_wait3A_434 = tpu.memref_slice %arg5[%dma_wait3A_432, %dma_wait3A_433] : memref<50x512xi32, #tpu.memory_space<vmem>> -> memref<1x128xi32, #tpu.memory_space<vmem>>
      %dma_wait3A_435 = tpu.memref_squeeze %dma_wait3A_434 : memref<1x128xi32, #tpu.memory_space<vmem>> -> memref<128xi32, #tpu.memory_space<vmem>>
      %dma_wait3A_436 = arith.constant 0 : i32
      %dma_wait3A_437 = arith.constant 0 : i32
      %dma_wait3A_438 = tpu.memref_slice %arg3[%dma_wait3A_436, %dma_wait3A_437] : memref<1000000x32xf32, #tpu.memory_space<hbm>> -> memref<1000000x32xf32, #tpu.memory_space<hbm>>
      tpu.wait_indirect_dma semaphore(%arg24 : memref<!tpu.dma_semaphore, #tpu.memory_space<semaphore_mem>>) src(%dma_wait3A_438 : memref<1000000x32xf32, #tpu.memory_space<hbm>>) dst(%arg8 : memref<128x32xf32, #tpu.memory_space<vmem>>)
      %gt3A_439 = arith.constant 0 : i32
      %gt3A_440 = arith.cmpi sgt, %scan3A_340, %gt3A_439 : i32
      %convert_element_type3A_441 = arith.extui %gt3A_440 : i1 to i32
      %cond3A_442 = arith.constant 0 : i32
      %cond3A_443 = arith.cmpi ne, %convert_element_type3A_441, %cond3A_442 : i32
      scf.if %cond3A_443 {
        %dma_wait3A_700 = arith.constant 0 : i32
        %dma_wait3A_701 = arith.constant 0 : i32
        %dma_wait3A_702 = arith.constant 0 : i32
        %dma_wait3A_703 = arith.constant 0 : i32
        %dma_wait3A_704 = arith.constant 0 : i32
        %dma_wait3A_705 = tpu.memref_slice %arg16[%dma_wait3A_702, %dma_wait3A_703, %dma_wait3A_704] : memref<4x8x129xf32, #tpu.memory_space<vmem>> -> memref<4x8x128xf32, #tpu.memory_space<vmem>>
        %dma_wait3A_706 = arith.constant 0 : i32
        %dma_wait3A_707 = arith.constant 0 : i32
        %dma_wait3A_708 = arith.constant 0 : i32
        %dma_wait3A_709 = tpu.memref_slice %arg4[%dma_wait3A_700, %dma_wait3A_706, %dma_wait3A_701, %dma_wait3A_707, %dma_wait3A_708] : memref<50x4x128x8x128xf32, #tpu.memory_space<hbm>> -> memref<1x4x1x8x128xf32, #tpu.memory_space<hbm>>
        %dma_wait3A_710 = tpu.memref_squeeze %dma_wait3A_709 : memref<1x4x1x8x128xf32, #tpu.memory_space<hbm>> -> memref<4x8x128xf32, #tpu.memory_space<hbm>>
        %dma_wait3A_711 = arith.constant 0 : i32
        %dma_wait3A_712 = arith.constant 0 : i32
        %dma_wait3A_713 = arith.constant 0 : i32
        %dma_wait3A_714 = tpu.memref_slice %arg4[%dma_wait3A_700, %dma_wait3A_711, %dma_wait3A_701, %dma_wait3A_712, %dma_wait3A_713] : memref<50x4x128x8x128xf32, #tpu.memory_space<hbm>> -> memref<1x4x1x8x128xf32, #tpu.memory_space<hbm>>
        %dma_wait3A_715 = tpu.memref_squeeze %dma_wait3A_714 : memref<1x4x1x8x128xf32, #tpu.memory_space<hbm>> -> memref<4x8x128xf32, #tpu.memory_space<hbm>>
        %dma_wait3A_716 = arith.constant 0 : i32
        %dma_wait3A_717 = arith.constant 0 : i32
        %dma_wait3A_718 = arith.constant 0 : i32
        %dma_wait3A_719 = tpu.memref_slice %arg16[%dma_wait3A_716, %dma_wait3A_717, %dma_wait3A_718] : memref<4x8x129xf32, #tpu.memory_space<vmem>> -> memref<4x8x128xf32, #tpu.memory_space<vmem>>
        tpu.wait_dma2 semaphore(%arg32 : memref<!tpu.dma_semaphore, #tpu.memory_space<semaphore_mem>>) src(%dma_wait3A_719 : memref<4x8x128xf32, #tpu.memory_space<vmem>>) dst(%dma_wait3A_715 : memref<4x8x128xf32, #tpu.memory_space<hbm>>)
      } else {
      }
      %scan3A_444 = arith.constant 0 : i32
      %scan3A_445 = arith.constant 0 : i32
      %scan3A_446 = arith.constant 32 : i32
      %scan3A_447 = arith.addi %scan3A_445, %scan3A_446 : i32
      %scan3A_448 = arith.constant 1 : i32
      scf.for %scan3A_700 = %scan3A_445 to %scan3A_447 step %scan3A_448  : i32 {
        %mul3A_701 = arith.constant 4 : i32
        %mul3A_702 = arith.muli %scan3A_700, %mul3A_701 : i32
        %add3A_703 = arith.constant 0 : i32
        %add3A_704 = arith.addi %mul3A_702, %add3A_703 : i32
        %broadcast_in_dim3A = vector.broadcast %add3A_704 : i32 to vector<16xi32>
        %get3A = arith.index_cast %add3A_704 : i32 to index
        %get3A_705 = arith.constant 0 : index
        %get3A_706 = tpu.vector_load %arg8[%get3A, %get3A_705] {strides = array<i32>} : memref<128x32xf32, #tpu.memory_space<vmem>>, vector<16xf32>,
        tpu.vector_store_idx %arg16[%select_n3A, %select_n3A_59, %broadcast_in_dim3A], %get3A_706 : memref<4x8x129xf32, #tpu.memory_space<vmem>>[vector<16xi32>, vector<16xi32>, vector<16xi32>], vector<16xf32>,
        %get3A_707 = arith.index_cast %add3A_704 : i32 to index
        %get3A_708 = arith.constant 16 : index
        %get3A_709 = tpu.vector_load %arg8[%get3A_707, %get3A_708] {strides = array<i32>} : memref<128x32xf32, #tpu.memory_space<vmem>>, vector<16xf32>,
        tpu.vector_store_idx %arg16[%select_n3A_93, %select_n3A_118, %broadcast_in_dim3A], %get3A_709 : memref<4x8x129xf32, #tpu.memory_space<vmem>>[vector<16xi32>, vector<16xi32>, vector<16xi32>], vector<16xf32>,
        %mul3A_710 = arith.constant 4 : i32
        %mul3A_711 = arith.muli %scan3A_700, %mul3A_710 : i32
        %add3A_712 = arith.constant 1 : i32
        %add3A_713 = arith.addi %mul3A_711, %add3A_712 : i32
        %broadcast_in_dim3A_714 = vector.broadcast %add3A_713 : i32 to vector<16xi32>
        %get3A_715 = arith.index_cast %add3A_713 : i32 to index
        %get3A_716 = arith.constant 0 : index
        %get3A_717 = tpu.vector_load %arg8[%get3A_715, %get3A_716] {strides = array<i32>} : memref<128x32xf32, #tpu.memory_space<vmem>>, vector<16xf32>,
        tpu.vector_store_idx %arg16[%select_n3A, %select_n3A_59, %broadcast_in_dim3A_714], %get3A_717 : memref<4x8x129xf32, #tpu.memory_space<vmem>>[vector<16xi32>, vector<16xi32>, vector<16xi32>], vector<16xf32>,
        %get3A_718 = arith.index_cast %add3A_713 : i32 to index
        %get3A_719 = arith.constant 16 : index
        %get3A_720 = tpu.vector_load %arg8[%get3A_718, %get3A_719] {strides = array<i32>} : memref<128x32xf32, #tpu.memory_space<vmem>>, vector<16xf32>,
        tpu.vector_store_idx %arg16[%select_n3A_93, %select_n3A_118, %broadcast_in_dim3A_714], %get3A_720 : memref<4x8x129xf32, #tpu.memory_space<vmem>>[vector<16xi32>, vector<16xi32>, vector<16xi32>], vector<16xf32>,
        %mul3A_721 = arith.constant 4 : i32
        %mul3A_722 = arith.muli %scan3A_700, %mul3A_721 : i32
        %add3A_723 = arith.constant 2 : i32
        %add3A_724 = arith.addi %mul3A_722, %add3A_723 : i32
        %broadcast_in_dim3A_725 = vector.broadcast %add3A_724 : i32 to vector<16xi32>
        %get3A_726 = arith.index_cast %add3A_724 : i32 to index
        %get3A_727 = arith.constant 0 : index
        %get3A_728 = tpu.vector_load %arg8[%get3A_726, %get3A_727] {strides = array<i32>} : memref<128x32xf32, #tpu.memory_space<vmem>>, vector<16xf32>,
        tpu.vector_store_idx %arg16[%select_n3A, %select_n3A_59, %broadcast_in_dim3A_725], %get3A_728 : memref<4x8x129xf32, #tpu.memory_space<vmem>>[vector<16xi32>, vector<16xi32>, vector<16xi32>], vector<16xf32>,
        %get3A_729 = arith.index_cast %add3A_724 : i32 to index
        %get3A_730 = arith.constant 16 : index
        %get3A_731 = tpu.vector_load %arg8[%get3A_729, %get3A_730] {strides = array<i32>} : memref<128x32xf32, #tpu.memory_space<vmem>>, vector<16xf32>,
        tpu.vector_store_idx %arg16[%select_n3A_93, %select_n3A_118, %broadcast_in_dim3A_725], %get3A_731 : memref<4x8x129xf32, #tpu.memory_space<vmem>>[vector<16xi32>, vector<16xi32>, vector<16xi32>], vector<16xf32>,
        %mul3A_732 = arith.constant 4 : i32
        %mul3A_733 = arith.muli %scan3A_700, %mul3A_732 : i32
        %add3A_734 = arith.constant 3 : i32
        %add3A_735 = arith.addi %mul3A_733, %add3A_734 : i32
        %broadcast_in_dim3A_736 = vector.broadcast %add3A_735 : i32 to vector<16xi32>
        %get3A_737 = arith.index_cast %add3A_735 : i32 to index
        %get3A_738 = arith.constant 0 : index
        %get3A_739 = tpu.vector_load %arg8[%get3A_737, %get3A_738] {strides = array<i32>} : memref<128x32xf32, #tpu.memory_space<vmem>>, vector<16xf32>,
        tpu.vector_store_idx %arg16[%select_n3A, %select_n3A_59, %broadcast_in_dim3A_736], %get3A_739 : memref<4x8x129xf32, #tpu.memory_space<vmem>>[vector<16xi32>, vector<16xi32>, vector<16xi32>], vector<16xf32>,
        %get3A_740 = arith.index_cast %add3A_735 : i32 to index
        %get3A_741 = arith.constant 16 : index
        %get3A_742 = tpu.vector_load %arg8[%get3A_740, %get3A_741] {strides = array<i32>} : memref<128x32xf32, #tpu.memory_space<vmem>>, vector<16xf32>,
        tpu.vector_store_idx %arg16[%select_n3A_93, %select_n3A_118, %broadcast_in_dim3A_736], %get3A_742 : memref<4x8x129xf32, #tpu.memory_space<vmem>>[vector<16xi32>, vector<16xi32>, vector<16xi32>], vector<16xf32>,
      }
      %scan3A_449 = arith.constant 32 : i32
      %lt3A_450 = arith.constant 48 : i32
      %lt3A_451 = arith.cmpi slt, %add3A_431, %lt3A_450 : i32
      %convert_element_type3A_452 = arith.extui %lt3A_451 : i1 to i32
      %cond3A_453 = arith.constant 0 : i32
      %cond3A_454 = arith.cmpi ne, %convert_element_type3A_452, %cond3A_453 : i32
      scf.if %cond3A_454 {
        %add3A_700 = arith.constant 2 : i32
        %add3A_701 = arith.addi %add3A_431, %add3A_700 : i32
        %dma_start3A_702 = arith.constant 256 : i32
        %dma_start3A_703 = tpu.memref_slice %arg5[%add3A_701, %dma_start3A_702] : memref<50x512xi32, #tpu.memory_space<vmem>> -> memref<1x128xi32, #tpu.memory_space<vmem>>
        %dma_start3A_704 = tpu.memref_squeeze %dma_start3A_703 : memref<1x128xi32, #tpu.memory_space<vmem>> -> memref<128xi32, #tpu.memory_space<vmem>>
        %dma_start3A_705 = arith.constant 0 : i32
        %dma_start3A_706 = arith.constant 0 : i32
        %dma_start3A_707 = tpu.memref_slice %arg3[%dma_start3A_705, %dma_start3A_706] : memref<1000000x32xf32, #tpu.memory_space<hbm>> -> memref<1000000x32xf32, #tpu.memory_space<hbm>>
        tpu.enqueue_indirect_dma source(%dma_start3A_707 : memref<1000000x32xf32, #tpu.memory_space<hbm>>) target(%arg8 : memref<128x32xf32, #tpu.memory_space<vmem>>) offsets(%dma_start3A_704 : memref<128xi32, #tpu.memory_space<vmem>>) semaphore(%arg24 : memref<!tpu.dma_semaphore, #tpu.memory_space<semaphore_mem>>)
      } else {
      }
      %add3A_455 = arith.constant 2 : i32
      %add3A_456 = arith.addi %mul3A_4, %add3A_455 : i32
      %dma_start3A_457 = arith.constant 0 : i32
      %dma_start3A_458 = arith.constant 0 : i32
      %dma_start3A_459 = arith.constant 0 : i32
      %dma_start3A_460 = tpu.memref_slice %arg16[%dma_start3A_457, %dma_start3A_458, %dma_start3A_459] : memref<4x8x129xf32, #tpu.memory_space<vmem>> -> memref<4x8x128xf32, #tpu.memory_space<vmem>>
      %dma_start3A_461 = arith.constant 0 : i32
      %dma_start3A_462 = arith.constant 0 : i32
      %dma_start3A_463 = arith.constant 0 : i32
      %dma_start3A_464 = tpu.memref_slice %arg4[%add3A_431, %dma_start3A_461, %add3A_456, %dma_start3A_462, %dma_start3A_463] : memref<50x4x128x8x128xf32, #tpu.memory_space<hbm>> -> memref<1x4x1x8x128xf32, #tpu.memory_space<hbm>>
      %dma_start3A_465 = tpu.memref_squeeze %dma_start3A_464 : memref<1x4x1x8x128xf32, #tpu.memory_space<hbm>> -> memref<4x8x128xf32, #tpu.memory_space<hbm>>
      %dma_start3A_466 = arith.constant 0 : i32
      %dma_start3A_467 = arith.constant 0 : i32
      %dma_start3A_468 = arith.constant 0 : i32
      %dma_start3A_469 = tpu.memref_slice %arg4[%add3A_431, %dma_start3A_466, %add3A_456, %dma_start3A_467, %dma_start3A_468] : memref<50x4x128x8x128xf32, #tpu.memory_space<hbm>> -> memref<1x4x1x8x128xf32, #tpu.memory_space<hbm>>
      %dma_start3A_470 = tpu.memref_squeeze %dma_start3A_469 : memref<1x4x1x8x128xf32, #tpu.memory_space<hbm>> -> memref<4x8x128xf32, #tpu.memory_space<hbm>>
      %dma_start3A_471 = arith.constant 0 : i32
      %dma_start3A_472 = arith.constant 0 : i32
      %dma_start3A_473 = arith.constant 0 : i32
      %dma_start3A_474 = tpu.memref_slice %arg16[%dma_start3A_471, %dma_start3A_472, %dma_start3A_473] : memref<4x8x129xf32, #tpu.memory_space<vmem>> -> memref<4x8x128xf32, #tpu.memory_space<vmem>>
      tpu.enqueue_dma source(%dma_start3A_474 : memref<4x8x128xf32, #tpu.memory_space<vmem>>) target(%dma_start3A_470 : memref<4x8x128xf32, #tpu.memory_space<hbm>>) target_semaphore(%arg32 : memref<!tpu.dma_semaphore, #tpu.memory_space<semaphore_mem>>)
      %add3A_475 = arith.constant 0 : i32
      %add3A_476 = arith.addi %mul3A_342, %add3A_475 : i32
      %dma_wait3A_477 = arith.constant 0 : i32
      %dma_wait3A_478 = arith.constant 0 : i32
      %dma_wait3A_479 = tpu.memref_slice %arg5[%dma_wait3A_477, %dma_wait3A_478] : memref<50x512xi32, #tpu.memory_space<vmem>> -> memref<1x128xi32, #tpu.memory_space<vmem>>
      %dma_wait3A_480 = tpu.memref_squeeze %dma_wait3A_479 : memref<1x128xi32, #tpu.memory_space<vmem>> -> memref<128xi32, #tpu.memory_space<vmem>>
      %dma_wait3A_481 = arith.constant 0 : i32
      %dma_wait3A_482 = arith.constant 0 : i32
      %dma_wait3A_483 = tpu.memref_slice %arg3[%dma_wait3A_481, %dma_wait3A_482] : memref<1000000x32xf32, #tpu.memory_space<hbm>> -> memref<1000000x32xf32, #tpu.memory_space<hbm>>
      tpu.wait_indirect_dma semaphore(%arg25 : memref<!tpu.dma_semaphore, #tpu.memory_space<semaphore_mem>>) src(%dma_wait3A_483 : memref<1000000x32xf32, #tpu.memory_space<hbm>>) dst(%arg9 : memref<128x32xf32, #tpu.memory_space<vmem>>)
      %gt3A_484 = arith.constant 0 : i32
      %gt3A_485 = arith.cmpi sgt, %scan3A_340, %gt3A_484 : i32
      %convert_element_type3A_486 = arith.extui %gt3A_485 : i1 to i32
      %cond3A_487 = arith.constant 0 : i32
      %cond3A_488 = arith.cmpi ne, %convert_element_type3A_486, %cond3A_487 : i32
      scf.if %cond3A_488 {
        %dma_wait3A_700 = arith.constant 0 : i32
        %dma_wait3A_701 = arith.constant 0 : i32
        %dma_wait3A_702 = arith.constant 0 : i32
        %dma_wait3A_703 = arith.constant 0 : i32
        %dma_wait3A_704 = arith.constant 0 : i32
        %dma_wait3A_705 = tpu.memref_slice %arg17[%dma_wait3A_702, %dma_wait3A_703, %dma_wait3A_704] : memref<4x8x129xf32, #tpu.memory_space<vmem>> -> memref<4x8x128xf32, #tpu.memory_space<vmem>>
        %dma_wait3A_706 = arith.constant 0 : i32
        %dma_wait3A_707 = arith.constant 0 : i32
        %dma_wait3A_708 = arith.constant 0 : i32
        %dma_wait3A_709 = tpu.memref_slice %arg4[%dma_wait3A_700, %dma_wait3A_706, %dma_wait3A_701, %dma_wait3A_707, %dma_wait3A_708] : memref<50x4x128x8x128xf32, #tpu.memory_space<hbm>> -> memref<1x4x1x8x128xf32, #tpu.memory_space<hbm>>
        %dma_wait3A_710 = tpu.memref_squeeze %dma_wait3A_709 : memref<1x4x1x8x128xf32, #tpu.memory_space<hbm>> -> memref<4x8x128xf32, #tpu.memory_space<hbm>>
        %dma_wait3A_711 = arith.constant 0 : i32
        %dma_wait3A_712 = arith.constant 0 : i32
        %dma_wait3A_713 = arith.constant 0 : i32
        %dma_wait3A_714 = tpu.memref_slice %arg4[%dma_wait3A_700, %dma_wait3A_711, %dma_wait3A_701, %dma_wait3A_712, %dma_wait3A_713] : memref<50x4x128x8x128xf32, #tpu.memory_space<hbm>> -> memref<1x4x1x8x128xf32, #tpu.memory_space<hbm>>
        %dma_wait3A_715 = tpu.memref_squeeze %dma_wait3A_714 : memref<1x4x1x8x128xf32, #tpu.memory_space<hbm>> -> memref<4x8x128xf32, #tpu.memory_space<hbm>>
        %dma_wait3A_716 = arith.constant 0 : i32
        %dma_wait3A_717 = arith.constant 0 : i32
        %dma_wait3A_718 = arith.constant 0 : i32
        %dma_wait3A_719 = tpu.memref_slice %arg17[%dma_wait3A_716, %dma_wait3A_717, %dma_wait3A_718] : memref<4x8x129xf32, #tpu.memory_space<vmem>> -> memref<4x8x128xf32, #tpu.memory_space<vmem>>
        tpu.wait_dma2 semaphore(%arg33 : memref<!tpu.dma_semaphore, #tpu.memory_space<semaphore_mem>>) src(%dma_wait3A_719 : memref<4x8x128xf32, #tpu.memory_space<vmem>>) dst(%dma_wait3A_715 : memref<4x8x128xf32, #tpu.memory_space<hbm>>)
      } else {
      }
      %scan3A_489 = arith.constant 0 : i32
      %scan3A_490 = arith.constant 0 : i32
      %scan3A_491 = arith.constant 32 : i32
      %scan3A_492 = arith.addi %scan3A_490, %scan3A_491 : i32
      %scan3A_493 = arith.constant 1 : i32
      scf.for %scan3A_700 = %scan3A_490 to %scan3A_492 step %scan3A_493  : i32 {
        %mul3A_701 = arith.constant 4 : i32
        %mul3A_702 = arith.muli %scan3A_700, %mul3A_701 : i32
        %add3A_703 = arith.constant 0 : i32
        %add3A_704 = arith.addi %mul3A_702, %add3A_703 : i32
        %broadcast_in_dim3A = vector.broadcast %add3A_704 : i32 to vector<16xi32>
        %get3A = arith.index_cast %add3A_704 : i32 to index
        %get3A_705 = arith.constant 0 : index
        %get3A_706 = tpu.vector_load %arg9[%get3A, %get3A_705] {strides = array<i32>} : memref<128x32xf32, #tpu.memory_space<vmem>>, vector<16xf32>,
        tpu.vector_store_idx %arg17[%select_n3A, %select_n3A_59, %broadcast_in_dim3A], %get3A_706 : memref<4x8x129xf32, #tpu.memory_space<vmem>>[vector<16xi32>, vector<16xi32>, vector<16xi32>], vector<16xf32>,
        %get3A_707 = arith.index_cast %add3A_704 : i32 to index
        %get3A_708 = arith.constant 16 : index
        %get3A_709 = tpu.vector_load %arg9[%get3A_707, %get3A_708] {strides = array<i32>} : memref<128x32xf32, #tpu.memory_space<vmem>>, vector<16xf32>,
        tpu.vector_store_idx %arg17[%select_n3A_93, %select_n3A_118, %broadcast_in_dim3A], %get3A_709 : memref<4x8x129xf32, #tpu.memory_space<vmem>>[vector<16xi32>, vector<16xi32>, vector<16xi32>], vector<16xf32>,
        %mul3A_710 = arith.constant 4 : i32
        %mul3A_711 = arith.muli %scan3A_700, %mul3A_710 : i32
        %add3A_712 = arith.constant 1 : i32
        %add3A_713 = arith.addi %mul3A_711, %add3A_712 : i32
        %broadcast_in_dim3A_714 = vector.broadcast %add3A_713 : i32 to vector<16xi32>
        %get3A_715 = arith.index_cast %add3A_713 : i32 to index
        %get3A_716 = arith.constant 0 : index
        %get3A_717 = tpu.vector_load %arg9[%get3A_715, %get3A_716] {strides = array<i32>} : memref<128x32xf32, #tpu.memory_space<vmem>>, vector<16xf32>,
        tpu.vector_store_idx %arg17[%select_n3A, %select_n3A_59, %broadcast_in_dim3A_714], %get3A_717 : memref<4x8x129xf32, #tpu.memory_space<vmem>>[vector<16xi32>, vector<16xi32>, vector<16xi32>], vector<16xf32>,
        %get3A_718 = arith.index_cast %add3A_713 : i32 to index
        %get3A_719 = arith.constant 16 : index
        %get3A_720 = tpu.vector_load %arg9[%get3A_718, %get3A_719] {strides = array<i32>} : memref<128x32xf32, #tpu.memory_space<vmem>>, vector<16xf32>,
        tpu.vector_store_idx %arg17[%select_n3A_93, %select_n3A_118, %broadcast_in_dim3A_714], %get3A_720 : memref<4x8x129xf32, #tpu.memory_space<vmem>>[vector<16xi32>, vector<16xi32>, vector<16xi32>], vector<16xf32>,
        %mul3A_721 = arith.constant 4 : i32
        %mul3A_722 = arith.muli %scan3A_700, %mul3A_721 : i32
        %add3A_723 = arith.constant 2 : i32
        %add3A_724 = arith.addi %mul3A_722, %add3A_723 : i32
        %broadcast_in_dim3A_725 = vector.broadcast %add3A_724 : i32 to vector<16xi32>
        %get3A_726 = arith.index_cast %add3A_724 : i32 to index
        %get3A_727 = arith.constant 0 : index
        %get3A_728 = tpu.vector_load %arg9[%get3A_726, %get3A_727] {strides = array<i32>} : memref<128x32xf32, #tpu.memory_space<vmem>>, vector<16xf32>,
        tpu.vector_store_idx %arg17[%select_n3A, %select_n3A_59, %broadcast_in_dim3A_725], %get3A_728 : memref<4x8x129xf32, #tpu.memory_space<vmem>>[vector<16xi32>, vector<16xi32>, vector<16xi32>], vector<16xf32>,
        %get3A_729 = arith.index_cast %add3A_724 : i32 to index
        %get3A_730 = arith.constant 16 : index
        %get3A_731 = tpu.vector_load %arg9[%get3A_729, %get3A_730] {strides = array<i32>} : memref<128x32xf32, #tpu.memory_space<vmem>>, vector<16xf32>,
        tpu.vector_store_idx %arg17[%select_n3A_93, %select_n3A_118, %broadcast_in_dim3A_725], %get3A_731 : memref<4x8x129xf32, #tpu.memory_space<vmem>>[vector<16xi32>, vector<16xi32>, vector<16xi32>], vector<16xf32>,
        %mul3A_732 = arith.constant 4 : i32
        %mul3A_733 = arith.muli %scan3A_700, %mul3A_732 : i32
        %add3A_734 = arith.constant 3 : i32
        %add3A_735 = arith.addi %mul3A_733, %add3A_734 : i32
        %broadcast_in_dim3A_736 = vector.broadcast %add3A_735 : i32 to vector<16xi32>
        %get3A_737 = arith.index_cast %add3A_735 : i32 to index
        %get3A_738 = arith.constant 0 : index
        %get3A_739 = tpu.vector_load %arg9[%get3A_737, %get3A_738] {strides = array<i32>} : memref<128x32xf32, #tpu.memory_space<vmem>>, vector<16xf32>,
        tpu.vector_store_idx %arg17[%select_n3A, %select_n3A_59, %broadcast_in_dim3A_736], %get3A_739 : memref<4x8x129xf32, #tpu.memory_space<vmem>>[vector<16xi32>, vector<16xi32>, vector<16xi32>], vector<16xf32>,
        %get3A_740 = arith.index_cast %add3A_735 : i32 to index
        %get3A_741 = arith.constant 16 : index
        %get3A_742 = tpu.vector_load %arg9[%get3A_740, %get3A_741] {strides = array<i32>} : memref<128x32xf32, #tpu.memory_space<vmem>>, vector<16xf32>,
        tpu.vector_store_idx %arg17[%select_n3A_93, %select_n3A_118, %broadcast_in_dim3A_736], %get3A_742 : memref<4x8x129xf32, #tpu.memory_space<vmem>>[vector<16xi32>, vector<16xi32>, vector<16xi32>], vector<16xf32>,
      }
      %scan3A_494 = arith.constant 32 : i32
      %lt3A_495 = arith.constant 48 : i32
      %lt3A_496 = arith.cmpi slt, %add3A_476, %lt3A_495 : i32
      %convert_element_type3A_497 = arith.extui %lt3A_496 : i1 to i32
      %cond3A_498 = arith.constant 0 : i32
      %cond3A_499 = arith.cmpi ne, %convert_element_type3A_497, %cond3A_498 : i32
      scf.if %cond3A_499 {
        %add3A_700 = arith.constant 2 : i32
        %add3A_701 = arith.addi %add3A_476, %add3A_700 : i32
        %dma_start3A_702 = arith.constant 384 : i32
        %dma_start3A_703 = tpu.memref_slice %arg5[%add3A_701, %dma_start3A_702] : memref<50x512xi32, #tpu.memory_space<vmem>> -> memref<1x128xi32, #tpu.memory_space<vmem>>
        %dma_start3A_704 = tpu.memref_squeeze %dma_start3A_703 : memref<1x128xi32, #tpu.memory_space<vmem>> -> memref<128xi32, #tpu.memory_space<vmem>>
        %dma_start3A_705 = arith.constant 0 : i32
        %dma_start3A_706 = arith.constant 0 : i32
        %dma_start3A_707 = tpu.memref_slice %arg3[%dma_start3A_705, %dma_start3A_706] : memref<1000000x32xf32, #tpu.memory_space<hbm>> -> memref<1000000x32xf32, #tpu.memory_space<hbm>>
        tpu.enqueue_indirect_dma source(%dma_start3A_707 : memref<1000000x32xf32, #tpu.memory_space<hbm>>) target(%arg9 : memref<128x32xf32, #tpu.memory_space<vmem>>) offsets(%dma_start3A_704 : memref<128xi32, #tpu.memory_space<vmem>>) semaphore(%arg25 : memref<!tpu.dma_semaphore, #tpu.memory_space<semaphore_mem>>)
      } else {
      }
      %add3A_500 = arith.constant 3 : i32
      %add3A_501 = arith.addi %mul3A_4, %add3A_500 : i32
      %dma_start3A_502 = arith.constant 0 : i32
      %dma_start3A_503 = arith.constant 0 : i32
      %dma_start3A_504 = arith.constant 0 : i32
      %dma_start3A_505 = tpu.memref_slice %arg17[%dma_start3A_502, %dma_start3A_503, %dma_start3A_504] : memref<4x8x129xf32, #tpu.memory_space<vmem>> -> memref<4x8x128xf32, #tpu.memory_space<vmem>>
      %dma_start3A_506 = arith.constant 0 : i32
      %dma_start3A_507 = arith.constant 0 : i32
      %dma_start3A_508 = arith.constant 0 : i32
      %dma_start3A_509 = tpu.memref_slice %arg4[%add3A_476, %dma_start3A_506, %add3A_501, %dma_start3A_507, %dma_start3A_508] : memref<50x4x128x8x128xf32, #tpu.memory_space<hbm>> -> memref<1x4x1x8x128xf32, #tpu.memory_space<hbm>>
      %dma_start3A_510 = tpu.memref_squeeze %dma_start3A_509 : memref<1x4x1x8x128xf32, #tpu.memory_space<hbm>> -> memref<4x8x128xf32, #tpu.memory_space<hbm>>
      %dma_start3A_511 = arith.constant 0 : i32
      %dma_start3A_512 = arith.constant 0 : i32
      %dma_start3A_513 = arith.constant 0 : i32
      %dma_start3A_514 = tpu.memref_slice %arg4[%add3A_476, %dma_start3A_511, %add3A_501, %dma_start3A_512, %dma_start3A_513] : memref<50x4x128x8x128xf32, #tpu.memory_space<hbm>> -> memref<1x4x1x8x128xf32, #tpu.memory_space<hbm>>
      %dma_start3A_515 = tpu.memref_squeeze %dma_start3A_514 : memref<1x4x1x8x128xf32, #tpu.memory_space<hbm>> -> memref<4x8x128xf32, #tpu.memory_space<hbm>>
      %dma_start3A_516 = arith.constant 0 : i32
      %dma_start3A_517 = arith.constant 0 : i32
      %dma_start3A_518 = arith.constant 0 : i32
      %dma_start3A_519 = tpu.memref_slice %arg17[%dma_start3A_516, %dma_start3A_517, %dma_start3A_518] : memref<4x8x129xf32, #tpu.memory_space<vmem>> -> memref<4x8x128xf32, #tpu.memory_space<vmem>>
      tpu.enqueue_dma source(%dma_start3A_519 : memref<4x8x128xf32, #tpu.memory_space<vmem>>) target(%dma_start3A_515 : memref<4x8x128xf32, #tpu.memory_space<hbm>>) target_semaphore(%arg33 : memref<!tpu.dma_semaphore, #tpu.memory_space<semaphore_mem>>)
      %add3A_520 = arith.constant 1 : i32
      %add3A_521 = arith.addi %mul3A_342, %add3A_520 : i32
      %dma_wait3A_522 = arith.constant 0 : i32
      %dma_wait3A_523 = arith.constant 0 : i32
      %dma_wait3A_524 = tpu.memref_slice %arg5[%dma_wait3A_522, %dma_wait3A_523] : memref<50x512xi32, #tpu.memory_space<vmem>> -> memref<1x128xi32, #tpu.memory_space<vmem>>
      %dma_wait3A_525 = tpu.memref_squeeze %dma_wait3A_524 : memref<1x128xi32, #tpu.memory_space<vmem>> -> memref<128xi32, #tpu.memory_space<vmem>>
      %dma_wait3A_526 = arith.constant 0 : i32
      %dma_wait3A_527 = arith.constant 0 : i32
      %dma_wait3A_528 = tpu.memref_slice %arg3[%dma_wait3A_526, %dma_wait3A_527] : memref<1000000x32xf32, #tpu.memory_space<hbm>> -> memref<1000000x32xf32, #tpu.memory_space<hbm>>
      tpu.wait_indirect_dma semaphore(%arg26 : memref<!tpu.dma_semaphore, #tpu.memory_space<semaphore_mem>>) src(%dma_wait3A_528 : memref<1000000x32xf32, #tpu.memory_space<hbm>>) dst(%arg10 : memref<128x32xf32, #tpu.memory_space<vmem>>)
      %gt3A_529 = arith.constant 0 : i32
      %gt3A_530 = arith.cmpi sgt, %scan3A_340, %gt3A_529 : i32
      %convert_element_type3A_531 = arith.extui %gt3A_530 : i1 to i32
      %cond3A_532 = arith.constant 0 : i32
      %cond3A_533 = arith.cmpi ne, %convert_element_type3A_531, %cond3A_532 : i32
      scf.if %cond3A_533 {
        %dma_wait3A_700 = arith.constant 0 : i32
        %dma_wait3A_701 = arith.constant 0 : i32
        %dma_wait3A_702 = arith.constant 0 : i32
        %dma_wait3A_703 = arith.constant 0 : i32
        %dma_wait3A_704 = arith.constant 0 : i32
        %dma_wait3A_705 = tpu.memref_slice %arg18[%dma_wait3A_702, %dma_wait3A_703, %dma_wait3A_704] : memref<4x8x129xf32, #tpu.memory_space<vmem>> -> memref<4x8x128xf32, #tpu.memory_space<vmem>>
        %dma_wait3A_706 = arith.constant 0 : i32
        %dma_wait3A_707 = arith.constant 0 : i32
        %dma_wait3A_708 = arith.constant 0 : i32
        %dma_wait3A_709 = tpu.memref_slice %arg4[%dma_wait3A_700, %dma_wait3A_706, %dma_wait3A_701, %dma_wait3A_707, %dma_wait3A_708] : memref<50x4x128x8x128xf32, #tpu.memory_space<hbm>> -> memref<1x4x1x8x128xf32, #tpu.memory_space<hbm>>
        %dma_wait3A_710 = tpu.memref_squeeze %dma_wait3A_709 : memref<1x4x1x8x128xf32, #tpu.memory_space<hbm>> -> memref<4x8x128xf32, #tpu.memory_space<hbm>>
        %dma_wait3A_711 = arith.constant 0 : i32
        %dma_wait3A_712 = arith.constant 0 : i32
        %dma_wait3A_713 = arith.constant 0 : i32
        %dma_wait3A_714 = tpu.memref_slice %arg4[%dma_wait3A_700, %dma_wait3A_711, %dma_wait3A_701, %dma_wait3A_712, %dma_wait3A_713] : memref<50x4x128x8x128xf32, #tpu.memory_space<hbm>> -> memref<1x4x1x8x128xf32, #tpu.memory_space<hbm>>
        %dma_wait3A_715 = tpu.memref_squeeze %dma_wait3A_714 : memref<1x4x1x8x128xf32, #tpu.memory_space<hbm>> -> memref<4x8x128xf32, #tpu.memory_space<hbm>>
        %dma_wait3A_716 = arith.constant 0 : i32
        %dma_wait3A_717 = arith.constant 0 : i32
        %dma_wait3A_718 = arith.constant 0 : i32
        %dma_wait3A_719 = tpu.memref_slice %arg18[%dma_wait3A_716, %dma_wait3A_717, %dma_wait3A_718] : memref<4x8x129xf32, #tpu.memory_space<vmem>> -> memref<4x8x128xf32, #tpu.memory_space<vmem>>
        tpu.wait_dma2 semaphore(%arg34 : memref<!tpu.dma_semaphore, #tpu.memory_space<semaphore_mem>>) src(%dma_wait3A_719 : memref<4x8x128xf32, #tpu.memory_space<vmem>>) dst(%dma_wait3A_715 : memref<4x8x128xf32, #tpu.memory_space<hbm>>)
      } else {
      }
      %scan3A_534 = arith.constant 0 : i32
      %scan3A_535 = arith.constant 0 : i32
      %scan3A_536 = arith.constant 32 : i32
      %scan3A_537 = arith.addi %scan3A_535, %scan3A_536 : i32
      %scan3A_538 = arith.constant 1 : i32
      scf.for %scan3A_700 = %scan3A_535 to %scan3A_537 step %scan3A_538  : i32 {
        %mul3A_701 = arith.constant 4 : i32
        %mul3A_702 = arith.muli %scan3A_700, %mul3A_701 : i32
        %add3A_703 = arith.constant 0 : i32
        %add3A_704 = arith.addi %mul3A_702, %add3A_703 : i32
        %broadcast_in_dim3A = vector.broadcast %add3A_704 : i32 to vector<16xi32>
        %get3A = arith.index_cast %add3A_704 : i32 to index
        %get3A_705 = arith.constant 0 : index
        %get3A_706 = tpu.vector_load %arg10[%get3A, %get3A_705] {strides = array<i32>} : memref<128x32xf32, #tpu.memory_space<vmem>>, vector<16xf32>,
        tpu.vector_store_idx %arg18[%select_n3A, %select_n3A_59, %broadcast_in_dim3A], %get3A_706 : memref<4x8x129xf32, #tpu.memory_space<vmem>>[vector<16xi32>, vector<16xi32>, vector<16xi32>], vector<16xf32>,
        %get3A_707 = arith.index_cast %add3A_704 : i32 to index
        %get3A_708 = arith.constant 16 : index
        %get3A_709 = tpu.vector_load %arg10[%get3A_707, %get3A_708] {strides = array<i32>} : memref<128x32xf32, #tpu.memory_space<vmem>>, vector<16xf32>,
        tpu.vector_store_idx %arg18[%select_n3A_93, %select_n3A_118, %broadcast_in_dim3A], %get3A_709 : memref<4x8x129xf32, #tpu.memory_space<vmem>>[vector<16xi32>, vector<16xi32>, vector<16xi32>], vector<16xf32>,
        %mul3A_710 = arith.constant 4 : i32
        %mul3A_711 = arith.muli %scan3A_700, %mul3A_710 : i32
        %add3A_712 = arith.constant 1 : i32
        %add3A_713 = arith.addi %mul3A_711, %add3A_712 : i32
        %broadcast_in_dim3A_714 = vector.broadcast %add3A_713 : i32 to vector<16xi32>
        %get3A_715 = arith.index_cast %add3A_713 : i32 to index
        %get3A_716 = arith.constant 0 : index
        %get3A_717 = tpu.vector_load %arg10[%get3A_715, %get3A_716] {strides = array<i32>} : memref<128x32xf32, #tpu.memory_space<vmem>>, vector<16xf32>,
        tpu.vector_store_idx %arg18[%select_n3A, %select_n3A_59, %broadcast_in_dim3A_714], %get3A_717 : memref<4x8x129xf32, #tpu.memory_space<vmem>>[vector<16xi32>, vector<16xi32>, vector<16xi32>], vector<16xf32>,
        %get3A_718 = arith.index_cast %add3A_713 : i32 to index
        %get3A_719 = arith.constant 16 : index
        %get3A_720 = tpu.vector_load %arg10[%get3A_718, %get3A_719] {strides = array<i32>} : memref<128x32xf32, #tpu.memory_space<vmem>>, vector<16xf32>,
        tpu.vector_store_idx %arg18[%select_n3A_93, %select_n3A_118, %broadcast_in_dim3A_714], %get3A_720 : memref<4x8x129xf32, #tpu.memory_space<vmem>>[vector<16xi32>, vector<16xi32>, vector<16xi32>], vector<16xf32>,
        %mul3A_721 = arith.constant 4 : i32
        %mul3A_722 = arith.muli %scan3A_700, %mul3A_721 : i32
        %add3A_723 = arith.constant 2 : i32
        %add3A_724 = arith.addi %mul3A_722, %add3A_723 : i32
        %broadcast_in_dim3A_725 = vector.broadcast %add3A_724 : i32 to vector<16xi32>
        %get3A_726 = arith.index_cast %add3A_724 : i32 to index
        %get3A_727 = arith.constant 0 : index
        %get3A_728 = tpu.vector_load %arg10[%get3A_726, %get3A_727] {strides = array<i32>} : memref<128x32xf32, #tpu.memory_space<vmem>>, vector<16xf32>,
        tpu.vector_store_idx %arg18[%select_n3A, %select_n3A_59, %broadcast_in_dim3A_725], %get3A_728 : memref<4x8x129xf32, #tpu.memory_space<vmem>>[vector<16xi32>, vector<16xi32>, vector<16xi32>], vector<16xf32>,
        %get3A_729 = arith.index_cast %add3A_724 : i32 to index
        %get3A_730 = arith.constant 16 : index
        %get3A_731 = tpu.vector_load %arg10[%get3A_729, %get3A_730] {strides = array<i32>} : memref<128x32xf32, #tpu.memory_space<vmem>>, vector<16xf32>,
        tpu.vector_store_idx %arg18[%select_n3A_93, %select_n3A_118, %broadcast_in_dim3A_725], %get3A_731 : memref<4x8x129xf32, #tpu.memory_space<vmem>>[vector<16xi32>, vector<16xi32>, vector<16xi32>], vector<16xf32>,
        %mul3A_732 = arith.constant 4 : i32
        %mul3A_733 = arith.muli %scan3A_700, %mul3A_732 : i32
        %add3A_734 = arith.constant 3 : i32
        %add3A_735 = arith.addi %mul3A_733, %add3A_734 : i32
        %broadcast_in_dim3A_736 = vector.broadcast %add3A_735 : i32 to vector<16xi32>
        %get3A_737 = arith.index_cast %add3A_735 : i32 to index
        %get3A_738 = arith.constant 0 : index
        %get3A_739 = tpu.vector_load %arg10[%get3A_737, %get3A_738] {strides = array<i32>} : memref<128x32xf32, #tpu.memory_space<vmem>>, vector<16xf32>,
        tpu.vector_store_idx %arg18[%select_n3A, %select_n3A_59, %broadcast_in_dim3A_736], %get3A_739 : memref<4x8x129xf32, #tpu.memory_space<vmem>>[vector<16xi32>, vector<16xi32>, vector<16xi32>], vector<16xf32>,
        %get3A_740 = arith.index_cast %add3A_735 : i32 to index
        %get3A_741 = arith.constant 16 : index
        %get3A_742 = tpu.vector_load %arg10[%get3A_740, %get3A_741] {strides = array<i32>} : memref<128x32xf32, #tpu.memory_space<vmem>>, vector<16xf32>,
        tpu.vector_store_idx %arg18[%select_n3A_93, %select_n3A_118, %broadcast_in_dim3A_736], %get3A_742 : memref<4x8x129xf32, #tpu.memory_space<vmem>>[vector<16xi32>, vector<16xi32>, vector<16xi32>], vector<16xf32>,
      }
      %scan3A_539 = arith.constant 32 : i32
      %lt3A_540 = arith.constant 48 : i32
      %lt3A_541 = arith.cmpi slt, %add3A_521, %lt3A_540 : i32
      %convert_element_type3A_542 = arith.extui %lt3A_541 : i1 to i32
      %cond3A_543 = arith.constant 0 : i32
      %cond3A_544 = arith.cmpi ne, %convert_element_type3A_542, %cond3A_543 : i32
      scf.if %cond3A_544 {
        %add3A_700 = arith.constant 2 : i32
        %add3A_701 = arith.addi %add3A_521, %add3A_700 : i32
        %dma_start3A_702 = arith.constant 0 : i32
        %dma_start3A_703 = tpu.memref_slice %arg5[%add3A_701, %dma_start3A_702] : memref<50x512xi32, #tpu.memory_space<vmem>> -> memref<1x128xi32, #tpu.memory_space<vmem>>
        %dma_start3A_704 = tpu.memref_squeeze %dma_start3A_703 : memref<1x128xi32, #tpu.memory_space<vmem>> -> memref<128xi32, #tpu.memory_space<vmem>>
        %dma_start3A_705 = arith.constant 0 : i32
        %dma_start3A_706 = arith.constant 0 : i32
        %dma_start3A_707 = tpu.memref_slice %arg3[%dma_start3A_705, %dma_start3A_706] : memref<1000000x32xf32, #tpu.memory_space<hbm>> -> memref<1000000x32xf32, #tpu.memory_space<hbm>>
        tpu.enqueue_indirect_dma source(%dma_start3A_707 : memref<1000000x32xf32, #tpu.memory_space<hbm>>) target(%arg10 : memref<128x32xf32, #tpu.memory_space<vmem>>) offsets(%dma_start3A_704 : memref<128xi32, #tpu.memory_space<vmem>>) semaphore(%arg26 : memref<!tpu.dma_semaphore, #tpu.memory_space<semaphore_mem>>)
      } else {
      }
      %add3A_545 = arith.constant 0 : i32
      %add3A_546 = arith.addi %mul3A_4, %add3A_545 : i32
      %dma_start3A_547 = arith.constant 0 : i32
      %dma_start3A_548 = arith.constant 0 : i32
      %dma_start3A_549 = arith.constant 0 : i32
      %dma_start3A_550 = tpu.memref_slice %arg18[%dma_start3A_547, %dma_start3A_548, %dma_start3A_549] : memref<4x8x129xf32, #tpu.memory_space<vmem>> -> memref<4x8x128xf32, #tpu.memory_space<vmem>>
      %dma_start3A_551 = arith.constant 0 : i32
      %dma_start3A_552 = arith.constant 0 : i32
      %dma_start3A_553 = arith.constant 0 : i32
      %dma_start3A_554 = tpu.memref_slice %arg4[%add3A_521, %dma_start3A_551, %add3A_546, %dma_start3A_552, %dma_start3A_553] : memref<50x4x128x8x128xf32, #tpu.memory_space<hbm>> -> memref<1x4x1x8x128xf32, #tpu.memory_space<hbm>>
      %dma_start3A_555 = tpu.memref_squeeze %dma_start3A_554 : memref<1x4x1x8x128xf32, #tpu.memory_space<hbm>> -> memref<4x8x128xf32, #tpu.memory_space<hbm>>
      %dma_start3A_556 = arith.constant 0 : i32
      %dma_start3A_557 = arith.constant 0 : i32
      %dma_start3A_558 = arith.constant 0 : i32
      %dma_start3A_559 = tpu.memref_slice %arg4[%add3A_521, %dma_start3A_556, %add3A_546, %dma_start3A_557, %dma_start3A_558] : memref<50x4x128x8x128xf32, #tpu.memory_space<hbm>> -> memref<1x4x1x8x128xf32, #tpu.memory_space<hbm>>
      %dma_start3A_560 = tpu.memref_squeeze %dma_start3A_559 : memref<1x4x1x8x128xf32, #tpu.memory_space<hbm>> -> memref<4x8x128xf32, #tpu.memory_space<hbm>>
      %dma_start3A_561 = arith.constant 0 : i32
      %dma_start3A_562 = arith.constant 0 : i32
      %dma_start3A_563 = arith.constant 0 : i32
      %dma_start3A_564 = tpu.memref_slice %arg18[%dma_start3A_561, %dma_start3A_562, %dma_start3A_563] : memref<4x8x129xf32, #tpu.memory_space<vmem>> -> memref<4x8x128xf32, #tpu.memory_space<vmem>>
      tpu.enqueue_dma source(%dma_start3A_564 : memref<4x8x128xf32, #tpu.memory_space<vmem>>) target(%dma_start3A_560 : memref<4x8x128xf32, #tpu.memory_space<hbm>>) target_semaphore(%arg34 : memref<!tpu.dma_semaphore, #tpu.memory_space<semaphore_mem>>)
      %add3A_565 = arith.constant 1 : i32
      %add3A_566 = arith.addi %mul3A_342, %add3A_565 : i32
      %dma_wait3A_567 = arith.constant 0 : i32
      %dma_wait3A_568 = arith.constant 0 : i32
      %dma_wait3A_569 = tpu.memref_slice %arg5[%dma_wait3A_567, %dma_wait3A_568] : memref<50x512xi32, #tpu.memory_space<vmem>> -> memref<1x128xi32, #tpu.memory_space<vmem>>
      %dma_wait3A_570 = tpu.memref_squeeze %dma_wait3A_569 : memref<1x128xi32, #tpu.memory_space<vmem>> -> memref<128xi32, #tpu.memory_space<vmem>>
      %dma_wait3A_571 = arith.constant 0 : i32
      %dma_wait3A_572 = arith.constant 0 : i32
      %dma_wait3A_573 = tpu.memref_slice %arg3[%dma_wait3A_571, %dma_wait3A_572] : memref<1000000x32xf32, #tpu.memory_space<hbm>> -> memref<1000000x32xf32, #tpu.memory_space<hbm>>
      tpu.wait_indirect_dma semaphore(%arg27 : memref<!tpu.dma_semaphore, #tpu.memory_space<semaphore_mem>>) src(%dma_wait3A_573 : memref<1000000x32xf32, #tpu.memory_space<hbm>>) dst(%arg11 : memref<128x32xf32, #tpu.memory_space<vmem>>)
      %gt3A_574 = arith.constant 0 : i32
      %gt3A_575 = arith.cmpi sgt, %scan3A_340, %gt3A_574 : i32
      %convert_element_type3A_576 = arith.extui %gt3A_575 : i1 to i32
      %cond3A_577 = arith.constant 0 : i32
      %cond3A_578 = arith.cmpi ne, %convert_element_type3A_576, %cond3A_577 : i32
      scf.if %cond3A_578 {
        %dma_wait3A_700 = arith.constant 0 : i32
        %dma_wait3A_701 = arith.constant 0 : i32
        %dma_wait3A_702 = arith.constant 0 : i32
        %dma_wait3A_703 = arith.constant 0 : i32
        %dma_wait3A_704 = arith.constant 0 : i32
        %dma_wait3A_705 = tpu.memref_slice %arg19[%dma_wait3A_702, %dma_wait3A_703, %dma_wait3A_704] : memref<4x8x129xf32, #tpu.memory_space<vmem>> -> memref<4x8x128xf32, #tpu.memory_space<vmem>>
        %dma_wait3A_706 = arith.constant 0 : i32
        %dma_wait3A_707 = arith.constant 0 : i32
        %dma_wait3A_708 = arith.constant 0 : i32
        %dma_wait3A_709 = tpu.memref_slice %arg4[%dma_wait3A_700, %dma_wait3A_706, %dma_wait3A_701, %dma_wait3A_707, %dma_wait3A_708] : memref<50x4x128x8x128xf32, #tpu.memory_space<hbm>> -> memref<1x4x1x8x128xf32, #tpu.memory_space<hbm>>
        %dma_wait3A_710 = tpu.memref_squeeze %dma_wait3A_709 : memref<1x4x1x8x128xf32, #tpu.memory_space<hbm>> -> memref<4x8x128xf32, #tpu.memory_space<hbm>>
        %dma_wait3A_711 = arith.constant 0 : i32
        %dma_wait3A_712 = arith.constant 0 : i32
        %dma_wait3A_713 = arith.constant 0 : i32
        %dma_wait3A_714 = tpu.memref_slice %arg4[%dma_wait3A_700, %dma_wait3A_711, %dma_wait3A_701, %dma_wait3A_712, %dma_wait3A_713] : memref<50x4x128x8x128xf32, #tpu.memory_space<hbm>> -> memref<1x4x1x8x128xf32, #tpu.memory_space<hbm>>
        %dma_wait3A_715 = tpu.memref_squeeze %dma_wait3A_714 : memref<1x4x1x8x128xf32, #tpu.memory_space<hbm>> -> memref<4x8x128xf32, #tpu.memory_space<hbm>>
        %dma_wait3A_716 = arith.constant 0 : i32
        %dma_wait3A_717 = arith.constant 0 : i32
        %dma_wait3A_718 = arith.constant 0 : i32
        %dma_wait3A_719 = tpu.memref_slice %arg19[%dma_wait3A_716, %dma_wait3A_717, %dma_wait3A_718] : memref<4x8x129xf32, #tpu.memory_space<vmem>> -> memref<4x8x128xf32, #tpu.memory_space<vmem>>
        tpu.wait_dma2 semaphore(%arg35 : memref<!tpu.dma_semaphore, #tpu.memory_space<semaphore_mem>>) src(%dma_wait3A_719 : memref<4x8x128xf32, #tpu.memory_space<vmem>>) dst(%dma_wait3A_715 : memref<4x8x128xf32, #tpu.memory_space<hbm>>)
      } else {
      }
      %scan3A_579 = arith.constant 0 : i32
      %scan3A_580 = arith.constant 0 : i32
      %scan3A_581 = arith.constant 32 : i32
      %scan3A_582 = arith.addi %scan3A_580, %scan3A_581 : i32
      %scan3A_583 = arith.constant 1 : i32
      scf.for %scan3A_700 = %scan3A_580 to %scan3A_582 step %scan3A_583  : i32 {
        %mul3A_701 = arith.constant 4 : i32
        %mul3A_702 = arith.muli %scan3A_700, %mul3A_701 : i32
        %add3A_703 = arith.constant 0 : i32
        %add3A_704 = arith.addi %mul3A_702, %add3A_703 : i32
        %broadcast_in_dim3A = vector.broadcast %add3A_704 : i32 to vector<16xi32>
        %get3A = arith.index_cast %add3A_704 : i32 to index
        %get3A_705 = arith.constant 0 : index
        %get3A_706 = tpu.vector_load %arg11[%get3A, %get3A_705] {strides = array<i32>} : memref<128x32xf32, #tpu.memory_space<vmem>>, vector<16xf32>,
        tpu.vector_store_idx %arg19[%select_n3A, %select_n3A_59, %broadcast_in_dim3A], %get3A_706 : memref<4x8x129xf32, #tpu.memory_space<vmem>>[vector<16xi32>, vector<16xi32>, vector<16xi32>], vector<16xf32>,
        %get3A_707 = arith.index_cast %add3A_704 : i32 to index
        %get3A_708 = arith.constant 16 : index
        %get3A_709 = tpu.vector_load %arg11[%get3A_707, %get3A_708] {strides = array<i32>} : memref<128x32xf32, #tpu.memory_space<vmem>>, vector<16xf32>,
        tpu.vector_store_idx %arg19[%select_n3A_93, %select_n3A_118, %broadcast_in_dim3A], %get3A_709 : memref<4x8x129xf32, #tpu.memory_space<vmem>>[vector<16xi32>, vector<16xi32>, vector<16xi32>], vector<16xf32>,
        %mul3A_710 = arith.constant 4 : i32
        %mul3A_711 = arith.muli %scan3A_700, %mul3A_710 : i32
        %add3A_712 = arith.constant 1 : i32
        %add3A_713 = arith.addi %mul3A_711, %add3A_712 : i32
        %broadcast_in_dim3A_714 = vector.broadcast %add3A_713 : i32 to vector<16xi32>
        %get3A_715 = arith.index_cast %add3A_713 : i32 to index
        %get3A_716 = arith.constant 0 : index
        %get3A_717 = tpu.vector_load %arg11[%get3A_715, %get3A_716] {strides = array<i32>} : memref<128x32xf32, #tpu.memory_space<vmem>>, vector<16xf32>,
        tpu.vector_store_idx %arg19[%select_n3A, %select_n3A_59, %broadcast_in_dim3A_714], %get3A_717 : memref<4x8x129xf32, #tpu.memory_space<vmem>>[vector<16xi32>, vector<16xi32>, vector<16xi32>], vector<16xf32>,
        %get3A_718 = arith.index_cast %add3A_713 : i32 to index
        %get3A_719 = arith.constant 16 : index
        %get3A_720 = tpu.vector_load %arg11[%get3A_718, %get3A_719] {strides = array<i32>} : memref<128x32xf32, #tpu.memory_space<vmem>>, vector<16xf32>,
        tpu.vector_store_idx %arg19[%select_n3A_93, %select_n3A_118, %broadcast_in_dim3A_714], %get3A_720 : memref<4x8x129xf32, #tpu.memory_space<vmem>>[vector<16xi32>, vector<16xi32>, vector<16xi32>], vector<16xf32>,
        %mul3A_721 = arith.constant 4 : i32
        %mul3A_722 = arith.muli %scan3A_700, %mul3A_721 : i32
        %add3A_723 = arith.constant 2 : i32
        %add3A_724 = arith.addi %mul3A_722, %add3A_723 : i32
        %broadcast_in_dim3A_725 = vector.broadcast %add3A_724 : i32 to vector<16xi32>
        %get3A_726 = arith.index_cast %add3A_724 : i32 to index
        %get3A_727 = arith.constant 0 : index
        %get3A_728 = tpu.vector_load %arg11[%get3A_726, %get3A_727] {strides = array<i32>} : memref<128x32xf32, #tpu.memory_space<vmem>>, vector<16xf32>,
        tpu.vector_store_idx %arg19[%select_n3A, %select_n3A_59, %broadcast_in_dim3A_725], %get3A_728 : memref<4x8x129xf32, #tpu.memory_space<vmem>>[vector<16xi32>, vector<16xi32>, vector<16xi32>], vector<16xf32>,
        %get3A_729 = arith.index_cast %add3A_724 : i32 to index
        %get3A_730 = arith.constant 16 : index
        %get3A_731 = tpu.vector_load %arg11[%get3A_729, %get3A_730] {strides = array<i32>} : memref<128x32xf32, #tpu.memory_space<vmem>>, vector<16xf32>,
        tpu.vector_store_idx %arg19[%select_n3A_93, %select_n3A_118, %broadcast_in_dim3A_725], %get3A_731 : memref<4x8x129xf32, #tpu.memory_space<vmem>>[vector<16xi32>, vector<16xi32>, vector<16xi32>], vector<16xf32>,
        %mul3A_732 = arith.constant 4 : i32
        %mul3A_733 = arith.muli %scan3A_700, %mul3A_732 : i32
        %add3A_734 = arith.constant 3 : i32
        %add3A_735 = arith.addi %mul3A_733, %add3A_734 : i32
        %broadcast_in_dim3A_736 = vector.broadcast %add3A_735 : i32 to vector<16xi32>
        %get3A_737 = arith.index_cast %add3A_735 : i32 to index
        %get3A_738 = arith.constant 0 : index
        %get3A_739 = tpu.vector_load %arg11[%get3A_737, %get3A_738] {strides = array<i32>} : memref<128x32xf32, #tpu.memory_space<vmem>>, vector<16xf32>,
        tpu.vector_store_idx %arg19[%select_n3A, %select_n3A_59, %broadcast_in_dim3A_736], %get3A_739 : memref<4x8x129xf32, #tpu.memory_space<vmem>>[vector<16xi32>, vector<16xi32>, vector<16xi32>], vector<16xf32>,
        %get3A_740 = arith.index_cast %add3A_735 : i32 to index
        %get3A_741 = arith.constant 16 : index
        %get3A_742 = tpu.vector_load %arg11[%get3A_740, %get3A_741] {strides = array<i32>} : memref<128x32xf32, #tpu.memory_space<vmem>>, vector<16xf32>,
        tpu.vector_store_idx %arg19[%select_n3A_93, %select_n3A_118, %broadcast_in_dim3A_736], %get3A_742 : memref<4x8x129xf32, #tpu.memory_space<vmem>>[vector<16xi32>, vector<16xi32>, vector<16xi32>], vector<16xf32>,
      }
      %scan3A_584 = arith.constant 32 : i32
      %lt3A_585 = arith.constant 48 : i32
      %lt3A_586 = arith.cmpi slt, %add3A_566, %lt3A_585 : i32
      %convert_element_type3A_587 = arith.extui %lt3A_586 : i1 to i32
      %cond3A_588 = arith.constant 0 : i32
      %cond3A_589 = arith.cmpi ne, %convert_element_type3A_587, %cond3A_588 : i32
      scf.if %cond3A_589 {
        %add3A_700 = arith.constant 2 : i32
        %add3A_701 = arith.addi %add3A_566, %add3A_700 : i32
        %dma_start3A_702 = arith.constant 128 : i32
        %dma_start3A_703 = tpu.memref_slice %arg5[%add3A_701, %dma_start3A_702] : memref<50x512xi32, #tpu.memory_space<vmem>> -> memref<1x128xi32, #tpu.memory_space<vmem>>
        %dma_start3A_704 = tpu.memref_squeeze %dma_start3A_703 : memref<1x128xi32, #tpu.memory_space<vmem>> -> memref<128xi32, #tpu.memory_space<vmem>>
        %dma_start3A_705 = arith.constant 0 : i32
        %dma_start3A_706 = arith.constant 0 : i32
        %dma_start3A_707 = tpu.memref_slice %arg3[%dma_start3A_705, %dma_start3A_706] : memref<1000000x32xf32, #tpu.memory_space<hbm>> -> memref<1000000x32xf32, #tpu.memory_space<hbm>>
        tpu.enqueue_indirect_dma source(%dma_start3A_707 : memref<1000000x32xf32, #tpu.memory_space<hbm>>) target(%arg11 : memref<128x32xf32, #tpu.memory_space<vmem>>) offsets(%dma_start3A_704 : memref<128xi32, #tpu.memory_space<vmem>>) semaphore(%arg27 : memref<!tpu.dma_semaphore, #tpu.memory_space<semaphore_mem>>)
      } else {
      }
      %add3A_590 = arith.constant 1 : i32
      %add3A_591 = arith.addi %mul3A_4, %add3A_590 : i32
      %dma_start3A_592 = arith.constant 0 : i32
      %dma_start3A_593 = arith.constant 0 : i32
      %dma_start3A_594 = arith.constant 0 : i32
      %dma_start3A_595 = tpu.memref_slice %arg19[%dma_start3A_592, %dma_start3A_593, %dma_start3A_594] : memref<4x8x129xf32, #tpu.memory_space<vmem>> -> memref<4x8x128xf32, #tpu.memory_space<vmem>>
      %dma_start3A_596 = arith.constant 0 : i32
      %dma_start3A_597 = arith.constant 0 : i32
      %dma_start3A_598 = arith.constant 0 : i32
      %dma_start3A_599 = tpu.memref_slice %arg4[%add3A_566, %dma_start3A_596, %add3A_591, %dma_start3A_597, %dma_start3A_598] : memref<50x4x128x8x128xf32, #tpu.memory_space<hbm>> -> memref<1x4x1x8x128xf32, #tpu.memory_space<hbm>>
      %dma_start3A_600 = tpu.memref_squeeze %dma_start3A_599 : memref<1x4x1x8x128xf32, #tpu.memory_space<hbm>> -> memref<4x8x128xf32, #tpu.memory_space<hbm>>
      %dma_start3A_601 = arith.constant 0 : i32
      %dma_start3A_602 = arith.constant 0 : i32
      %dma_start3A_603 = arith.constant 0 : i32
      %dma_start3A_604 = tpu.memref_slice %arg4[%add3A_566, %dma_start3A_601, %add3A_591, %dma_start3A_602, %dma_start3A_603] : memref<50x4x128x8x128xf32, #tpu.memory_space<hbm>> -> memref<1x4x1x8x128xf32, #tpu.memory_space<hbm>>
      %dma_start3A_605 = tpu.memref_squeeze %dma_start3A_604 : memref<1x4x1x8x128xf32, #tpu.memory_space<hbm>> -> memref<4x8x128xf32, #tpu.memory_space<hbm>>
      %dma_start3A_606 = arith.constant 0 : i32
      %dma_start3A_607 = arith.constant 0 : i32
      %dma_start3A_608 = arith.constant 0 : i32
      %dma_start3A_609 = tpu.memref_slice %arg19[%dma_start3A_606, %dma_start3A_607, %dma_start3A_608] : memref<4x8x129xf32, #tpu.memory_space<vmem>> -> memref<4x8x128xf32, #tpu.memory_space<vmem>>
      tpu.enqueue_dma source(%dma_start3A_609 : memref<4x8x128xf32, #tpu.memory_space<vmem>>) target(%dma_start3A_605 : memref<4x8x128xf32, #tpu.memory_space<hbm>>) target_semaphore(%arg35 : memref<!tpu.dma_semaphore, #tpu.memory_space<semaphore_mem>>)
      %add3A_610 = arith.constant 1 : i32
      %add3A_611 = arith.addi %mul3A_342, %add3A_610 : i32
      %dma_wait3A_612 = arith.constant 0 : i32
      %dma_wait3A_613 = arith.constant 0 : i32
      %dma_wait3A_614 = tpu.memref_slice %arg5[%dma_wait3A_612, %dma_wait3A_613] : memref<50x512xi32, #tpu.memory_space<vmem>> -> memref<1x128xi32, #tpu.memory_space<vmem>>
      %dma_wait3A_615 = tpu.memref_squeeze %dma_wait3A_614 : memref<1x128xi32, #tpu.memory_space<vmem>> -> memref<128xi32, #tpu.memory_space<vmem>>
      %dma_wait3A_616 = arith.constant 0 : i32
      %dma_wait3A_617 = arith.constant 0 : i32
      %dma_wait3A_618 = tpu.memref_slice %arg3[%dma_wait3A_616, %dma_wait3A_617] : memref<1000000x32xf32, #tpu.memory_space<hbm>> -> memref<1000000x32xf32, #tpu.memory_space<hbm>>
      tpu.wait_indirect_dma semaphore(%arg28 : memref<!tpu.dma_semaphore, #tpu.memory_space<semaphore_mem>>) src(%dma_wait3A_618 : memref<1000000x32xf32, #tpu.memory_space<hbm>>) dst(%arg12 : memref<128x32xf32, #tpu.memory_space<vmem>>)
      %gt3A_619 = arith.constant 0 : i32
      %gt3A_620 = arith.cmpi sgt, %scan3A_340, %gt3A_619 : i32
      %convert_element_type3A_621 = arith.extui %gt3A_620 : i1 to i32
      %cond3A_622 = arith.constant 0 : i32
      %cond3A_623 = arith.cmpi ne, %convert_element_type3A_621, %cond3A_622 : i32
      scf.if %cond3A_623 {
        %dma_wait3A_700 = arith.constant 0 : i32
        %dma_wait3A_701 = arith.constant 0 : i32
        %dma_wait3A_702 = arith.constant 0 : i32
        %dma_wait3A_703 = arith.constant 0 : i32
        %dma_wait3A_704 = arith.constant 0 : i32
        %dma_wait3A_705 = tpu.memref_slice %arg20[%dma_wait3A_702, %dma_wait3A_703, %dma_wait3A_704] : memref<4x8x129xf32, #tpu.memory_space<vmem>> -> memref<4x8x128xf32, #tpu.memory_space<vmem>>
        %dma_wait3A_706 = arith.constant 0 : i32
        %dma_wait3A_707 = arith.constant 0 : i32
        %dma_wait3A_708 = arith.constant 0 : i32
        %dma_wait3A_709 = tpu.memref_slice %arg4[%dma_wait3A_700, %dma_wait3A_706, %dma_wait3A_701, %dma_wait3A_707, %dma_wait3A_708] : memref<50x4x128x8x128xf32, #tpu.memory_space<hbm>> -> memref<1x4x1x8x128xf32, #tpu.memory_space<hbm>>
        %dma_wait3A_710 = tpu.memref_squeeze %dma_wait3A_709 : memref<1x4x1x8x128xf32, #tpu.memory_space<hbm>> -> memref<4x8x128xf32, #tpu.memory_space<hbm>>
        %dma_wait3A_711 = arith.constant 0 : i32
        %dma_wait3A_712 = arith.constant 0 : i32
        %dma_wait3A_713 = arith.constant 0 : i32
        %dma_wait3A_714 = tpu.memref_slice %arg4[%dma_wait3A_700, %dma_wait3A_711, %dma_wait3A_701, %dma_wait3A_712, %dma_wait3A_713] : memref<50x4x128x8x128xf32, #tpu.memory_space<hbm>> -> memref<1x4x1x8x128xf32, #tpu.memory_space<hbm>>
        %dma_wait3A_715 = tpu.memref_squeeze %dma_wait3A_714 : memref<1x4x1x8x128xf32, #tpu.memory_space<hbm>> -> memref<4x8x128xf32, #tpu.memory_space<hbm>>
        %dma_wait3A_716 = arith.constant 0 : i32
        %dma_wait3A_717 = arith.constant 0 : i32
        %dma_wait3A_718 = arith.constant 0 : i32
        %dma_wait3A_719 = tpu.memref_slice %arg20[%dma_wait3A_716, %dma_wait3A_717, %dma_wait3A_718] : memref<4x8x129xf32, #tpu.memory_space<vmem>> -> memref<4x8x128xf32, #tpu.memory_space<vmem>>
        tpu.wait_dma2 semaphore(%arg36 : memref<!tpu.dma_semaphore, #tpu.memory_space<semaphore_mem>>) src(%dma_wait3A_719 : memref<4x8x128xf32, #tpu.memory_space<vmem>>) dst(%dma_wait3A_715 : memref<4x8x128xf32, #tpu.memory_space<hbm>>)
      } else {
      }
      %scan3A_624 = arith.constant 0 : i32
      %scan3A_625 = arith.constant 0 : i32
      %scan3A_626 = arith.constant 32 : i32
      %scan3A_627 = arith.addi %scan3A_625, %scan3A_626 : i32
      %scan3A_628 = arith.constant 1 : i32
      scf.for %scan3A_700 = %scan3A_625 to %scan3A_627 step %scan3A_628  : i32 {
        %mul3A_701 = arith.constant 4 : i32
        %mul3A_702 = arith.muli %scan3A_700, %mul3A_701 : i32
        %add3A_703 = arith.constant 0 : i32
        %add3A_704 = arith.addi %mul3A_702, %add3A_703 : i32
        %broadcast_in_dim3A = vector.broadcast %add3A_704 : i32 to vector<16xi32>
        %get3A = arith.index_cast %add3A_704 : i32 to index
        %get3A_705 = arith.constant 0 : index
        %get3A_706 = tpu.vector_load %arg12[%get3A, %get3A_705] {strides = array<i32>} : memref<128x32xf32, #tpu.memory_space<vmem>>, vector<16xf32>,
        tpu.vector_store_idx %arg20[%select_n3A, %select_n3A_59, %broadcast_in_dim3A], %get3A_706 : memref<4x8x129xf32, #tpu.memory_space<vmem>>[vector<16xi32>, vector<16xi32>, vector<16xi32>], vector<16xf32>,
        %get3A_707 = arith.index_cast %add3A_704 : i32 to index
        %get3A_708 = arith.constant 16 : index
        %get3A_709 = tpu.vector_load %arg12[%get3A_707, %get3A_708] {strides = array<i32>} : memref<128x32xf32, #tpu.memory_space<vmem>>, vector<16xf32>,
        tpu.vector_store_idx %arg20[%select_n3A_93, %select_n3A_118, %broadcast_in_dim3A], %get3A_709 : memref<4x8x129xf32, #tpu.memory_space<vmem>>[vector<16xi32>, vector<16xi32>, vector<16xi32>], vector<16xf32>,
        %mul3A_710 = arith.constant 4 : i32
        %mul3A_711 = arith.muli %scan3A_700, %mul3A_710 : i32
        %add3A_712 = arith.constant 1 : i32
        %add3A_713 = arith.addi %mul3A_711, %add3A_712 : i32
        %broadcast_in_dim3A_714 = vector.broadcast %add3A_713 : i32 to vector<16xi32>
        %get3A_715 = arith.index_cast %add3A_713 : i32 to index
        %get3A_716 = arith.constant 0 : index
        %get3A_717 = tpu.vector_load %arg12[%get3A_715, %get3A_716] {strides = array<i32>} : memref<128x32xf32, #tpu.memory_space<vmem>>, vector<16xf32>,
        tpu.vector_store_idx %arg20[%select_n3A, %select_n3A_59, %broadcast_in_dim3A_714], %get3A_717 : memref<4x8x129xf32, #tpu.memory_space<vmem>>[vector<16xi32>, vector<16xi32>, vector<16xi32>], vector<16xf32>,
        %get3A_718 = arith.index_cast %add3A_713 : i32 to index
        %get3A_719 = arith.constant 16 : index
        %get3A_720 = tpu.vector_load %arg12[%get3A_718, %get3A_719] {strides = array<i32>} : memref<128x32xf32, #tpu.memory_space<vmem>>, vector<16xf32>,
        tpu.vector_store_idx %arg20[%select_n3A_93, %select_n3A_118, %broadcast_in_dim3A_714], %get3A_720 : memref<4x8x129xf32, #tpu.memory_space<vmem>>[vector<16xi32>, vector<16xi32>, vector<16xi32>], vector<16xf32>,
        %mul3A_721 = arith.constant 4 : i32
        %mul3A_722 = arith.muli %scan3A_700, %mul3A_721 : i32
        %add3A_723 = arith.constant 2 : i32
        %add3A_724 = arith.addi %mul3A_722, %add3A_723 : i32
        %broadcast_in_dim3A_725 = vector.broadcast %add3A_724 : i32 to vector<16xi32>
        %get3A_726 = arith.index_cast %add3A_724 : i32 to index
        %get3A_727 = arith.constant 0 : index
        %get3A_728 = tpu.vector_load %arg12[%get3A_726, %get3A_727] {strides = array<i32>} : memref<128x32xf32, #tpu.memory_space<vmem>>, vector<16xf32>,
        tpu.vector_store_idx %arg20[%select_n3A, %select_n3A_59, %broadcast_in_dim3A_725], %get3A_728 : memref<4x8x129xf32, #tpu.memory_space<vmem>>[vector<16xi32>, vector<16xi32>, vector<16xi32>], vector<16xf32>,
        %get3A_729 = arith.index_cast %add3A_724 : i32 to index
        %get3A_730 = arith.constant 16 : index
        %get3A_731 = tpu.vector_load %arg12[%get3A_729, %get3A_730] {strides = array<i32>} : memref<128x32xf32, #tpu.memory_space<vmem>>, vector<16xf32>,
        tpu.vector_store_idx %arg20[%select_n3A_93, %select_n3A_118, %broadcast_in_dim3A_725], %get3A_731 : memref<4x8x129xf32, #tpu.memory_space<vmem>>[vector<16xi32>, vector<16xi32>, vector<16xi32>], vector<16xf32>,
        %mul3A_732 = arith.constant 4 : i32
        %mul3A_733 = arith.muli %scan3A_700, %mul3A_732 : i32
        %add3A_734 = arith.constant 3 : i32
        %add3A_735 = arith.addi %mul3A_733, %add3A_734 : i32
        %broadcast_in_dim3A_736 = vector.broadcast %add3A_735 : i32 to vector<16xi32>
        %get3A_737 = arith.index_cast %add3A_735 : i32 to index
        %get3A_738 = arith.constant 0 : index
        %get3A_739 = tpu.vector_load %arg12[%get3A_737, %get3A_738] {strides = array<i32>} : memref<128x32xf32, #tpu.memory_space<vmem>>, vector<16xf32>,
        tpu.vector_store_idx %arg20[%select_n3A, %select_n3A_59, %broadcast_in_dim3A_736], %get3A_739 : memref<4x8x129xf32, #tpu.memory_space<vmem>>[vector<16xi32>, vector<16xi32>, vector<16xi32>], vector<16xf32>,
        %get3A_740 = arith.index_cast %add3A_735 : i32 to index
        %get3A_741 = arith.constant 16 : index
        %get3A_742 = tpu.vector_load %arg12[%get3A_740, %get3A_741] {strides = array<i32>} : memref<128x32xf32, #tpu.memory_space<vmem>>, vector<16xf32>,
        tpu.vector_store_idx %arg20[%select_n3A_93, %select_n3A_118, %broadcast_in_dim3A_736], %get3A_742 : memref<4x8x129xf32, #tpu.memory_space<vmem>>[vector<16xi32>, vector<16xi32>, vector<16xi32>], vector<16xf32>,
      }
      %scan3A_629 = arith.constant 32 : i32
      %lt3A_630 = arith.constant 48 : i32
      %lt3A_631 = arith.cmpi slt, %add3A_611, %lt3A_630 : i32
      %convert_element_type3A_632 = arith.extui %lt3A_631 : i1 to i32
      %cond3A_633 = arith.constant 0 : i32
      %cond3A_634 = arith.cmpi ne, %convert_element_type3A_632, %cond3A_633 : i32
      scf.if %cond3A_634 {
        %add3A_700 = arith.constant 2 : i32
        %add3A_701 = arith.addi %add3A_611, %add3A_700 : i32
        %dma_start3A_702 = arith.constant 256 : i32
        %dma_start3A_703 = tpu.memref_slice %arg5[%add3A_701, %dma_start3A_702] : memref<50x512xi32, #tpu.memory_space<vmem>> -> memref<1x128xi32, #tpu.memory_space<vmem>>
        %dma_start3A_704 = tpu.memref_squeeze %dma_start3A_703 : memref<1x128xi32, #tpu.memory_space<vmem>> -> memref<128xi32, #tpu.memory_space<vmem>>
        %dma_start3A_705 = arith.constant 0 : i32
        %dma_start3A_706 = arith.constant 0 : i32
        %dma_start3A_707 = tpu.memref_slice %arg3[%dma_start3A_705, %dma_start3A_706] : memref<1000000x32xf32, #tpu.memory_space<hbm>> -> memref<1000000x32xf32, #tpu.memory_space<hbm>>
        tpu.enqueue_indirect_dma source(%dma_start3A_707 : memref<1000000x32xf32, #tpu.memory_space<hbm>>) target(%arg12 : memref<128x32xf32, #tpu.memory_space<vmem>>) offsets(%dma_start3A_704 : memref<128xi32, #tpu.memory_space<vmem>>) semaphore(%arg28 : memref<!tpu.dma_semaphore, #tpu.memory_space<semaphore_mem>>)
      } else {
      }
      %add3A_635 = arith.constant 2 : i32
      %add3A_636 = arith.addi %mul3A_4, %add3A_635 : i32
      %dma_start3A_637 = arith.constant 0 : i32
      %dma_start3A_638 = arith.constant 0 : i32
      %dma_start3A_639 = arith.constant 0 : i32
      %dma_start3A_640 = tpu.memref_slice %arg20[%dma_start3A_637, %dma_start3A_638, %dma_start3A_639] : memref<4x8x129xf32, #tpu.memory_space<vmem>> -> memref<4x8x128xf32, #tpu.memory_space<vmem>>
      %dma_start3A_641 = arith.constant 0 : i32
      %dma_start3A_642 = arith.constant 0 : i32
      %dma_start3A_643 = arith.constant 0 : i32
      %dma_start3A_644 = tpu.memref_slice %arg4[%add3A_611, %dma_start3A_641, %add3A_636, %dma_start3A_642, %dma_start3A_643] : memref<50x4x128x8x128xf32, #tpu.memory_space<hbm>> -> memref<1x4x1x8x128xf32, #tpu.memory_space<hbm>>
      %dma_start3A_645 = tpu.memref_squeeze %dma_start3A_644 : memref<1x4x1x8x128xf32, #tpu.memory_space<hbm>> -> memref<4x8x128xf32, #tpu.memory_space<hbm>>
      %dma_start3A_646 = arith.constant 0 : i32
      %dma_start3A_647 = arith.constant 0 : i32
      %dma_start3A_648 = arith.constant 0 : i32
      %dma_start3A_649 = tpu.memref_slice %arg4[%add3A_611, %dma_start3A_646, %add3A_636, %dma_start3A_647, %dma_start3A_648] : memref<50x4x128x8x128xf32, #tpu.memory_space<hbm>> -> memref<1x4x1x8x128xf32, #tpu.memory_space<hbm>>
      %dma_start3A_650 = tpu.memref_squeeze %dma_start3A_649 : memref<1x4x1x8x128xf32, #tpu.memory_space<hbm>> -> memref<4x8x128xf32, #tpu.memory_space<hbm>>
      %dma_start3A_651 = arith.constant 0 : i32
      %dma_start3A_652 = arith.constant 0 : i32
      %dma_start3A_653 = arith.constant 0 : i32
      %dma_start3A_654 = tpu.memref_slice %arg20[%dma_start3A_651, %dma_start3A_652, %dma_start3A_653] : memref<4x8x129xf32, #tpu.memory_space<vmem>> -> memref<4x8x128xf32, #tpu.memory_space<vmem>>
      tpu.enqueue_dma source(%dma_start3A_654 : memref<4x8x128xf32, #tpu.memory_space<vmem>>) target(%dma_start3A_650 : memref<4x8x128xf32, #tpu.memory_space<hbm>>) target_semaphore(%arg36 : memref<!tpu.dma_semaphore, #tpu.memory_space<semaphore_mem>>)
      %add3A_655 = arith.constant 1 : i32
      %add3A_656 = arith.addi %mul3A_342, %add3A_655 : i32
      %dma_wait3A_657 = arith.constant 0 : i32
      %dma_wait3A_658 = arith.constant 0 : i32
      %dma_wait3A_659 = tpu.memref_slice %arg5[%dma_wait3A_657, %dma_wait3A_658] : memref<50x512xi32, #tpu.memory_space<vmem>> -> memref<1x128xi32, #tpu.memory_space<vmem>>
      %dma_wait3A_660 = tpu.memref_squeeze %dma_wait3A_659 : memref<1x128xi32, #tpu.memory_space<vmem>> -> memref<128xi32, #tpu.memory_space<vmem>>
      %dma_wait3A_661 = arith.constant 0 : i32
      %dma_wait3A_662 = arith.constant 0 : i32
      %dma_wait3A_663 = tpu.memref_slice %arg3[%dma_wait3A_661, %dma_wait3A_662] : memref<1000000x32xf32, #tpu.memory_space<hbm>> -> memref<1000000x32xf32, #tpu.memory_space<hbm>>
      tpu.wait_indirect_dma semaphore(%arg29 : memref<!tpu.dma_semaphore, #tpu.memory_space<semaphore_mem>>) src(%dma_wait3A_663 : memref<1000000x32xf32, #tpu.memory_space<hbm>>) dst(%arg13 : memref<128x32xf32, #tpu.memory_space<vmem>>)
      %gt3A_664 = arith.constant 0 : i32
      %gt3A_665 = arith.cmpi sgt, %scan3A_340, %gt3A_664 : i32
      %convert_element_type3A_666 = arith.extui %gt3A_665 : i1 to i32
      %cond3A_667 = arith.constant 0 : i32
      %cond3A_668 = arith.cmpi ne, %convert_element_type3A_666, %cond3A_667 : i32
      scf.if %cond3A_668 {
        %dma_wait3A_700 = arith.constant 0 : i32
        %dma_wait3A_701 = arith.constant 0 : i32
        %dma_wait3A_702 = arith.constant 0 : i32
        %dma_wait3A_703 = arith.constant 0 : i32
        %dma_wait3A_704 = arith.constant 0 : i32
        %dma_wait3A_705 = tpu.memref_slice %arg21[%dma_wait3A_702, %dma_wait3A_703, %dma_wait3A_704] : memref<4x8x129xf32, #tpu.memory_space<vmem>> -> memref<4x8x128xf32, #tpu.memory_space<vmem>>
        %dma_wait3A_706 = arith.constant 0 : i32
        %dma_wait3A_707 = arith.constant 0 : i32
        %dma_wait3A_708 = arith.constant 0 : i32
        %dma_wait3A_709 = tpu.memref_slice %arg4[%dma_wait3A_700, %dma_wait3A_706, %dma_wait3A_701, %dma_wait3A_707, %dma_wait3A_708] : memref<50x4x128x8x128xf32, #tpu.memory_space<hbm>> -> memref<1x4x1x8x128xf32, #tpu.memory_space<hbm>>
        %dma_wait3A_710 = tpu.memref_squeeze %dma_wait3A_709 : memref<1x4x1x8x128xf32, #tpu.memory_space<hbm>> -> memref<4x8x128xf32, #tpu.memory_space<hbm>>
        %dma_wait3A_711 = arith.constant 0 : i32
        %dma_wait3A_712 = arith.constant 0 : i32
        %dma_wait3A_713 = arith.constant 0 : i32
        %dma_wait3A_714 = tpu.memref_slice %arg4[%dma_wait3A_700, %dma_wait3A_711, %dma_wait3A_701, %dma_wait3A_712, %dma_wait3A_713] : memref<50x4x128x8x128xf32, #tpu.memory_space<hbm>> -> memref<1x4x1x8x128xf32, #tpu.memory_space<hbm>>
        %dma_wait3A_715 = tpu.memref_squeeze %dma_wait3A_714 : memref<1x4x1x8x128xf32, #tpu.memory_space<hbm>> -> memref<4x8x128xf32, #tpu.memory_space<hbm>>
        %dma_wait3A_716 = arith.constant 0 : i32
        %dma_wait3A_717 = arith.constant 0 : i32
        %dma_wait3A_718 = arith.constant 0 : i32
        %dma_wait3A_719 = tpu.memref_slice %arg21[%dma_wait3A_716, %dma_wait3A_717, %dma_wait3A_718] : memref<4x8x129xf32, #tpu.memory_space<vmem>> -> memref<4x8x128xf32, #tpu.memory_space<vmem>>
        tpu.wait_dma2 semaphore(%arg37 : memref<!tpu.dma_semaphore, #tpu.memory_space<semaphore_mem>>) src(%dma_wait3A_719 : memref<4x8x128xf32, #tpu.memory_space<vmem>>) dst(%dma_wait3A_715 : memref<4x8x128xf32, #tpu.memory_space<hbm>>)
      } else {
      }
      %scan3A_669 = arith.constant 0 : i32
      %scan3A_670 = arith.constant 0 : i32
      %scan3A_671 = arith.constant 32 : i32
      %scan3A_672 = arith.addi %scan3A_670, %scan3A_671 : i32
      %scan3A_673 = arith.constant 1 : i32
      scf.for %scan3A_700 = %scan3A_670 to %scan3A_672 step %scan3A_673  : i32 {
        %mul3A_701 = arith.constant 4 : i32
        %mul3A_702 = arith.muli %scan3A_700, %mul3A_701 : i32
        %add3A_703 = arith.constant 0 : i32
        %add3A_704 = arith.addi %mul3A_702, %add3A_703 : i32
        %broadcast_in_dim3A = vector.broadcast %add3A_704 : i32 to vector<16xi32>
        %get3A = arith.index_cast %add3A_704 : i32 to index
        %get3A_705 = arith.constant 0 : index
        %get3A_706 = tpu.vector_load %arg13[%get3A, %get3A_705] {strides = array<i32>} : memref<128x32xf32, #tpu.memory_space<vmem>>, vector<16xf32>,
        tpu.vector_store_idx %arg21[%select_n3A, %select_n3A_59, %broadcast_in_dim3A], %get3A_706 : memref<4x8x129xf32, #tpu.memory_space<vmem>>[vector<16xi32>, vector<16xi32>, vector<16xi32>], vector<16xf32>,
        %get3A_707 = arith.index_cast %add3A_704 : i32 to index
        %get3A_708 = arith.constant 16 : index
        %get3A_709 = tpu.vector_load %arg13[%get3A_707, %get3A_708] {strides = array<i32>} : memref<128x32xf32, #tpu.memory_space<vmem>>, vector<16xf32>,
        tpu.vector_store_idx %arg21[%select_n3A_93, %select_n3A_118, %broadcast_in_dim3A], %get3A_709 : memref<4x8x129xf32, #tpu.memory_space<vmem>>[vector<16xi32>, vector<16xi32>, vector<16xi32>], vector<16xf32>,
        %mul3A_710 = arith.constant 4 : i32
        %mul3A_711 = arith.muli %scan3A_700, %mul3A_710 : i32
        %add3A_712 = arith.constant 1 : i32
        %add3A_713 = arith.addi %mul3A_711, %add3A_712 : i32
        %broadcast_in_dim3A_714 = vector.broadcast %add3A_713 : i32 to vector<16xi32>
        %get3A_715 = arith.index_cast %add3A_713 : i32 to index
        %get3A_716 = arith.constant 0 : index
        %get3A_717 = tpu.vector_load %arg13[%get3A_715, %get3A_716] {strides = array<i32>} : memref<128x32xf32, #tpu.memory_space<vmem>>, vector<16xf32>,
        tpu.vector_store_idx %arg21[%select_n3A, %select_n3A_59, %broadcast_in_dim3A_714], %get3A_717 : memref<4x8x129xf32, #tpu.memory_space<vmem>>[vector<16xi32>, vector<16xi32>, vector<16xi32>], vector<16xf32>,
        %get3A_718 = arith.index_cast %add3A_713 : i32 to index
        %get3A_719 = arith.constant 16 : index
        %get3A_720 = tpu.vector_load %arg13[%get3A_718, %get3A_719] {strides = array<i32>} : memref<128x32xf32, #tpu.memory_space<vmem>>, vector<16xf32>,
        tpu.vector_store_idx %arg21[%select_n3A_93, %select_n3A_118, %broadcast_in_dim3A_714], %get3A_720 : memref<4x8x129xf32, #tpu.memory_space<vmem>>[vector<16xi32>, vector<16xi32>, vector<16xi32>], vector<16xf32>,
        %mul3A_721 = arith.constant 4 : i32
        %mul3A_722 = arith.muli %scan3A_700, %mul3A_721 : i32
        %add3A_723 = arith.constant 2 : i32
        %add3A_724 = arith.addi %mul3A_722, %add3A_723 : i32
        %broadcast_in_dim3A_725 = vector.broadcast %add3A_724 : i32 to vector<16xi32>
        %get3A_726 = arith.index_cast %add3A_724 : i32 to index
        %get3A_727 = arith.constant 0 : index
        %get3A_728 = tpu.vector_load %arg13[%get3A_726, %get3A_727] {strides = array<i32>} : memref<128x32xf32, #tpu.memory_space<vmem>>, vector<16xf32>,
        tpu.vector_store_idx %arg21[%select_n3A, %select_n3A_59, %broadcast_in_dim3A_725], %get3A_728 : memref<4x8x129xf32, #tpu.memory_space<vmem>>[vector<16xi32>, vector<16xi32>, vector<16xi32>], vector<16xf32>,
        %get3A_729 = arith.index_cast %add3A_724 : i32 to index
        %get3A_730 = arith.constant 16 : index
        %get3A_731 = tpu.vector_load %arg13[%get3A_729, %get3A_730] {strides = array<i32>} : memref<128x32xf32, #tpu.memory_space<vmem>>, vector<16xf32>,
        tpu.vector_store_idx %arg21[%select_n3A_93, %select_n3A_118, %broadcast_in_dim3A_725], %get3A_731 : memref<4x8x129xf32, #tpu.memory_space<vmem>>[vector<16xi32>, vector<16xi32>, vector<16xi32>], vector<16xf32>,
        %mul3A_732 = arith.constant 4 : i32
        %mul3A_733 = arith.muli %scan3A_700, %mul3A_732 : i32
        %add3A_734 = arith.constant 3 : i32
        %add3A_735 = arith.addi %mul3A_733, %add3A_734 : i32
        %broadcast_in_dim3A_736 = vector.broadcast %add3A_735 : i32 to vector<16xi32>
        %get3A_737 = arith.index_cast %add3A_735 : i32 to index
        %get3A_738 = arith.constant 0 : index
        %get3A_739 = tpu.vector_load %arg13[%get3A_737, %get3A_738] {strides = array<i32>} : memref<128x32xf32, #tpu.memory_space<vmem>>, vector<16xf32>,
        tpu.vector_store_idx %arg21[%select_n3A, %select_n3A_59, %broadcast_in_dim3A_736], %get3A_739 : memref<4x8x129xf32, #tpu.memory_space<vmem>>[vector<16xi32>, vector<16xi32>, vector<16xi32>], vector<16xf32>,
        %get3A_740 = arith.index_cast %add3A_735 : i32 to index
        %get3A_741 = arith.constant 16 : index
        %get3A_742 = tpu.vector_load %arg13[%get3A_740, %get3A_741] {strides = array<i32>} : memref<128x32xf32, #tpu.memory_space<vmem>>, vector<16xf32>,
        tpu.vector_store_idx %arg21[%select_n3A_93, %select_n3A_118, %broadcast_in_dim3A_736], %get3A_742 : memref<4x8x129xf32, #tpu.memory_space<vmem>>[vector<16xi32>, vector<16xi32>, vector<16xi32>], vector<16xf32>,
      }
      %scan3A_674 = arith.constant 32 : i32
      %lt3A_675 = arith.constant 48 : i32
      %lt3A_676 = arith.cmpi slt, %add3A_656, %lt3A_675 : i32
      %convert_element_type3A_677 = arith.extui %lt3A_676 : i1 to i32
      %cond3A_678 = arith.constant 0 : i32
      %cond3A_679 = arith.cmpi ne, %convert_element_type3A_677, %cond3A_678 : i32
      scf.if %cond3A_679 {
        %add3A_700 = arith.constant 2 : i32
        %add3A_701 = arith.addi %add3A_656, %add3A_700 : i32
        %dma_start3A_702 = arith.constant 384 : i32
        %dma_start3A_703 = tpu.memref_slice %arg5[%add3A_701, %dma_start3A_702] : memref<50x512xi32, #tpu.memory_space<vmem>> -> memref<1x128xi32, #tpu.memory_space<vmem>>
        %dma_start3A_704 = tpu.memref_squeeze %dma_start3A_703 : memref<1x128xi32, #tpu.memory_space<vmem>> -> memref<128xi32, #tpu.memory_space<vmem>>
        %dma_start3A_705 = arith.constant 0 : i32
        %dma_start3A_706 = arith.constant 0 : i32
        %dma_start3A_707 = tpu.memref_slice %arg3[%dma_start3A_705, %dma_start3A_706] : memref<1000000x32xf32, #tpu.memory_space<hbm>> -> memref<1000000x32xf32, #tpu.memory_space<hbm>>
        tpu.enqueue_indirect_dma source(%dma_start3A_707 : memref<1000000x32xf32, #tpu.memory_space<hbm>>) target(%arg13 : memref<128x32xf32, #tpu.memory_space<vmem>>) offsets(%dma_start3A_704 : memref<128xi32, #tpu.memory_space<vmem>>) semaphore(%arg29 : memref<!tpu.dma_semaphore, #tpu.memory_space<semaphore_mem>>)
      } else {
      }
      %add3A_680 = arith.constant 3 : i32
      %add3A_681 = arith.addi %mul3A_4, %add3A_680 : i32
      %dma_start3A_682 = arith.constant 0 : i32
      %dma_start3A_683 = arith.constant 0 : i32
      %dma_start3A_684 = arith.constant 0 : i32
      %dma_start3A_685 = tpu.memref_slice %arg21[%dma_start3A_682, %dma_start3A_683, %dma_start3A_684] : memref<4x8x129xf32, #tpu.memory_space<vmem>> -> memref<4x8x128xf32, #tpu.memory_space<vmem>>
      %dma_start3A_686 = arith.constant 0 : i32
      %dma_start3A_687 = arith.constant 0 : i32
      %dma_start3A_688 = arith.constant 0 : i32
      %dma_start3A_689 = tpu.memref_slice %arg4[%add3A_656, %dma_start3A_686, %add3A_681, %dma_start3A_687, %dma_start3A_688] : memref<50x4x128x8x128xf32, #tpu.memory_space<hbm>> -> memref<1x4x1x8x128xf32, #tpu.memory_space<hbm>>
      %dma_start3A_690 = tpu.memref_squeeze %dma_start3A_689 : memref<1x4x1x8x128xf32, #tpu.memory_space<hbm>> -> memref<4x8x128xf32, #tpu.memory_space<hbm>>
      %dma_start3A_691 = arith.constant 0 : i32
      %dma_start3A_692 = arith.constant 0 : i32
      %dma_start3A_693 = arith.constant 0 : i32
      %dma_start3A_694 = tpu.memref_slice %arg4[%add3A_656, %dma_start3A_691, %add3A_681, %dma_start3A_692, %dma_start3A_693] : memref<50x4x128x8x128xf32, #tpu.memory_space<hbm>> -> memref<1x4x1x8x128xf32, #tpu.memory_space<hbm>>
      %dma_start3A_695 = tpu.memref_squeeze %dma_start3A_694 : memref<1x4x1x8x128xf32, #tpu.memory_space<hbm>> -> memref<4x8x128xf32, #tpu.memory_space<hbm>>
      %dma_start3A_696 = arith.constant 0 : i32
      %dma_start3A_697 = arith.constant 0 : i32
      %dma_start3A_698 = arith.constant 0 : i32
      %dma_start3A_699 = tpu.memref_slice %arg21[%dma_start3A_696, %dma_start3A_697, %dma_start3A_698] : memref<4x8x129xf32, #tpu.memory_space<vmem>> -> memref<4x8x128xf32, #tpu.memory_space<vmem>>
      tpu.enqueue_dma source(%dma_start3A_699 : memref<4x8x128xf32, #tpu.memory_space<vmem>>) target(%dma_start3A_695 : memref<4x8x128xf32, #tpu.memory_space<hbm>>) target_semaphore(%arg37 : memref<!tpu.dma_semaphore, #tpu.memory_space<semaphore_mem>>)
    }
    %scan3A_179 = arith.constant 25 : i32
    %dma_wait3A_180 = arith.constant 0 : i32
    %dma_wait3A_181 = arith.constant 0 : i32
    %dma_wait3A_182 = arith.constant 0 : i32
    %dma_wait3A_183 = arith.constant 0 : i32
    %dma_wait3A_184 = arith.constant 0 : i32
    %dma_wait3A_185 = tpu.memref_slice %arg14[%dma_wait3A_182, %dma_wait3A_183, %dma_wait3A_184] : memref<4x8x129xf32, #tpu.memory_space<vmem>> -> memref<4x8x128xf32, #tpu.memory_space<vmem>>
    %dma_wait3A_186 = arith.constant 0 : i32
    %dma_wait3A_187 = arith.constant 0 : i32
    %dma_wait3A_188 = arith.constant 0 : i32
    %dma_wait3A_189 = tpu.memref_slice %arg4[%dma_wait3A_180, %dma_wait3A_186, %dma_wait3A_181, %dma_wait3A_187, %dma_wait3A_188] : memref<50x4x128x8x128xf32, #tpu.memory_space<hbm>> -> memref<1x4x1x8x128xf32, #tpu.memory_space<hbm>>
    %dma_wait3A_190 = tpu.memref_squeeze %dma_wait3A_189 : memref<1x4x1x8x128xf32, #tpu.memory_space<hbm>> -> memref<4x8x128xf32, #tpu.memory_space<hbm>>
    %dma_wait3A_191 = arith.constant 0 : i32
    %dma_wait3A_192 = arith.constant 0 : i32
    %dma_wait3A_193 = arith.constant 0 : i32
    %dma_wait3A_194 = tpu.memref_slice %arg4[%dma_wait3A_180, %dma_wait3A_191, %dma_wait3A_181, %dma_wait3A_192, %dma_wait3A_193] : memref<50x4x128x8x128xf32, #tpu.memory_space<hbm>> -> memref<1x4x1x8x128xf32, #tpu.memory_space<hbm>>
    %dma_wait3A_195 = tpu.memref_squeeze %dma_wait3A_194 : memref<1x4x1x8x128xf32, #tpu.memory_space<hbm>> -> memref<4x8x128xf32, #tpu.memory_space<hbm>>
    %dma_wait3A_196 = arith.constant 0 : i32
    %dma_wait3A_197 = arith.constant 0 : i32
    %dma_wait3A_198 = arith.constant 0 : i32
    %dma_wait3A_199 = tpu.memref_slice %arg14[%dma_wait3A_196, %dma_wait3A_197, %dma_wait3A_198] : memref<4x8x129xf32, #tpu.memory_space<vmem>> -> memref<4x8x128xf32, #tpu.memory_space<vmem>>
    tpu.wait_dma2 semaphore(%arg30 : memref<!tpu.dma_semaphore, #tpu.memory_space<semaphore_mem>>) src(%dma_wait3A_199 : memref<4x8x128xf32, #tpu.memory_space<vmem>>) dst(%dma_wait3A_195 : memref<4x8x128xf32, #tpu.memory_space<hbm>>)
    %dma_wait3A_200 = arith.constant 0 : i32
    %dma_wait3A_201 = arith.constant 0 : i32
    %dma_wait3A_202 = arith.constant 0 : i32
    %dma_wait3A_203 = arith.constant 0 : i32
    %dma_wait3A_204 = arith.constant 0 : i32
    %dma_wait3A_205 = tpu.memref_slice %arg15[%dma_wait3A_202, %dma_wait3A_203, %dma_wait3A_204] : memref<4x8x129xf32, #tpu.memory_space<vmem>> -> memref<4x8x128xf32, #tpu.memory_space<vmem>>
    %dma_wait3A_206 = arith.constant 0 : i32
    %dma_wait3A_207 = arith.constant 0 : i32
    %dma_wait3A_208 = arith.constant 0 : i32
    %dma_wait3A_209 = tpu.memref_slice %arg4[%dma_wait3A_200, %dma_wait3A_206, %dma_wait3A_201, %dma_wait3A_207, %dma_wait3A_208] : memref<50x4x128x8x128xf32, #tpu.memory_space<hbm>> -> memref<1x4x1x8x128xf32, #tpu.memory_space<hbm>>
    %dma_wait3A_210 = tpu.memref_squeeze %dma_wait3A_209 : memref<1x4x1x8x128xf32, #tpu.memory_space<hbm>> -> memref<4x8x128xf32, #tpu.memory_space<hbm>>
    %dma_wait3A_211 = arith.constant 0 : i32
    %dma_wait3A_212 = arith.constant 0 : i32
    %dma_wait3A_213 = arith.constant 0 : i32
    %dma_wait3A_214 = tpu.memref_slice %arg4[%dma_wait3A_200, %dma_wait3A_211, %dma_wait3A_201, %dma_wait3A_212, %dma_wait3A_213] : memref<50x4x128x8x128xf32, #tpu.memory_space<hbm>> -> memref<1x4x1x8x128xf32, #tpu.memory_space<hbm>>
    %dma_wait3A_215 = tpu.memref_squeeze %dma_wait3A_214 : memref<1x4x1x8x128xf32, #tpu.memory_space<hbm>> -> memref<4x8x128xf32, #tpu.memory_space<hbm>>
    %dma_wait3A_216 = arith.constant 0 : i32
    %dma_wait3A_217 = arith.constant 0 : i32
    %dma_wait3A_218 = arith.constant 0 : i32
    %dma_wait3A_219 = tpu.memref_slice %arg15[%dma_wait3A_216, %dma_wait3A_217, %dma_wait3A_218] : memref<4x8x129xf32, #tpu.memory_space<vmem>> -> memref<4x8x128xf32, #tpu.memory_space<vmem>>
    tpu.wait_dma2 semaphore(%arg31 : memref<!tpu.dma_semaphore, #tpu.memory_space<semaphore_mem>>) src(%dma_wait3A_219 : memref<4x8x128xf32, #tpu.memory_space<vmem>>) dst(%dma_wait3A_215 : memref<4x8x128xf32, #tpu.memory_space<hbm>>)
    %dma_wait3A_220 = arith.constant 0 : i32
    %dma_wait3A_221 = arith.constant 0 : i32
    %dma_wait3A_222 = arith.constant 0 : i32
    %dma_wait3A_223 = arith.constant 0 : i32
    %dma_wait3A_224 = arith.constant 0 : i32
    %dma_wait3A_225 = tpu.memref_slice %arg16[%dma_wait3A_222, %dma_wait3A_223, %dma_wait3A_224] : memref<4x8x129xf32, #tpu.memory_space<vmem>> -> memref<4x8x128xf32, #tpu.memory_space<vmem>>
    %dma_wait3A_226 = arith.constant 0 : i32
    %dma_wait3A_227 = arith.constant 0 : i32
    %dma_wait3A_228 = arith.constant 0 : i32
    %dma_wait3A_229 = tpu.memref_slice %arg4[%dma_wait3A_220, %dma_wait3A_226, %dma_wait3A_221, %dma_wait3A_227, %dma_wait3A_228] : memref<50x4x128x8x128xf32, #tpu.memory_space<hbm>> -> memref<1x4x1x8x128xf32, #tpu.memory_space<hbm>>
    %dma_wait3A_230 = tpu.memref_squeeze %dma_wait3A_229 : memref<1x4x1x8x128xf32, #tpu.memory_space<hbm>> -> memref<4x8x128xf32, #tpu.memory_space<hbm>>
    %dma_wait3A_231 = arith.constant 0 : i32
    %dma_wait3A_232 = arith.constant 0 : i32
    %dma_wait3A_233 = arith.constant 0 : i32
    %dma_wait3A_234 = tpu.memref_slice %arg4[%dma_wait3A_220, %dma_wait3A_231, %dma_wait3A_221, %dma_wait3A_232, %dma_wait3A_233] : memref<50x4x128x8x128xf32, #tpu.memory_space<hbm>> -> memref<1x4x1x8x128xf32, #tpu.memory_space<hbm>>
    %dma_wait3A_235 = tpu.memref_squeeze %dma_wait3A_234 : memref<1x4x1x8x128xf32, #tpu.memory_space<hbm>> -> memref<4x8x128xf32, #tpu.memory_space<hbm>>
    %dma_wait3A_236 = arith.constant 0 : i32
    %dma_wait3A_237 = arith.constant 0 : i32
    %dma_wait3A_238 = arith.constant 0 : i32
    %dma_wait3A_239 = tpu.memref_slice %arg16[%dma_wait3A_236, %dma_wait3A_237, %dma_wait3A_238] : memref<4x8x129xf32, #tpu.memory_space<vmem>> -> memref<4x8x128xf32, #tpu.memory_space<vmem>>
    tpu.wait_dma2 semaphore(%arg32 : memref<!tpu.dma_semaphore, #tpu.memory_space<semaphore_mem>>) src(%dma_wait3A_239 : memref<4x8x128xf32, #tpu.memory_space<vmem>>) dst(%dma_wait3A_235 : memref<4x8x128xf32, #tpu.memory_space<hbm>>)
    %dma_wait3A_240 = arith.constant 0 : i32
    %dma_wait3A_241 = arith.constant 0 : i32
    %dma_wait3A_242 = arith.constant 0 : i32
    %dma_wait3A_243 = arith.constant 0 : i32
    %dma_wait3A_244 = arith.constant 0 : i32
    %dma_wait3A_245 = tpu.memref_slice %arg17[%dma_wait3A_242, %dma_wait3A_243, %dma_wait3A_244] : memref<4x8x129xf32, #tpu.memory_space<vmem>> -> memref<4x8x128xf32, #tpu.memory_space<vmem>>
    %dma_wait3A_246 = arith.constant 0 : i32
    %dma_wait3A_247 = arith.constant 0 : i32
    %dma_wait3A_248 = arith.constant 0 : i32
    %dma_wait3A_249 = tpu.memref_slice %arg4[%dma_wait3A_240, %dma_wait3A_246, %dma_wait3A_241, %dma_wait3A_247, %dma_wait3A_248] : memref<50x4x128x8x128xf32, #tpu.memory_space<hbm>> -> memref<1x4x1x8x128xf32, #tpu.memory_space<hbm>>
    %dma_wait3A_250 = tpu.memref_squeeze %dma_wait3A_249 : memref<1x4x1x8x128xf32, #tpu.memory_space<hbm>> -> memref<4x8x128xf32, #tpu.memory_space<hbm>>
    %dma_wait3A_251 = arith.constant 0 : i32
    %dma_wait3A_252 = arith.constant 0 : i32
    %dma_wait3A_253 = arith.constant 0 : i32
    %dma_wait3A_254 = tpu.memref_slice %arg4[%dma_wait3A_240, %dma_wait3A_251, %dma_wait3A_241, %dma_wait3A_252, %dma_wait3A_253] : memref<50x4x128x8x128xf32, #tpu.memory_space<hbm>> -> memref<1x4x1x8x128xf32, #tpu.memory_space<hbm>>
    %dma_wait3A_255 = tpu.memref_squeeze %dma_wait3A_254 : memref<1x4x1x8x128xf32, #tpu.memory_space<hbm>> -> memref<4x8x128xf32, #tpu.memory_space<hbm>>
    %dma_wait3A_256 = arith.constant 0 : i32
    %dma_wait3A_257 = arith.constant 0 : i32
    %dma_wait3A_258 = arith.constant 0 : i32
    %dma_wait3A_259 = tpu.memref_slice %arg17[%dma_wait3A_256, %dma_wait3A_257, %dma_wait3A_258] : memref<4x8x129xf32, #tpu.memory_space<vmem>> -> memref<4x8x128xf32, #tpu.memory_space<vmem>>
    tpu.wait_dma2 semaphore(%arg33 : memref<!tpu.dma_semaphore, #tpu.memory_space<semaphore_mem>>) src(%dma_wait3A_259 : memref<4x8x128xf32, #tpu.memory_space<vmem>>) dst(%dma_wait3A_255 : memref<4x8x128xf32, #tpu.memory_space<hbm>>)
    %dma_wait3A_260 = arith.constant 0 : i32
    %dma_wait3A_261 = arith.constant 0 : i32
    %dma_wait3A_262 = arith.constant 0 : i32
    %dma_wait3A_263 = arith.constant 0 : i32
    %dma_wait3A_264 = arith.constant 0 : i32
    %dma_wait3A_265 = tpu.memref_slice %arg18[%dma_wait3A_262, %dma_wait3A_263, %dma_wait3A_264] : memref<4x8x129xf32, #tpu.memory_space<vmem>> -> memref<4x8x128xf32, #tpu.memory_space<vmem>>
    %dma_wait3A_266 = arith.constant 0 : i32
    %dma_wait3A_267 = arith.constant 0 : i32
    %dma_wait3A_268 = arith.constant 0 : i32
    %dma_wait3A_269 = tpu.memref_slice %arg4[%dma_wait3A_260, %dma_wait3A_266, %dma_wait3A_261, %dma_wait3A_267, %dma_wait3A_268] : memref<50x4x128x8x128xf32, #tpu.memory_space<hbm>> -> memref<1x4x1x8x128xf32, #tpu.memory_space<hbm>>
    %dma_wait3A_270 = tpu.memref_squeeze %dma_wait3A_269 : memref<1x4x1x8x128xf32, #tpu.memory_space<hbm>> -> memref<4x8x128xf32, #tpu.memory_space<hbm>>
    %dma_wait3A_271 = arith.constant 0 : i32
    %dma_wait3A_272 = arith.constant 0 : i32
    %dma_wait3A_273 = arith.constant 0 : i32
    %dma_wait3A_274 = tpu.memref_slice %arg4[%dma_wait3A_260, %dma_wait3A_271, %dma_wait3A_261, %dma_wait3A_272, %dma_wait3A_273] : memref<50x4x128x8x128xf32, #tpu.memory_space<hbm>> -> memref<1x4x1x8x128xf32, #tpu.memory_space<hbm>>
    %dma_wait3A_275 = tpu.memref_squeeze %dma_wait3A_274 : memref<1x4x1x8x128xf32, #tpu.memory_space<hbm>> -> memref<4x8x128xf32, #tpu.memory_space<hbm>>
    %dma_wait3A_276 = arith.constant 0 : i32
    %dma_wait3A_277 = arith.constant 0 : i32
    %dma_wait3A_278 = arith.constant 0 : i32
    %dma_wait3A_279 = tpu.memref_slice %arg18[%dma_wait3A_276, %dma_wait3A_277, %dma_wait3A_278] : memref<4x8x129xf32, #tpu.memory_space<vmem>> -> memref<4x8x128xf32, #tpu.memory_space<vmem>>
    tpu.wait_dma2 semaphore(%arg34 : memref<!tpu.dma_semaphore, #tpu.memory_space<semaphore_mem>>) src(%dma_wait3A_279 : memref<4x8x128xf32, #tpu.memory_space<vmem>>) dst(%dma_wait3A_275 : memref<4x8x128xf32, #tpu.memory_space<hbm>>)
    %dma_wait3A_280 = arith.constant 0 : i32
    %dma_wait3A_281 = arith.constant 0 : i32
    %dma_wait3A_282 = arith.constant 0 : i32
    %dma_wait3A_283 = arith.constant 0 : i32
    %dma_wait3A_284 = arith.constant 0 : i32
    %dma_wait3A_285 = tpu.memref_slice %arg19[%dma_wait3A_282, %dma_wait3A_283, %dma_wait3A_284] : memref<4x8x129xf32, #tpu.memory_space<vmem>> -> memref<4x8x128xf32, #tpu.memory_space<vmem>>
    %dma_wait3A_286 = arith.constant 0 : i32
    %dma_wait3A_287 = arith.constant 0 : i32
    %dma_wait3A_288 = arith.constant 0 : i32
    %dma_wait3A_289 = tpu.memref_slice %arg4[%dma_wait3A_280, %dma_wait3A_286, %dma_wait3A_281, %dma_wait3A_287, %dma_wait3A_288] : memref<50x4x128x8x128xf32, #tpu.memory_space<hbm>> -> memref<1x4x1x8x128xf32, #tpu.memory_space<hbm>>
    %dma_wait3A_290 = tpu.memref_squeeze %dma_wait3A_289 : memref<1x4x1x8x128xf32, #tpu.memory_space<hbm>> -> memref<4x8x128xf32, #tpu.memory_space<hbm>>
    %dma_wait3A_291 = arith.constant 0 : i32
    %dma_wait3A_292 = arith.constant 0 : i32
    %dma_wait3A_293 = arith.constant 0 : i32
    %dma_wait3A_294 = tpu.memref_slice %arg4[%dma_wait3A_280, %dma_wait3A_291, %dma_wait3A_281, %dma_wait3A_292, %dma_wait3A_293] : memref<50x4x128x8x128xf32, #tpu.memory_space<hbm>> -> memref<1x4x1x8x128xf32, #tpu.memory_space<hbm>>
    %dma_wait3A_295 = tpu.memref_squeeze %dma_wait3A_294 : memref<1x4x1x8x128xf32, #tpu.memory_space<hbm>> -> memref<4x8x128xf32, #tpu.memory_space<hbm>>
    %dma_wait3A_296 = arith.constant 0 : i32
    %dma_wait3A_297 = arith.constant 0 : i32
    %dma_wait3A_298 = arith.constant 0 : i32
    %dma_wait3A_299 = tpu.memref_slice %arg19[%dma_wait3A_296, %dma_wait3A_297, %dma_wait3A_298] : memref<4x8x129xf32, #tpu.memory_space<vmem>> -> memref<4x8x128xf32, #tpu.memory_space<vmem>>
    tpu.wait_dma2 semaphore(%arg35 : memref<!tpu.dma_semaphore, #tpu.memory_space<semaphore_mem>>) src(%dma_wait3A_299 : memref<4x8x128xf32, #tpu.memory_space<vmem>>) dst(%dma_wait3A_295 : memref<4x8x128xf32, #tpu.memory_space<hbm>>)
    %dma_wait3A_300 = arith.constant 0 : i32
    %dma_wait3A_301 = arith.constant 0 : i32
    %dma_wait3A_302 = arith.constant 0 : i32
    %dma_wait3A_303 = arith.constant 0 : i32
    %dma_wait3A_304 = arith.constant 0 : i32
    %dma_wait3A_305 = tpu.memref_slice %arg20[%dma_wait3A_302, %dma_wait3A_303, %dma_wait3A_304] : memref<4x8x129xf32, #tpu.memory_space<vmem>> -> memref<4x8x128xf32, #tpu.memory_space<vmem>>
    %dma_wait3A_306 = arith.constant 0 : i32
    %dma_wait3A_307 = arith.constant 0 : i32
    %dma_wait3A_308 = arith.constant 0 : i32
    %dma_wait3A_309 = tpu.memref_slice %arg4[%dma_wait3A_300, %dma_wait3A_306, %dma_wait3A_301, %dma_wait3A_307, %dma_wait3A_308] : memref<50x4x128x8x128xf32, #tpu.memory_space<hbm>> -> memref<1x4x1x8x128xf32, #tpu.memory_space<hbm>>
    %dma_wait3A_310 = tpu.memref_squeeze %dma_wait3A_309 : memref<1x4x1x8x128xf32, #tpu.memory_space<hbm>> -> memref<4x8x128xf32, #tpu.memory_space<hbm>>
    %dma_wait3A_311 = arith.constant 0 : i32
    %dma_wait3A_312 = arith.constant 0 : i32
    %dma_wait3A_313 = arith.constant 0 : i32
    %dma_wait3A_314 = tpu.memref_slice %arg4[%dma_wait3A_300, %dma_wait3A_311, %dma_wait3A_301, %dma_wait3A_312, %dma_wait3A_313] : memref<50x4x128x8x128xf32, #tpu.memory_space<hbm>> -> memref<1x4x1x8x128xf32, #tpu.memory_space<hbm>>
    %dma_wait3A_315 = tpu.memref_squeeze %dma_wait3A_314 : memref<1x4x1x8x128xf32, #tpu.memory_space<hbm>> -> memref<4x8x128xf32, #tpu.memory_space<hbm>>
    %dma_wait3A_316 = arith.constant 0 : i32
    %dma_wait3A_317 = arith.constant 0 : i32
    %dma_wait3A_318 = arith.constant 0 : i32
    %dma_wait3A_319 = tpu.memref_slice %arg20[%dma_wait3A_316, %dma_wait3A_317, %dma_wait3A_318] : memref<4x8x129xf32, #tpu.memory_space<vmem>> -> memref<4x8x128xf32, #tpu.memory_space<vmem>>
    tpu.wait_dma2 semaphore(%arg36 : memref<!tpu.dma_semaphore, #tpu.memory_space<semaphore_mem>>) src(%dma_wait3A_319 : memref<4x8x128xf32, #tpu.memory_space<vmem>>) dst(%dma_wait3A_315 : memref<4x8x128xf32, #tpu.memory_space<hbm>>)
    %dma_wait3A_320 = arith.constant 0 : i32
    %dma_wait3A_321 = arith.constant 0 : i32
    %dma_wait3A_322 = arith.constant 0 : i32
    %dma_wait3A_323 = arith.constant 0 : i32
    %dma_wait3A_324 = arith.constant 0 : i32
    %dma_wait3A_325 = tpu.memref_slice %arg21[%dma_wait3A_322, %dma_wait3A_323, %dma_wait3A_324] : memref<4x8x129xf32, #tpu.memory_space<vmem>> -> memref<4x8x128xf32, #tpu.memory_space<vmem>>
    %dma_wait3A_326 = arith.constant 0 : i32
    %dma_wait3A_327 = arith.constant 0 : i32
    %dma_wait3A_328 = arith.constant 0 : i32
    %dma_wait3A_329 = tpu.memref_slice %arg4[%dma_wait3A_320, %dma_wait3A_326, %dma_wait3A_321, %dma_wait3A_327, %dma_wait3A_328] : memref<50x4x128x8x128xf32, #tpu.memory_space<hbm>> -> memref<1x4x1x8x128xf32, #tpu.memory_space<hbm>>
    %dma_wait3A_330 = tpu.memref_squeeze %dma_wait3A_329 : memref<1x4x1x8x128xf32, #tpu.memory_space<hbm>> -> memref<4x8x128xf32, #tpu.memory_space<hbm>>
    %dma_wait3A_331 = arith.constant 0 : i32
    %dma_wait3A_332 = arith.constant 0 : i32
    %dma_wait3A_333 = arith.constant 0 : i32
    %dma_wait3A_334 = tpu.memref_slice %arg4[%dma_wait3A_320, %dma_wait3A_331, %dma_wait3A_321, %dma_wait3A_332, %dma_wait3A_333] : memref<50x4x128x8x128xf32, #tpu.memory_space<hbm>> -> memref<1x4x1x8x128xf32, #tpu.memory_space<hbm>>
    %dma_wait3A_335 = tpu.memref_squeeze %dma_wait3A_334 : memref<1x4x1x8x128xf32, #tpu.memory_space<hbm>> -> memref<4x8x128xf32, #tpu.memory_space<hbm>>
    %dma_wait3A_336 = arith.constant 0 : i32
    %dma_wait3A_337 = arith.constant 0 : i32
    %dma_wait3A_338 = arith.constant 0 : i32
    %dma_wait3A_339 = tpu.memref_slice %arg21[%dma_wait3A_336, %dma_wait3A_337, %dma_wait3A_338] : memref<4x8x129xf32, #tpu.memory_space<vmem>> -> memref<4x8x128xf32, #tpu.memory_space<vmem>>
    tpu.wait_dma2 semaphore(%arg37 : memref<!tpu.dma_semaphore, #tpu.memory_space<semaphore_mem>>) src(%dma_wait3A_339 : memref<4x8x128xf32, #tpu.memory_space<vmem>>) dst(%dma_wait3A_335 : memref<4x8x128xf32, #tpu.memory_space<hbm>>)
    return
  }
}

</mosaic_0001>

<sc_bundles>
// kernel: kernel.3.cloned.1.call-start
scs
__scs_entry_jumppad:
0x0: {  	(pc) =	sbr.rel $0x88, $3  }
0x1: {  	(tag) =	ssettag $0x0;
	lr =	simm.s32 $0x1  }
0x2: {  	[smem:$0x3F9F] =	sst lr;
	_ =	strace $0xD0000000  }
0x3: {  	_ = 	snop  }
0x4: {  	_ = 	snop  }
0x5: {  	_ = 	snop  }
0x6: {  	_ = 	snop  }
0x7: {  	_ = 	snop  }
__scs_overlays_trampoline_lowered:
0x8: {  	[smem:$0x3FAE] =	sst s0  }
0x9: {  	[smem:$0x3FAF] =	sst s1  }
0xa: {  	[smem:$0x3FB0] =	sst s2  }
0xb: {  	[smem:$0x3FB1] =	sst s3  }
0xc: {  	[smem:$0x3FB2] =	sst s4  }
0xd: {  	[smem:$0x3FB3] =	sst s5  }
0xe: {  	[smem:$0x3FB4] =	sst s6  }
0xf: {  	[smem:$0x3FB5] =	sst s7  }
0x10: {  	[smem:$0x3FB6] =	sst s8  }
0x11: {  	[smem:$0x3FB7] =	sst s9;
	s0 =	simm.s32 @!p0 $0x0  }
0x12: {  	s1 =	sld [smem:$0x3F9D];
	s0 =	simm.s32 @p0 $0x1  }
0x13: {  	[smem:$0x3FB8] =	sst s0;
	s0 =	simm.s32 @!p1 $0x0  }
0x14: {  	s2 =	sld [smem:$0x3F9C];
	s0 =	simm.s32 @p1 $0x1  }
0x15: {  	[smem:$0x3FB9] =	sst s0;
	s0 =	simm.s32 @!p2 $0x0  }
0x16: {  	s3 =	sld [smem:$0x3FDB];
	s0 =	simm.s32 @p2 $0x1  }
0x17: {  	s4 =	simm.s32 $0x1BF5;
	[smem:$0x3FBB] =	sst s0  }
0x18: {  	s0 =	sld [smem:$0x3F9E];
	_ =	swait.ge [sflag:s4], $0x0  }
0x19: {  	s7 =	sld [smem:$0x3F9F]  }
0x1a: {  	s8 =	sadd.s32 $0xFFFFE003, lr  }
0x1b: {  	s9 =	sadd.s32 $0xFFFFFEF7, lr;
	s5 =	simm.s32 $0xFFFFFFFF;
	p2 =	slt.u32 s8, $0xFFFFF086  }
0x1c: {  	p1 =	slt.u32 s9, $0xF7A;
	s5 =	simm.s32 @!p2 $0x0  }
0x1d: {  	s5 =	simm.s32 @p1 $0x1;
	p0 =	seq.s32 s7, s2  }
0x1e: {  	s7 =	smul.u32 @!p0 $0xF7A, s2;
	p2 =	seq.s32 @!p0 s5, $0x0  }
0x1f: {  	s9 =	smul.u32 $0xF7A, s1;
	s8 =	simm.s32 @!p0 $0x1BF5;
	p2 =	por !p2, p0  }
0x20: {  	[sflag:s8] =	ssyncset.s32 @!p0 $0xFFFFF086;
	s6 =	sadd.s32 @!p0 s3, s7;
	s7 =	simm.s32 @!p0 $0x108  }
0x21: {  	s3 =	sadd.s32 s3, s9;
	s6 =	sadd.s32 @!p0 $0x88, s6;
	s7 =	simm.s32 @p2 $0x1082  }
0x22: {  	[simem:s7], [sflag:s8] =	dma.local @!p0 [hbm:s6], $0xF7A  }
0x23: {  	s9 =	sor.u32 $0xD0000000, s2;
	s6 =	simm.s32 $0x108;
	_ =	swait.ge @!p0 [sflag:s8], $0x0  }
0x24: {  	s3 =	sadd.s32 $0x88, s3;
	s6 =	simm.s32 @!p1 $0x1082;
	[sflag:s4] =	ssyncset.s32 $0xFFFFF086  }
0x25: {  	[simem:s6], [sflag:s4] =	dma.local [hbm:s3], $0xF7A  }
0x26: {  	[smem:$0x3F9F] =	sst s1;
	(tag) =	ssettag s2;
	_ =	strace s9  }
0x27: {  	s1 =	sld [smem:$0x3FAF]  }
0x28: {  	s2 =	sld [smem:$0x3FB0]  }
0x29: {  	s4 =	sld [smem:$0x3FB2]  }
0x2a: {  	p0 =	seq.s32 s5, $0x0;
	s5 =	sld [smem:$0x3FB3]  }
0x2b: {  	s6 =	sld [smem:$0x3FB4]  }
0x2c: {  	s7 =	sld [smem:$0x3FB5]  }
0x2d: {  	s3 =	simm.s32 $0x108;
	s8 =	sld [smem:$0x3FB6]  }
0x2e: {  	s3 =	simm.s32 @!p0 $0x1082;
	s9 =	sld [smem:$0x3FB7]  }
0x2f: {  	lr =	sadd.s32 s0, s3;
	s0 =	sld [smem:$0x3FAE]  }
0x30: {  	s3 =	sld [smem:$0x3FB1]  }
0x31: {  	[smem:$0x3FBA] =	sst s10  }
0x32: {  	s10 =	sld [smem:$0x3FB8];
	_ =	sdelay $0x3  }
0x33: {  	p0 =	seq.s32 s10, $0x1;
	s10 =	sld [smem:$0x3FBA];
	_ =	sdelay $0x3  }
0x34: {  	[smem:$0x3FBA] =	sst s10  }
0x35: {  	s10 =	sld [smem:$0x3FB9];
	_ =	sdelay $0x3  }
0x36: {  	p1 =	seq.s32 s10, $0x1;
	s10 =	sld [smem:$0x3FBA];
	_ =	sdelay $0x3  }
0x37: {  	[smem:$0x3FBA] =	sst s10  }
0x38: {  	s10 =	sld [smem:$0x3FBB]  }
0x39: {  	_ = 	snop;
	(pc) =	sbr.ind lr, $3  }
0x3a: {  	_ = 	snop  }
0x3b: {  	_ = 	snop  }
0x3c: {  	p2 =	seq.s32 s10, $0x1;
	s10 =	sld [smem:$0x3FBA]  }
0x3d: {  	_ =	shalt  }
0x3e: {  	_ =	shalt  }
0x3f: {  	_ =	shalt  }
0x40: {  	_ =	shalt  }
0x41: {  	_ =	shalt  }
0x42: {  	_ =	shalt  }
0x43: {  	_ =	shalt  }
0x44: {  	_ =	shalt  }
0x45: {  	_ =	shalt  }
0x46: {  	_ =	shalt  }
0x47: {  	_ =	shalt  }
0x48: {  	_ =	shalt  }
0x49: {  	_ =	shalt  }
0x4a: {  	_ =	shalt  }
0x4b: {  	_ =	shalt  }
0x4c: {  	_ =	shalt  }
0x4d: {  	_ =	shalt  }
0x4e: {  	_ =	shalt  }
0x4f: {  	_ =	shalt  }
0x50: {  	_ =	shalt  }
0x51: {  	_ =	shalt  }
0x52: {  	_ =	shalt  }
0x53: {  	_ =	shalt  }
0x54: {  	_ =	shalt  }
0x55: {  	_ =	shalt  }
0x56: {  	_ =	shalt  }
0x57: {  	_ =	shalt  }
0x58: {  	_ =	shalt  }
0x59: {  	_ =	shalt  }
0x5a: {  	_ =	shalt  }
0x5b: {  	_ =	shalt  }
0x5c: {  	_ =	shalt  }
0x5d: {  	_ =	shalt  }
0x5e: {  	_ =	shalt  }
0x5f: {  	_ =	shalt  }
0x60: {  	_ =	shalt  }
0x61: {  	_ =	shalt  }
0x62: {  	_ =	shalt  }
0x63: {  	_ =	shalt  }
0x64: {  	_ =	shalt  }
0x65: {  	_ =	shalt  }
0x66: {  	_ =	shalt  }
0x67: {  	_ =	shalt  }
0x68: {  	_ =	shalt  }
0x69: {  	_ =	shalt  }
0x6a: {  	_ =	shalt  }
0x6b: {  	_ =	shalt  }
0x6c: {  	_ =	shalt  }
0x6d: {  	_ =	shalt  }
0x6e: {  	_ =	shalt  }
0x6f: {  	_ =	shalt  }
0x70: {  	_ =	shalt  }
0x71: {  	_ =	shalt  }
0x72: {  	_ =	shalt  }
0x73: {  	_ =	shalt  }
0x74: {  	_ =	shalt  }
0x75: {  	_ =	shalt  }
0x76: {  	_ =	shalt  }
0x77: {  	_ =	shalt  }
0x78: {  	_ =	shalt  }
0x79: {  	_ =	shalt  }
0x7a: {  	_ =	shalt  }
0x7b: {  	_ =	shalt  }
0x7c: {  	_ =	shalt  }
0x7d: {  	_ =	shalt  }
0x7e: {  	_ =	shalt  }
0x7f: {  	_ =	shalt  }
0x80: {  	_ =	shalt  }
0x81: {  	_ =	shalt  }
0x82: {  	_ =	shalt  }
0x83: {  	_ =	shalt  }
0x84: {  	_ =	shalt  }
0x85: {  	_ =	shalt  }
0x86: {  	_ =	shalt  }
0x87: {  	_ =	shalt  }
.Lfunc_end0:
.L_simem_size_0:
called_computation_lowered:
.L_overlay_start_0:
0x88: {  	s2 =	sld [smem:$0x3FD9]  }
0x89: {  	s3 =	sld [smem:$0x3FFE];
	_ =	sdelay $0x1  }
0x8a: {  	s1 =	srdreg.scid  }
0x8b: {  	s0 =	sand.u32 $0x1, s1  }
0x8c: {  	s17 =	sshll.u32 s0, $0xA;
	s2 =	sadd.s32 s3, s2  }
0x8d: {  	s2 =	sadd.s32 s2, s17  }
0x8e: {  	[smem:$0x3FC6] =	sst s2  }
0x8f: {  	_ = 	snop  }
0x90: {  	s2 =	sld [smem:$0x3FD0];
	(tm) =	ssettm $0x1  }
0x91: {  	s18 =	sld [smem:$0x3FFB];
	_ =	sdelay $0x3  }
0x92: {  	_ =	strace s18  }
0x93: {  	s3 =	sld [smem:$0x3FFC];
	_ =	sdelay $0x3  }
0x94: {  	_ =	strace s3  }
0x95: {  	s3 =	sld [smem:$0x3FFD];
	_ =	sdelay $0x3  }
0x96: {  	_ =	strace s3  }
0x97: {  	_ =	strace $0x8FFFFFFF  }
0x98: {  	s19 =	sld [smem:$0x3FDB];
	_ =	sdelay $0x1  }
0x99: {  	s4 =	simm.s32 $_scs_section_size  }
0x9a: {  	s5 =	simm.s32 $_size__tile_overlayer_lowered;
	s6 =	simm.s32 $_tile_overlayer_lowered  }
0x9b: {  	s22 =	simm.s32 $0x1BFF;
	s21 =	sshll.u32 s6, $0x1;
	s3 =	sadd.s32 s4, s19  }
0x9c: {  	s7 =	simm.s32 $0x0;
	s20 =	sshll.u32 s5, $0x1;
	s5 =	sadd.s32 s21, s3  }
0x9d: {  	[timem:s7], [sflag:s22] =	dma.local [hbm:s5], s20  }
0x9e: {  	_ =	swait.ge [sflag:s22], s20  }
0x9f: {  	s4 =	ssub.s32 $0x0, s20;
	[sflag:s22] =	ssyncset.done $0x0  }
0xa0: {  	[sflag:s22] =	ssyncadd.s32 s4;
	_ =	sdelay $0x1  }
0xa1: {  	s23 =	simm.s32 $0x1B8B  }
0xa2: {  	_ =	swait.ge [sflag:s23], $0x1  }
0xa3: {  	[sflag:s23] =	ssyncset.done $0x0  }
0xa4: {  	s25 =	simm.s32 $0x1B8E;
	s24 =	sld [smem:$0x3FFE];
	[sflag:s23] =	ssyncadd.s32 $0xFFFFFFFF  }
0xa5: {  	s26 =	simm.s32 $execute0_lowered;
	[smem:$0x3FD2] =	sst s25  }
0xa6: {  	s5 =	sshll.u32 s26, $0x1;
	_ =	strace $0x80000046;
	[dreg:$0x1] =	wrdreg $0xFFFFFFFF  }
0xa7: {  	s28 =	simm.s32 $_size_execute0_lowered;
	s3 =	sadd.s32 s3, s5;
	[dreg:$0x0] =	wrdreg $0x0  }
0xa8: {  	s5 =	sshll.u32 s28, $0x1;
	[dreg:$0x2] =	wrdreg s3  }
0xa9: {  	[dreg:$0x3] =	wrdreg s5  }
0xaa: {  	[dreg:$0x4] =	wrdreg $0xC0  }
0xab: {  	_ =	task [dreg:s7], $0x5FFFF  }
0xac: {  	[dreg:$0x1] =	wrdreg $0xFFFFFFFF  }
0xad: {  	[dreg:$0x0] =	wrdreg $0x60  }
0xae: {  	[dreg:$0x2] =	wrdreg s24  }
0xaf: {  	[dreg:$0x3] =	wrdreg s2  }
0xb0: {  	[dreg:$0x4] =	wrdreg $0x9  }
0xb1: {  	_ =	task.clear_ibuf [dreg:s7], $0x5FFFF;
	_ =	strace $0x90000046  }
0xb2: {  	s29 =	simm.s32 $0x9;
	_ =	strace $0x80000048  }
0xb3: {  	_ =	swait.ge [sflag:s29], $0x1  }
0xb4: {  	[sflag:s29] =	ssyncadd.s32 $0xFFFFFFFF  }
0xb5: {  	_ =	strace $0x90000048  }
0xb6: {  	_ =	sfence  }
0xb7: {  	s30 =	sld [smem:$0x0];
	_ =	sdelay $0x2  }
0xb8: {  	s31 =	sshll.u32 s1, $0xD;
	s1 =	sshrl.u32 s1, $0x2  }
0xb9: {  	s3 =	sand.u32 $0x4000, s31;
	s1 =	sadd.s32 s1, s30  }
0xba: {  	s0 =	sor.u32 s3, s0;
	s1 =	sshll.u32 s1, $0x11  }
0xbb: {  	s0 =	sor.u32 s1, s0  }
0xbc: {  	s0 =	sadd.s32 $0x8F2B, s0  }
0xbd: {  	[sflag:s0] =	ssyncadd.remote.s32 $0x1  }
0xbe: {  	_ =	sfence.sel $0xFFFF  }
0xbf: {  	[dreg:$0x0] =	wrdreg $0xFFFFFFFF;
	(pc) =	sbr.abs _section_cstart, $3  }
0xc0: {  	[dreg:$0x1] =	wrdreg $0xFFFFFFFF  }
0xc1: {  	_ =	task.clear_ibuf [dreg:s7], $0x2FFFF;
	_ =	strace $0x9FFFFFFF  }
0xc2: {  	(tm) =	ssettm $0x7FFFFFFF  }
0xc3: {  	_ =	shalt  }
tec
execute0_lowered:
.L_overlay_start_1:
0x0: {  	(tag) =	ssettag $0x1  }
0x1: {  	s0 =	rddreg [dreg:$0x0]  }
0x2: {  	s2 =	rddreg [dreg:$0x1];
	s1 =	srdreg.scid  }
0x3: {  	s4 =	stileid.u32;
	s3 =	simm.s32 $0x0;
	s29 =	simm.s32 $0x1  }
0x4: {  	s30 =	simm.s32 $0xE400;
	s20 =	simm.s32 $0x2;
	s21 =	simm.s32 $0xF500  }
0x5: {  	s31 =	simm.s32 $0x3;
	s11 =	simm.s32 $0x4;
	s28 =	simm.s32 $0x5  }
0x6: {  	s10 =	simm.s32 $0x12800;
	s12 =	simm.s32 $0x6;
	s15 =	simm.s32 $0x13900  }
0x7: {  	s14 =	simm.s32 $0x8;
	s24 =	simm.s32 $0x16B78;
	s17 =	simm.s32 $0x0  }
0x8: {  	s1 =	sand.u32 $0x1, s1;
	s4 =	sshll.u32 s4, $0x1;
	[smem:$0x7FF] =	sst s3  }
0x9: {  	s5 =	sor.u32 s1, s4;
	_ =	strace $0x80000047;
	s1 =	ssub.s32 $0x2, s1  }
0xa: {  	s4 =	sshll.u32 s5, $0x6;
	s25 =	sshrl.u32 s1, $0x1;
	s5 =	sshll.u32 s5, $0xC  }
0xb: {  	s6 =	sadd.s32 s4, s0;
	s4 =	sadd.s32 $0xF42A00, s0;
	s0 =	ssub.s32 s1, s25  }
0xc: {  	v0 =	vlaneseq.u32;
	s7 =	sor.u32 $0x400, s5;
	s8 =	sor.u32 $0x800, s5;
	s9 =	sor.u32 $0xC00, s5  }
0xd: {  	v0 =	vmul.u32 $0x88, v0;
	s25 =	simm.s32 $0x7;
	s1 =	simm.s32 $0x15B00;
	s26 =	sadd.s32 $0x600, s6  }
0xe: {  	s0 =	smax.u32 s0, $0x1;
	s6 =	simm.s32 $0x11700;
	[dreg:$0x3] =	wrdreg s26  }
0xf: {  	v1 =	vadd.s32 $0x880, v0;
	[dreg:$0x4] =	wrdreg s0;
	s0 =	simm.s32 $0x10600;
	s26 =	simm.s32 $0x14A00  }
.LBB2_1:
0x10: {  	[dreg:$0x5] =	wrdreg s17  }
0x11: {  	s13 =	rddreg [dreg:$0x3]  }
0x12: {  	s16 =	simm.s32 $0x200;
	s19 =	simm.s32 $0x4000;
	s22 =	simm.s32 $0x11  }
0x13: {  	[tilespmem:s3], [sflag:$0x11] =	stream.strided.gather [hbm4b:s13+s16], $0x6400, s19, s16, $0x38;
	[tilespmem:$0x16C00] =	vst v63  }
0x14: {  	_ =	swait.ge [sflag:s22], $0x6400  }
0x15: {  	[sflag:s22] =	ssyncset.done $0x0  }
0x16: {  	s23 =	simm.s32 $0x6400;
	s13 =	simm.s32 $0x80;
	[sflag:s22] =	ssyncadd.s32 $0xFFFF9C00  }
0x17: {  	[tilespmem:s23], [sflag:$0x1] =	stream.indirect.gather [hbm4b:s4+s13], $0x20, s3, s13, $0xb8;
	[tilespmem:$0x16C00] =	vst v63  }
0x18: {  	s18 =	simm.s32 $0x7400  }
0x19: {  	[tilespmem:s18], [sflag:$0x2] =	stream.indirect.gather [hbm4b:s4+s13], $0x20, s13, s13, $0xb8;
	[tilespmem:$0x16C00] =	vst v63  }
0x1a: {  	s19 =	simm.s32 $0x100;
	s18 =	simm.s32 $0x8400  }
0x1b: {  	[tilespmem:s18], [sflag:$0x3] =	stream.indirect.gather [hbm4b:s4+s13], $0x20, s19, s13, $0xb8;
	[tilespmem:$0x16C00] =	vst v63  }
0x1c: {  	s22 =	simm.s32 $0x180;
	s23 =	simm.s32 $0x9400  }
0x1d: {  	[tilespmem:s23], [sflag:$0x4] =	stream.indirect.gather [hbm4b:s4+s13], $0x20, s22, s13, $0xb8;
	[tilespmem:$0x16C00] =	vst v63  }
0x1e: {  	s19 =	simm.s32 $0xA400  }
0x1f: {  	[tilespmem:s19], [sflag:$0x5] =	stream.indirect.gather [hbm4b:s4+s13], $0x20, s16, s13, $0xb8;
	[tilespmem:$0x16C00] =	vst v63  }
0x20: {  	s22 =	simm.s32 $0x280;
	s23 =	simm.s32 $0xB400  }
0x21: {  	[tilespmem:s23], [sflag:$0x6] =	stream.indirect.gather [hbm4b:s4+s13], $0x20, s22, s13, $0xb8;
	[tilespmem:$0x16C00] =	vst v63  }
0x22: {  	s18 =	simm.s32 $0x300;
	s19 =	simm.s32 $0xC400  }
0x23: {  	[tilespmem:s19], [sflag:$0x7] =	stream.indirect.gather [hbm4b:s4+s13], $0x20, s18, s13, $0xb8;
	[tilespmem:$0x16C00] =	vst v63  }
0x24: {  	s22 =	simm.s32 $0x380;
	s23 =	simm.s32 $0xD400  }
0x25: {  	[tilespmem:s23], [sflag:$0x8] =	stream.indirect.gather [hbm4b:s4+s13], $0x20, s22, s13, $0xb8;
	[tilespmem:$0x16C00] =	vst v63  }
0x26: {  	s13 =	simm.s32 $0x0  }
.LBB2_2:
0x27: {  	_ =	swait.ge [sflag:s29], $0x1000  }
0x28: {  	p0 =	seq.s32 s13, $0x0;
	[sflag:s29] =	ssyncset.done $0x0  }
0x29: {  	s16 =	simm.s32 @!p0 $0x9;
	[sflag:s29] =	ssyncadd.s32 $0xFFFFF000  }
0x2a: {  	s17 =	simm.s32 $0x0;
	_ =	swait.ge @!p0 [sflag:s16], $0x1000  }
0x2b: {  	v2 =	vmov s17;
	[sflag:s16] =	ssyncset.done @!p0 $0x0  }
0x2c: {  	v2 =	vand.u32 $0x7C, v2;
	[sflag:s16] =	ssyncadd.s32 @!p0 $0xFFFFF000;
	s16 =	simm.s32 $0x6440  }
0x2d: {  	v4 =	vadd.s32 v0, v2;
	v3 =	vld [tilespmem:s16+$0xFFFFFFC0];
	_ =	sdelay $0x4  }
0x2e: {  	[tilespmem:v4+s30+$0x0] =	vst.idx.msk $0xffff, v3  }
0x2f: {  	v2 =	vadd.s32 v1, v2;
	v3 =	vld [tilespmem:s16+$0xFFFFFFD0];
	_ =	sdelay $0x2  }
0x30: {  	s19 =	simm.s32 $0x1  }
0x31: {  	v4 =	vmov s19  }
0x32: {  	[tilespmem:v2+s30+$0x0] =	vst.idx.msk $0xffff, v3;
	v2 =	vand.u32 $0x7D, v4  }
0x33: {  	v3 =	vld [tilespmem:s16+$0xFFFFFFE0];
	v4 =	vadd.s32 v0, v2;
	_ =	sdelay $0x4  }
0x34: {  	[tilespmem:v4+s30+$0x0] =	vst.idx.msk $0xffff, v3  }
0x35: {  	v2 =	vadd.s32 v1, v2;
	v3 =	vld [tilespmem:s16+$0xFFFFFFF0];
	_ =	sdelay $0x2  }
0x36: {  	s22 =	simm.s32 $0x2  }
0x37: {  	v4 =	vmov s22  }
0x38: {  	[tilespmem:v2+s30+$0x0] =	vst.idx.msk $0xffff, v3;
	v2 =	vand.u32 $0x7E, v4  }
0x39: {  	v3 =	vld [tilespmem:s16+$0x0];
	v4 =	vadd.s32 v0, v2;
	_ =	sdelay $0x4  }
0x3a: {  	[tilespmem:v4+s30+$0x0] =	vst.idx.msk $0xffff, v3  }
0x3b: {  	v2 =	vadd.s32 v1, v2;
	v3 =	vld [tilespmem:s16+$0x10];
	_ =	sdelay $0x2  }
0x3c: {  	s23 =	simm.s32 $0x3  }
0x3d: {  	v4 =	vmov s23  }
0x3e: {  	[tilespmem:v2+s30+$0x0] =	vst.idx.msk $0xffff, v3;
	v3 =	vand.u32 $0x7F, v4  }
0x3f: {  	v2 =	vld [tilespmem:s16+$0x20];
	v4 =	vadd.s32 v0, v3;
	_ =	sdelay $0x4  }
0x40: {  	[tilespmem:v4+s30+$0x0] =	vst.idx.msk $0xffff, v2  }
0x41: {  	v3 =	vadd.s32 v1, v3;
	v2 =	vld [tilespmem:s16+$0x30];
	_ =	sdelay $0x2  }
0x42: {  	s18 =	simm.s32 $0x4  }
0x43: {  	s17 =	sshll.u32 s13, $0x14;
	s19 =	simm.s32 $0x8;
	v4 =	vmov s18  }
.LBB2_3:
0x44: {  	p1 =	sne.s32 s19, $0x7C;
	v4 =	vand.u32 $0x7C, v4;
	[tilespmem:v3+s30+$0x0] =	vst.idx.msk $0xffff, v2;
	s16 =	sadd.s32 $0x80, s16  }
0x45: {  	v2 =	vld [tilespmem:s16+$0xFFFFFFC0];
	v3 =	vadd.s32 v0, v4;
	_ =	sdelay $0x4  }
0x46: {  	[tilespmem:v3+s30+$0x0] =	vst.idx.msk $0xffff, v2  }
0x47: {  	v3 =	vadd.s32 v1, v4;
	v2 =	vld [tilespmem:s16+$0xFFFFFFD0];
	_ =	sdelay $0x2  }
0x48: {  	s22 =	sadd.s32 $0x1, s18  }
0x49: {  	v4 =	vmov s22  }
0x4a: {  	[tilespmem:v3+s30+$0x0] =	vst.idx.msk $0xffff, v2;
	v2 =	vand.u32 $0x7D, v4  }
0x4b: {  	v3 =	vld [tilespmem:s16+$0xFFFFFFE0];
	v4 =	vadd.s32 v0, v2;
	_ =	sdelay $0x4  }
0x4c: {  	[tilespmem:v4+s30+$0x0] =	vst.idx.msk $0xffff, v3  }
0x4d: {  	v2 =	vadd.s32 v1, v2;
	v3 =	vld [tilespmem:s16+$0xFFFFFFF0];
	_ =	sdelay $0x2  }
0x4e: {  	s22 =	sadd.s32 $0x2, s18  }
0x4f: {  	v4 =	vmov s22  }
0x50: {  	[tilespmem:v2+s30+$0x0] =	vst.idx.msk $0xffff, v3;
	v2 =	vand.u32 $0x7E, v4  }
0x51: {  	v3 =	vld [tilespmem:s16+$0x0];
	v4 =	vadd.s32 v0, v2;
	_ =	sdelay $0x4  }
0x52: {  	[tilespmem:v4+s30+$0x0] =	vst.idx.msk $0xffff, v3  }
0x53: {  	v2 =	vadd.s32 v1, v2;
	v3 =	vld [tilespmem:s16+$0x10];
	_ =	sdelay $0x2  }
0x54: {  	s22 =	sadd.s32 $0x3, s18;
	s18 =	smov.u32 s19  }
0x55: {  	v4 =	vmov s22  }
0x56: {  	[tilespmem:v2+s30+$0x0] =	vst.idx.msk $0xffff, v3;
	v3 =	vand.u32 $0x7F, v4  }
0x57: {  	v2 =	vld [tilespmem:s16+$0x20];
	v4 =	vadd.s32 v0, v3;
	_ =	sdelay $0x4  }
0x58: {  	[tilespmem:v4+s30+$0x0] =	vst.idx.msk $0xffff, v2  }
.Ltmp0:
0x59: {  	v3 =	vadd.s32 v1, v3;
	v2 =	vld [tilespmem:s16+$0x30];
	(pc) =	sbr.rel @p1 .LBB2_3-.Ltmp0, $2  }
0x5a: {  	_ =	sdelay $0x2  }
0x5b: {  	s19 =	sadd.s32 $0x4, s19;
	v4 =	vmov s18  }
0x5c: {  	_ =	sdelay $0x3  }
0x5d: {  	v4 =	vand.u32 $0x7C, v4;
	[tilespmem:v3+s30+$0x0] =	vst.idx.msk $0xffff, v2;
	s16 =	sadd.s32 $0x80, s16  }
0x5e: {  	v2 =	vld [tilespmem:s16+$0xFFFFFFC0];
	v3 =	vadd.s32 v0, v4;
	_ =	sdelay $0x4  }
0x5f: {  	[tilespmem:v3+s30+$0x0] =	vst.idx.msk $0xffff, v2  }
0x60: {  	v3 =	vadd.s32 v1, v4;
	v2 =	vld [tilespmem:s16+$0xFFFFFFD0];
	_ =	sdelay $0x2  }
0x61: {  	s19 =	sadd.s32 $0x1, s18  }
0x62: {  	v4 =	vmov s19  }
0x63: {  	[tilespmem:v3+s30+$0x0] =	vst.idx.msk $0xffff, v2;
	v2 =	vand.u32 $0x7D, v4  }
0x64: {  	v3 =	vld [tilespmem:s16+$0xFFFFFFE0];
	v4 =	vadd.s32 v0, v2;
	_ =	sdelay $0x4  }
0x65: {  	[tilespmem:v4+s30+$0x0] =	vst.idx.msk $0xffff, v3  }
0x66: {  	v2 =	vadd.s32 v1, v2;
	v3 =	vld [tilespmem:s16+$0xFFFFFFF0];
	_ =	sdelay $0x2  }
0x67: {  	s22 =	sadd.s32 $0x2, s18  }
0x68: {  	v4 =	vmov s22  }
0x69: {  	[tilespmem:v2+s30+$0x0] =	vst.idx.msk $0xffff, v3;
	v2 =	vand.u32 $0x7E, v4  }
0x6a: {  	v3 =	vld [tilespmem:s16+$0x0];
	v4 =	vadd.s32 v0, v2;
	_ =	sdelay $0x4  }
0x6b: {  	[tilespmem:v4+s30+$0x0] =	vst.idx.msk $0xffff, v3  }
0x6c: {  	v2 =	vadd.s32 v1, v2;
	v3 =	vld [tilespmem:s16+$0x10];
	_ =	sdelay $0x2  }
0x6d: {  	s23 =	sadd.s32 $0x3, s18  }
0x6e: {  	v4 =	vmov s23  }
0x6f: {  	[tilespmem:v2+s30+$0x0] =	vst.idx.msk $0xffff, v3;
	v2 =	vand.u32 $0x7F, v4  }
0x70: {  	v3 =	vld [tilespmem:s16+$0x20];
	v4 =	vadd.s32 v0, v2;
	_ =	sdelay $0x4  }
0x71: {  	[tilespmem:v4+s30+$0x0] =	vst.idx.msk $0xffff, v3  }
0x72: {  	v2 =	vadd.s32 v1, v2;
	v3 =	vld [tilespmem:s16+$0x30];
	_ =	sdelay $0x1  }
0x73: {  	p1 =	seq.s32 s13, $0x18  }
0x74: {  	s16 =	sshll.u32 @!p1 s13, $0xA  }
0x75: {  	s16 =	sand.u32 @!p1 $0x3FFFFC00, s16  }
0x76: {  	s19 =	simm.s32 @!p1 $0x80;
	s22 =	simm.s32 @!p1 $0x6400;
	s18 =	sadd.s32 @!p1 $0x400, s16;
	[tilespmem:v2+s30+$0x0] =	vst.idx.msk $0xffff, v3  }
0x77: {  	[tilespmem:s22], [sflag:$0x1] =	stream.indirect.gather @!p1 [hbm4b:s4+s19], $0x20, s18, s19, $0xb8;
	[tilespmem:$0x16C00] =	vst v63  }
0x78: {  	s19 =	sor.u32 s5, s17  }
0x79: {  	s18 =	sshrl.u32 s19, $0x3  }
0x7a: {  	s18 =	sadd.s32 s2, s18  }
0x7b: {  	[hbm4b:s18+s3] =	stream.linear.scatter [tilespmem:s30], [sflag:$0x9], $0x80, $0x38;
	[tilespmem:$0x16C00] =	vst v63  }
0x7c: {  	s23 =	simm.s32 $0xE488;
	s22 =	sadd.s32 $0x10, s18  }
0x7d: {  	[hbm4b:s22+s3] =	stream.linear.scatter [tilespmem:s23], [sflag:$0x9], $0x80, $0x38;
	[tilespmem:$0x16C00] =	vst v63  }
0x7e: {  	s22 =	sadd.s32 $0x20, s18;
	s23 =	simm.s32 $0xE510  }
0x7f: {  	[hbm4b:s22+s3] =	stream.linear.scatter [tilespmem:s23], [sflag:$0x9], $0x80, $0x38;
	[tilespmem:$0x16C00] =	vst v63  }
0x80: {  	s22 =	sadd.s32 $0x30, s18;
	s23 =	simm.s32 $0xE598  }
0x81: {  	[hbm4b:s22+s3] =	stream.linear.scatter [tilespmem:s23], [sflag:$0x9], $0x80, $0x38;
	[tilespmem:$0x16C00] =	vst v63  }
0x82: {  	s22 =	sadd.s32 $0x40, s18;
	s23 =	simm.s32 $0xE620  }
0x83: {  	[hbm4b:s22+s3] =	stream.linear.scatter [tilespmem:s23], [sflag:$0x9], $0x80, $0x38;
	[tilespmem:$0x16C00] =	vst v63  }
0x84: {  	s22 =	sadd.s32 $0x50, s18;
	s23 =	simm.s32 $0xE6A8  }
0x85: {  	[hbm4b:s22+s3] =	stream.linear.scatter [tilespmem:s23], [sflag:$0x9], $0x80, $0x38;
	[tilespmem:$0x16C00] =	vst v63  }
0x86: {  	s22 =	sadd.s32 $0x60, s18;
	s23 =	simm.s32 $0xE730  }
0x87: {  	[hbm4b:s22+s3] =	stream.linear.scatter [tilespmem:s23], [sflag:$0x9], $0x80, $0x38;
	[tilespmem:$0x16C00] =	vst v63  }
0x88: {  	s22 =	sadd.s32 $0x70, s18;
	s23 =	simm.s32 $0xE7B8  }
0x89: {  	[hbm4b:s22+s3] =	stream.linear.scatter [tilespmem:s23], [sflag:$0x9], $0x80, $0x38;
	[tilespmem:$0x16C00] =	vst v63  }
0x8a: {  	s22 =	sadd.s32 $0x4000, s18;
	s23 =	simm.s32 $0xE840  }
0x8b: {  	[hbm4b:s22+s3] =	stream.linear.scatter [tilespmem:s23], [sflag:$0x9], $0x80, $0x38;
	[tilespmem:$0x16C00] =	vst v63  }
0x8c: {  	s22 =	sadd.s32 $0x4010, s18;
	s23 =	simm.s32 $0xE8C8  }
0x8d: {  	[hbm4b:s22+s3] =	stream.linear.scatter [tilespmem:s23], [sflag:$0x9], $0x80, $0x38;
	[tilespmem:$0x16C00] =	vst v63  }
0x8e: {  	s22 =	sadd.s32 $0x4020, s18;
	s23 =	simm.s32 $0xE950  }
0x8f: {  	[hbm4b:s22+s3] =	stream.linear.scatter [tilespmem:s23], [sflag:$0x9], $0x80, $0x38;
	[tilespmem:$0x16C00] =	vst v63  }
0x90: {  	s22 =	sadd.s32 $0x4030, s18;
	s23 =	simm.s32 $0xE9D8  }
0x91: {  	[hbm4b:s22+s3] =	stream.linear.scatter [tilespmem:s23], [sflag:$0x9], $0x80, $0x38;
	[tilespmem:$0x16C00] =	vst v63  }
0x92: {  	s22 =	sadd.s32 $0x4040, s18;
	s23 =	simm.s32 $0xEA60  }
0x93: {  	[hbm4b:s22+s3] =	stream.linear.scatter [tilespmem:s23], [sflag:$0x9], $0x80, $0x38;
	[tilespmem:$0x16C00] =	vst v63  }
0x94: {  	s22 =	sadd.s32 $0x4050, s18;
	s23 =	simm.s32 $0xEAE8  }
0x95: {  	[hbm4b:s22+s3] =	stream.linear.scatter [tilespmem:s23], [sflag:$0x9], $0x80, $0x38;
	[tilespmem:$0x16C00] =	vst v63  }
0x96: {  	s22 =	sadd.s32 $0x4060, s18;
	s23 =	simm.s32 $0xEB70  }
0x97: {  	[hbm4b:s22+s3] =	stream.linear.scatter [tilespmem:s23], [sflag:$0x9], $0x80, $0x38;
	[tilespmem:$0x16C00] =	vst v63  }
0x98: {  	s22 =	sadd.s32 $0x4070, s18;
	s23 =	simm.s32 $0xEBF8  }
0x99: {  	[hbm4b:s22+s3] =	stream.linear.scatter [tilespmem:s23], [sflag:$0x9], $0x80, $0x38;
	[tilespmem:$0x16C00] =	vst v63  }
0x9a: {  	s22 =	sadd.s32 $0x8000, s18;
	s23 =	simm.s32 $0xEC80  }
0x9b: {  	[hbm4b:s22+s3] =	stream.linear.scatter [tilespmem:s23], [sflag:$0x9], $0x80, $0x38;
	[tilespmem:$0x16C00] =	vst v63  }
0x9c: {  	s22 =	sadd.s32 $0x8010, s18;
	s23 =	simm.s32 $0xED08  }
0x9d: {  	[hbm4b:s22+s3] =	stream.linear.scatter [tilespmem:s23], [sflag:$0x9], $0x80, $0x38;
	[tilespmem:$0x16C00] =	vst v63  }
0x9e: {  	s22 =	sadd.s32 $0x8020, s18;
	s23 =	simm.s32 $0xED90  }
0x9f: {  	[hbm4b:s22+s3] =	stream.linear.scatter [tilespmem:s23], [sflag:$0x9], $0x80, $0x38;
	[tilespmem:$0x16C00] =	vst v63  }
0xa0: {  	s22 =	sadd.s32 $0x8030, s18;
	s23 =	simm.s32 $0xEE18  }
0xa1: {  	[hbm4b:s22+s3] =	stream.linear.scatter [tilespmem:s23], [sflag:$0x9], $0x80, $0x38;
	[tilespmem:$0x16C00] =	vst v63  }
0xa2: {  	s22 =	sadd.s32 $0x8040, s18;
	s23 =	simm.s32 $0xEEA0  }
0xa3: {  	[hbm4b:s22+s3] =	stream.linear.scatter [tilespmem:s23], [sflag:$0x9], $0x80, $0x38;
	[tilespmem:$0x16C00] =	vst v63  }
0xa4: {  	s22 =	sadd.s32 $0x8050, s18;
	s23 =	simm.s32 $0xEF28  }
0xa5: {  	[hbm4b:s22+s3] =	stream.linear.scatter [tilespmem:s23], [sflag:$0x9], $0x80, $0x38;
	[tilespmem:$0x16C00] =	vst v63  }
0xa6: {  	s22 =	sadd.s32 $0x8060, s18;
	s23 =	simm.s32 $0xEFB0  }
0xa7: {  	[hbm4b:s22+s3] =	stream.linear.scatter [tilespmem:s23], [sflag:$0x9], $0x80, $0x38;
	[tilespmem:$0x16C00] =	vst v63  }
0xa8: {  	s22 =	sadd.s32 $0x8070, s18;
	s23 =	simm.s32 $0xF038  }
0xa9: {  	[hbm4b:s22+s3] =	stream.linear.scatter [tilespmem:s23], [sflag:$0x9], $0x80, $0x38;
	[tilespmem:$0x16C00] =	vst v63  }
0xaa: {  	s22 =	sadd.s32 $0xC000, s18;
	s23 =	simm.s32 $0xF0C0  }
0xab: {  	[hbm4b:s22+s3] =	stream.linear.scatter [tilespmem:s23], [sflag:$0x9], $0x80, $0x38;
	[tilespmem:$0x16C00] =	vst v63  }
0xac: {  	s22 =	sadd.s32 $0xC010, s18;
	s23 =	simm.s32 $0xF148  }
0xad: {  	[hbm4b:s22+s3] =	stream.linear.scatter [tilespmem:s23], [sflag:$0x9], $0x80, $0x38;
	[tilespmem:$0x16C00] =	vst v63  }
0xae: {  	s22 =	sadd.s32 $0xC020, s18;
	s23 =	simm.s32 $0xF1D0  }
0xaf: {  	[hbm4b:s22+s3] =	stream.linear.scatter [tilespmem:s23], [sflag:$0x9], $0x80, $0x38;
	[tilespmem:$0x16C00] =	vst v63  }
0xb0: {  	s22 =	sadd.s32 $0xC030, s18;
	s23 =	simm.s32 $0xF258  }
0xb1: {  	[hbm4b:s22+s3] =	stream.linear.scatter [tilespmem:s23], [sflag:$0x9], $0x80, $0x38;
	[tilespmem:$0x16C00] =	vst v63  }
0xb2: {  	s22 =	sadd.s32 $0xC040, s18;
	s23 =	simm.s32 $0xF2E0  }
0xb3: {  	[hbm4b:s22+s3] =	stream.linear.scatter [tilespmem:s23], [sflag:$0x9], $0x80, $0x38;
	[tilespmem:$0x16C00] =	vst v63  }
0xb4: {  	s22 =	sadd.s32 $0xC050, s18;
	s23 =	simm.s32 $0xF368  }
0xb5: {  	[hbm4b:s22+s3] =	stream.linear.scatter [tilespmem:s23], [sflag:$0x9], $0x80, $0x38;
	[tilespmem:$0x16C00] =	vst v63  }
0xb6: {  	s22 =	sadd.s32 $0xC060, s18;
	s23 =	simm.s32 $0xF3F0  }
0xb7: {  	[hbm4b:s22+s3] =	stream.linear.scatter [tilespmem:s23], [sflag:$0x9], $0x80, $0x38;
	[tilespmem:$0x16C00] =	vst v63  }
0xb8: {  	s18 =	sadd.s32 $0xC070, s18;
	s23 =	simm.s32 $0xF478  }
0xb9: {  	[hbm4b:s18+s3] =	stream.linear.scatter [tilespmem:s23], [sflag:$0x9], $0x80, $0x38;
	[tilespmem:$0x16C00] =	vst v63  }
0xba: {  	_ =	swait.ge [sflag:s20], $0x1000  }
0xbb: {  	[sflag:s20] =	ssyncset.done $0x0  }
0xbc: {  	s18 =	simm.s32 @!p0 $0xA;
	[sflag:s20] =	ssyncadd.s32 $0xFFFFF000  }
0xbd: {  	s22 =	simm.s32 $0x0;
	_ =	swait.ge @!p0 [sflag:s18], $0x1000  }
0xbe: {  	v2 =	vmov s22;
	[sflag:s18] =	ssyncset.done @!p0 $0x0  }
0xbf: {  	v2 =	vand.u32 $0x7C, v2;
	[sflag:s18] =	ssyncadd.s32 @!p0 $0xFFFFF000;
	s18 =	simm.s32 $0x7440  }
0xc0: {  	v4 =	vadd.s32 v0, v2;
	v3 =	vld [tilespmem:s18+$0xFFFFFFC0];
	_ =	sdelay $0x4  }
0xc1: {  	[tilespmem:v4+s21+$0x0] =	vst.idx.msk $0xffff, v3  }
0xc2: {  	v2 =	vadd.s32 v1, v2;
	v3 =	vld [tilespmem:s18+$0xFFFFFFD0];
	_ =	sdelay $0x2  }
0xc3: {  	s23 =	simm.s32 $0x1  }
0xc4: {  	v4 =	vmov s23  }
0xc5: {  	[tilespmem:v2+s21+$0x0] =	vst.idx.msk $0xffff, v3;
	v2 =	vand.u32 $0x7D, v4  }
0xc6: {  	v3 =	vld [tilespmem:s18+$0xFFFFFFE0];
	v4 =	vadd.s32 v0, v2;
	_ =	sdelay $0x4  }
0xc7: {  	[tilespmem:v4+s21+$0x0] =	vst.idx.msk $0xffff, v3  }
0xc8: {  	v2 =	vadd.s32 v1, v2;
	v3 =	vld [tilespmem:s18+$0xFFFFFFF0];
	_ =	sdelay $0x2  }
0xc9: {  	s22 =	simm.s32 $0x2  }
0xca: {  	v4 =	vmov s22  }
0xcb: {  	[tilespmem:v2+s21+$0x0] =	vst.idx.msk $0xffff, v3;
	v2 =	vand.u32 $0x7E, v4  }
0xcc: {  	v3 =	vld [tilespmem:s18+$0x0];
	v4 =	vadd.s32 v0, v2;
	_ =	sdelay $0x4  }
0xcd: {  	[tilespmem:v4+s21+$0x0] =	vst.idx.msk $0xffff, v3  }
0xce: {  	v2 =	vadd.s32 v1, v2;
	v3 =	vld [tilespmem:s18+$0x10];
	_ =	sdelay $0x2  }
0xcf: {  	s23 =	simm.s32 $0x3  }
0xd0: {  	v4 =	vmov s23  }
0xd1: {  	[tilespmem:v2+s21+$0x0] =	vst.idx.msk $0xffff, v3;
	v3 =	vand.u32 $0x7F, v4  }
0xd2: {  	v2 =	vld [tilespmem:s18+$0x20];
	v4 =	vadd.s32 v0, v3;
	_ =	sdelay $0x4  }
0xd3: {  	[tilespmem:v4+s21+$0x0] =	vst.idx.msk $0xffff, v2  }
0xd4: {  	v3 =	vadd.s32 v1, v3;
	v2 =	vld [tilespmem:s18+$0x30];
	_ =	sdelay $0x2  }
0xd5: {  	s19 =	simm.s32 $0x4  }
0xd6: {  	s22 =	simm.s32 $0x8;
	v4 =	vmov s19  }
.LBB2_5:
0xd7: {  	p2 =	sne.s32 s22, $0x7C;
	v4 =	vand.u32 $0x7C, v4;
	[tilespmem:v3+s21+$0x0] =	vst.idx.msk $0xffff, v2;
	s18 =	sadd.s32 $0x80, s18  }
0xd8: {  	v2 =	vld [tilespmem:s18+$0xFFFFFFC0];
	v3 =	vadd.s32 v0, v4;
	_ =	sdelay $0x4  }
0xd9: {  	[tilespmem:v3+s21+$0x0] =	vst.idx.msk $0xffff, v2  }
0xda: {  	v3 =	vadd.s32 v1, v4;
	v2 =	vld [tilespmem:s18+$0xFFFFFFD0];
	_ =	sdelay $0x2  }
0xdb: {  	s23 =	sadd.s32 $0x1, s19  }
0xdc: {  	v4 =	vmov s23  }
0xdd: {  	[tilespmem:v3+s21+$0x0] =	vst.idx.msk $0xffff, v2;
	v2 =	vand.u32 $0x7D, v4  }
0xde: {  	v3 =	vld [tilespmem:s18+$0xFFFFFFE0];
	v4 =	vadd.s32 v0, v2;
	_ =	sdelay $0x4  }
0xdf: {  	[tilespmem:v4+s21+$0x0] =	vst.idx.msk $0xffff, v3  }
0xe0: {  	v2 =	vadd.s32 v1, v2;
	v3 =	vld [tilespmem:s18+$0xFFFFFFF0];
	_ =	sdelay $0x2  }
0xe1: {  	s23 =	sadd.s32 $0x2, s19  }
0xe2: {  	v4 =	vmov s23  }
0xe3: {  	[tilespmem:v2+s21+$0x0] =	vst.idx.msk $0xffff, v3;
	v2 =	vand.u32 $0x7E, v4  }
0xe4: {  	v3 =	vld [tilespmem:s18+$0x0];
	v4 =	vadd.s32 v0, v2;
	_ =	sdelay $0x4  }
0xe5: {  	[tilespmem:v4+s21+$0x0] =	vst.idx.msk $0xffff, v3  }
0xe6: {  	v2 =	vadd.s32 v1, v2;
	v3 =	vld [tilespmem:s18+$0x10];
	_ =	sdelay $0x2  }
0xe7: {  	s23 =	sadd.s32 $0x3, s19;
	s19 =	smov.u32 s22  }
0xe8: {  	v4 =	vmov s23  }
0xe9: {  	[tilespmem:v2+s21+$0x0] =	vst.idx.msk $0xffff, v3;
	v3 =	vand.u32 $0x7F, v4  }
0xea: {  	v2 =	vld [tilespmem:s18+$0x20];
	v4 =	vadd.s32 v0, v3;
	_ =	sdelay $0x4  }
0xeb: {  	[tilespmem:v4+s21+$0x0] =	vst.idx.msk $0xffff, v2  }
.Ltmp1:
0xec: {  	v3 =	vadd.s32 v1, v3;
	v2 =	vld [tilespmem:s18+$0x30];
	(pc) =	sbr.rel @p2 .LBB2_5-.Ltmp1, $2  }
0xed: {  	_ =	sdelay $0x2  }
0xee: {  	s22 =	sadd.s32 $0x4, s22;
	v4 =	vmov s19  }
0xef: {  	_ =	sdelay $0x3  }
0xf0: {  	v4 =	vand.u32 $0x7C, v4;
	[tilespmem:v3+s21+$0x0] =	vst.idx.msk $0xffff, v2;
	s18 =	sadd.s32 $0x80, s18  }
0xf1: {  	v2 =	vld [tilespmem:s18+$0xFFFFFFC0];
	v3 =	vadd.s32 v0, v4;
	_ =	sdelay $0x4  }
0xf2: {  	[tilespmem:v3+s21+$0x0] =	vst.idx.msk $0xffff, v2  }
0xf3: {  	v3 =	vadd.s32 v1, v4;
	v2 =	vld [tilespmem:s18+$0xFFFFFFD0];
	_ =	sdelay $0x2  }
0xf4: {  	s22 =	sadd.s32 $0x1, s19  }
0xf5: {  	v4 =	vmov s22  }
0xf6: {  	[tilespmem:v3+s21+$0x0] =	vst.idx.msk $0xffff, v2;
	v2 =	vand.u32 $0x7D, v4  }
0xf7: {  	v3 =	vld [tilespmem:s18+$0xFFFFFFE0];
	v4 =	vadd.s32 v0, v2;
	_ =	sdelay $0x4  }
0xf8: {  	[tilespmem:v4+s21+$0x0] =	vst.idx.msk $0xffff, v3  }
0xf9: {  	v2 =	vadd.s32 v1, v2;
	v3 =	vld [tilespmem:s18+$0xFFFFFFF0];
	_ =	sdelay $0x2  }
0xfa: {  	s23 =	sadd.s32 $0x2, s19  }
0xfb: {  	v4 =	vmov s23  }
0xfc: {  	[tilespmem:v2+s21+$0x0] =	vst.idx.msk $0xffff, v3;
	v2 =	vand.u32 $0x7E, v4  }
0xfd: {  	v3 =	vld [tilespmem:s18+$0x0];
	v4 =	vadd.s32 v0, v2;
	_ =	sdelay $0x4  }
0xfe: {  	[tilespmem:v4+s21+$0x0] =	vst.idx.msk $0xffff, v3  }
0xff: {  	v2 =	vadd.s32 v1, v2;
	v3 =	vld [tilespmem:s18+$0x10];
	_ =	sdelay $0x2  }
0x100: {  	s23 =	sadd.s32 $0x3, s19  }
0x101: {  	v4 =	vmov s23  }
0x102: {  	[tilespmem:v2+s21+$0x0] =	vst.idx.msk $0xffff, v3;
	v2 =	vand.u32 $0x7F, v4  }
0x103: {  	v3 =	vld [tilespmem:s18+$0x20];
	v4 =	vadd.s32 v0, v2;
	_ =	sdelay $0x4  }
0x104: {  	[tilespmem:v4+s21+$0x0] =	vst.idx.msk $0xffff, v3  }
0x105: {  	v2 =	vadd.s32 v1, v2;
	v3 =	vld [tilespmem:s18+$0x30];
	_ =	sdelay $0x4  }
0x106: {  	s22 =	simm.s32 @!p1 $0x7400;
	s19 =	simm.s32 @!p1 $0x80;
	s18 =	sadd.s32 @!p1 $0x480, s16;
	[tilespmem:v2+s21+$0x0] =	vst.idx.msk $0xffff, v3  }
0x107: {  	[tilespmem:s22], [sflag:$0x2] =	stream.indirect.gather @!p1 [hbm4b:s4+s19], $0x20, s18, s19, $0xb8;
	[tilespmem:$0x16C00] =	vst v63  }
0x108: {  	s19 =	sor.u32 s7, s17  }
0x109: {  	s18 =	sshrl.u32 s19, $0x3  }
0x10a: {  	s18 =	sadd.s32 s2, s18  }
0x10b: {  	[hbm4b:s18+s3] =	stream.linear.scatter [tilespmem:s21], [sflag:$0xA], $0x80, $0x38;
	[tilespmem:$0x16C00] =	vst v63  }
0x10c: {  	s23 =	simm.s32 $0xF588;
	s22 =	sadd.s32 $0x10, s18  }
0x10d: {  	[hbm4b:s22+s3] =	stream.linear.scatter [tilespmem:s23], [sflag:$0xA], $0x80, $0x38;
	[tilespmem:$0x16C00] =	vst v63  }
0x10e: {  	s22 =	sadd.s32 $0x20, s18;
	s23 =	simm.s32 $0xF610  }
0x10f: {  	[hbm4b:s22+s3] =	stream.linear.scatter [tilespmem:s23], [sflag:$0xA], $0x80, $0x38;
	[tilespmem:$0x16C00] =	vst v63  }
0x110: {  	s22 =	sadd.s32 $0x30, s18;
	s23 =	simm.s32 $0xF698  }
0x111: {  	[hbm4b:s22+s3] =	stream.linear.scatter [tilespmem:s23], [sflag:$0xA], $0x80, $0x38;
	[tilespmem:$0x16C00] =	vst v63  }
0x112: {  	s22 =	sadd.s32 $0x40, s18;
	s23 =	simm.s32 $0xF720  }
0x113: {  	[hbm4b:s22+s3] =	stream.linear.scatter [tilespmem:s23], [sflag:$0xA], $0x80, $0x38;
	[tilespmem:$0x16C00] =	vst v63  }
0x114: {  	s22 =	sadd.s32 $0x50, s18;
	s23 =	simm.s32 $0xF7A8  }
0x115: {  	[hbm4b:s22+s3] =	stream.linear.scatter [tilespmem:s23], [sflag:$0xA], $0x80, $0x38;
	[tilespmem:$0x16C00] =	vst v63  }
0x116: {  	s22 =	sadd.s32 $0x60, s18;
	s23 =	simm.s32 $0xF830  }
0x117: {  	[hbm4b:s22+s3] =	stream.linear.scatter [tilespmem:s23], [sflag:$0xA], $0x80, $0x38;
	[tilespmem:$0x16C00] =	vst v63  }
0x118: {  	s22 =	sadd.s32 $0x70, s18;
	s23 =	simm.s32 $0xF8B8  }
0x119: {  	[hbm4b:s22+s3] =	stream.linear.scatter [tilespmem:s23], [sflag:$0xA], $0x80, $0x38;
	[tilespmem:$0x16C00] =	vst v63  }
0x11a: {  	s22 =	sadd.s32 $0x4000, s18;
	s23 =	simm.s32 $0xF940  }
0x11b: {  	[hbm4b:s22+s3] =	stream.linear.scatter [tilespmem:s23], [sflag:$0xA], $0x80, $0x38;
	[tilespmem:$0x16C00] =	vst v63  }
0x11c: {  	s22 =	sadd.s32 $0x4010, s18;
	s23 =	simm.s32 $0xF9C8  }
0x11d: {  	[hbm4b:s22+s3] =	stream.linear.scatter [tilespmem:s23], [sflag:$0xA], $0x80, $0x38;
	[tilespmem:$0x16C00] =	vst v63  }
0x11e: {  	s22 =	sadd.s32 $0x4020, s18;
	s23 =	simm.s32 $0xFA50  }
0x11f: {  	[hbm4b:s22+s3] =	stream.linear.scatter [tilespmem:s23], [sflag:$0xA], $0x80, $0x38;
	[tilespmem:$0x16C00] =	vst v63  }
0x120: {  	s22 =	sadd.s32 $0x4030, s18;
	s23 =	simm.s32 $0xFAD8  }
0x121: {  	[hbm4b:s22+s3] =	stream.linear.scatter [tilespmem:s23], [sflag:$0xA], $0x80, $0x38;
	[tilespmem:$0x16C00] =	vst v63  }
0x122: {  	s22 =	sadd.s32 $0x4040, s18;
	s23 =	simm.s32 $0xFB60  }
0x123: {  	[hbm4b:s22+s3] =	stream.linear.scatter [tilespmem:s23], [sflag:$0xA], $0x80, $0x38;
	[tilespmem:$0x16C00] =	vst v63  }
0x124: {  	s22 =	sadd.s32 $0x4050, s18;
	s23 =	simm.s32 $0xFBE8  }
0x125: {  	[hbm4b:s22+s3] =	stream.linear.scatter [tilespmem:s23], [sflag:$0xA], $0x80, $0x38;
	[tilespmem:$0x16C00] =	vst v63  }
0x126: {  	s22 =	sadd.s32 $0x4060, s18;
	s23 =	simm.s32 $0xFC70  }
0x127: {  	[hbm4b:s22+s3] =	stream.linear.scatter [tilespmem:s23], [sflag:$0xA], $0x80, $0x38;
	[tilespmem:$0x16C00] =	vst v63  }
0x128: {  	s22 =	sadd.s32 $0x4070, s18;
	s23 =	simm.s32 $0xFCF8  }
0x129: {  	[hbm4b:s22+s3] =	stream.linear.scatter [tilespmem:s23], [sflag:$0xA], $0x80, $0x38;
	[tilespmem:$0x16C00] =	vst v63  }
0x12a: {  	s22 =	sadd.s32 $0x8000, s18;
	s23 =	simm.s32 $0xFD80  }
0x12b: {  	[hbm4b:s22+s3] =	stream.linear.scatter [tilespmem:s23], [sflag:$0xA], $0x80, $0x38;
	[tilespmem:$0x16C00] =	vst v63  }
0x12c: {  	s22 =	sadd.s32 $0x8010, s18;
	s23 =	simm.s32 $0xFE08  }
0x12d: {  	[hbm4b:s22+s3] =	stream.linear.scatter [tilespmem:s23], [sflag:$0xA], $0x80, $0x38;
	[tilespmem:$0x16C00] =	vst v63  }
0x12e: {  	s22 =	sadd.s32 $0x8020, s18;
	s23 =	simm.s32 $0xFE90  }
0x12f: {  	[hbm4b:s22+s3] =	stream.linear.scatter [tilespmem:s23], [sflag:$0xA], $0x80, $0x38;
	[tilespmem:$0x16C00] =	vst v63  }
0x130: {  	s22 =	sadd.s32 $0x8030, s18;
	s23 =	simm.s32 $0xFF18  }
0x131: {  	[hbm4b:s22+s3] =	stream.linear.scatter [tilespmem:s23], [sflag:$0xA], $0x80, $0x38;
	[tilespmem:$0x16C00] =	vst v63  }
0x132: {  	s22 =	sadd.s32 $0x8040, s18;
	s23 =	simm.s32 $0xFFA0  }
0x133: {  	[hbm4b:s22+s3] =	stream.linear.scatter [tilespmem:s23], [sflag:$0xA], $0x80, $0x38;
	[tilespmem:$0x16C00] =	vst v63  }
0x134: {  	s22 =	sadd.s32 $0x8050, s18;
	s23 =	simm.s32 $0x10028  }
0x135: {  	[hbm4b:s22+s3] =	stream.linear.scatter [tilespmem:s23], [sflag:$0xA], $0x80, $0x38;
	[tilespmem:$0x16C00] =	vst v63  }
0x136: {  	s22 =	sadd.s32 $0x8060, s18;
	s23 =	simm.s32 $0x100B0  }
0x137: {  	[hbm4b:s22+s3] =	stream.linear.scatter [tilespmem:s23], [sflag:$0xA], $0x80, $0x38;
	[tilespmem:$0x16C00] =	vst v63  }
0x138: {  	s22 =	sadd.s32 $0x8070, s18;
	s23 =	simm.s32 $0x10138  }
0x139: {  	[hbm4b:s22+s3] =	stream.linear.scatter [tilespmem:s23], [sflag:$0xA], $0x80, $0x38;
	[tilespmem:$0x16C00] =	vst v63  }
0x13a: {  	s22 =	sadd.s32 $0xC000, s18;
	s23 =	simm.s32 $0x101C0  }
0x13b: {  	[hbm4b:s22+s3] =	stream.linear.scatter [tilespmem:s23], [sflag:$0xA], $0x80, $0x38;
	[tilespmem:$0x16C00] =	vst v63  }
0x13c: {  	s22 =	sadd.s32 $0xC010, s18;
	s23 =	simm.s32 $0x10248  }
0x13d: {  	[hbm4b:s22+s3] =	stream.linear.scatter [tilespmem:s23], [sflag:$0xA], $0x80, $0x38;
	[tilespmem:$0x16C00] =	vst v63  }
0x13e: {  	s22 =	sadd.s32 $0xC020, s18;
	s23 =	simm.s32 $0x102D0  }
0x13f: {  	[hbm4b:s22+s3] =	stream.linear.scatter [tilespmem:s23], [sflag:$0xA], $0x80, $0x38;
	[tilespmem:$0x16C00] =	vst v63  }
0x140: {  	s22 =	sadd.s32 $0xC030, s18;
	s23 =	simm.s32 $0x10358  }
0x141: {  	[hbm4b:s22+s3] =	stream.linear.scatter [tilespmem:s23], [sflag:$0xA], $0x80, $0x38;
	[tilespmem:$0x16C00] =	vst v63  }
0x142: {  	s22 =	sadd.s32 $0xC040, s18;
	s23 =	simm.s32 $0x103E0  }
0x143: {  	[hbm4b:s22+s3] =	stream.linear.scatter [tilespmem:s23], [sflag:$0xA], $0x80, $0x38;
	[tilespmem:$0x16C00] =	vst v63  }
0x144: {  	s22 =	sadd.s32 $0xC050, s18;
	s23 =	simm.s32 $0x10468  }
0x145: {  	[hbm4b:s22+s3] =	stream.linear.scatter [tilespmem:s23], [sflag:$0xA], $0x80, $0x38;
	[tilespmem:$0x16C00] =	vst v63  }
0x146: {  	s22 =	sadd.s32 $0xC060, s18;
	s23 =	simm.s32 $0x104F0  }
0x147: {  	[hbm4b:s22+s3] =	stream.linear.scatter [tilespmem:s23], [sflag:$0xA], $0x80, $0x38;
	[tilespmem:$0x16C00] =	vst v63  }
0x148: {  	s18 =	sadd.s32 $0xC070, s18;
	s23 =	simm.s32 $0x10578  }
0x149: {  	[hbm4b:s18+s3] =	stream.linear.scatter [tilespmem:s23], [sflag:$0xA], $0x80, $0x38;
	[tilespmem:$0x16C00] =	vst v63  }
0x14a: {  	_ =	swait.ge [sflag:s31], $0x1000  }
0x14b: {  	[sflag:s31] =	ssyncset.done $0x0  }
0x14c: {  	s18 =	simm.s32 @!p0 $0xB;
	[sflag:s31] =	ssyncadd.s32 $0xFFFFF000  }
0x14d: {  	s22 =	simm.s32 $0x0;
	_ =	swait.ge @!p0 [sflag:s18], $0x1000  }
0x14e: {  	v2 =	vmov s22;
	[sflag:s18] =	ssyncset.done @!p0 $0x0  }
0x14f: {  	v2 =	vand.u32 $0x7C, v2;
	[sflag:s18] =	ssyncadd.s32 @!p0 $0xFFFFF000;
	s18 =	simm.s32 $0x8440  }
0x150: {  	v4 =	vadd.s32 v0, v2;
	v3 =	vld [tilespmem:s18+$0xFFFFFFC0];
	_ =	sdelay $0x4  }
0x151: {  	[tilespmem:v4+s0+$0x0] =	vst.idx.msk $0xffff, v3  }
0x152: {  	v2 =	vadd.s32 v1, v2;
	v3 =	vld [tilespmem:s18+$0xFFFFFFD0];
	_ =	sdelay $0x2  }
0x153: {  	s23 =	simm.s32 $0x1  }
0x154: {  	v4 =	vmov s23  }
0x155: {  	[tilespmem:v2+s0+$0x0] =	vst.idx.msk $0xffff, v3;
	v2 =	vand.u32 $0x7D, v4  }
0x156: {  	v3 =	vld [tilespmem:s18+$0xFFFFFFE0];
	v4 =	vadd.s32 v0, v2;
	_ =	sdelay $0x4  }
0x157: {  	[tilespmem:v4+s0+$0x0] =	vst.idx.msk $0xffff, v3  }
0x158: {  	v2 =	vadd.s32 v1, v2;
	v3 =	vld [tilespmem:s18+$0xFFFFFFF0];
	_ =	sdelay $0x2  }
0x159: {  	s22 =	simm.s32 $0x2  }
0x15a: {  	v4 =	vmov s22  }
0x15b: {  	[tilespmem:v2+s0+$0x0] =	vst.idx.msk $0xffff, v3;
	v2 =	vand.u32 $0x7E, v4  }
0x15c: {  	v3 =	vld [tilespmem:s18+$0x0];
	v4 =	vadd.s32 v0, v2;
	_ =	sdelay $0x4  }
0x15d: {  	[tilespmem:v4+s0+$0x0] =	vst.idx.msk $0xffff, v3  }
0x15e: {  	v2 =	vadd.s32 v1, v2;
	v3 =	vld [tilespmem:s18+$0x10];
	_ =	sdelay $0x2  }
0x15f: {  	s23 =	simm.s32 $0x3  }
0x160: {  	v4 =	vmov s23  }
0x161: {  	[tilespmem:v2+s0+$0x0] =	vst.idx.msk $0xffff, v3;
	v3 =	vand.u32 $0x7F, v4  }
0x162: {  	v2 =	vld [tilespmem:s18+$0x20];
	v4 =	vadd.s32 v0, v3;
	_ =	sdelay $0x4  }
0x163: {  	[tilespmem:v4+s0+$0x0] =	vst.idx.msk $0xffff, v2  }
0x164: {  	v3 =	vadd.s32 v1, v3;
	v2 =	vld [tilespmem:s18+$0x30];
	_ =	sdelay $0x2  }
0x165: {  	s19 =	simm.s32 $0x4  }
0x166: {  	s22 =	simm.s32 $0x8;
	v4 =	vmov s19  }
.LBB2_7:
0x167: {  	p2 =	sne.s32 s22, $0x7C;
	v4 =	vand.u32 $0x7C, v4;
	[tilespmem:v3+s0+$0x0] =	vst.idx.msk $0xffff, v2;
	s18 =	sadd.s32 $0x80, s18  }
0x168: {  	v2 =	vld [tilespmem:s18+$0xFFFFFFC0];
	v3 =	vadd.s32 v0, v4;
	_ =	sdelay $0x4  }
0x169: {  	[tilespmem:v3+s0+$0x0] =	vst.idx.msk $0xffff, v2  }
0x16a: {  	v3 =	vadd.s32 v1, v4;
	v2 =	vld [tilespmem:s18+$0xFFFFFFD0];
	_ =	sdelay $0x2  }
0x16b: {  	s23 =	sadd.s32 $0x1, s19  }
0x16c: {  	v4 =	vmov s23  }
0x16d: {  	[tilespmem:v3+s0+$0x0] =	vst.idx.msk $0xffff, v2;
	v2 =	vand.u32 $0x7D, v4  }
0x16e: {  	v3 =	vld [tilespmem:s18+$0xFFFFFFE0];
	v4 =	vadd.s32 v0, v2;
	_ =	sdelay $0x4  }
0x16f: {  	[tilespmem:v4+s0+$0x0] =	vst.idx.msk $0xffff, v3  }
0x170: {  	v2 =	vadd.s32 v1, v2;
	v3 =	vld [tilespmem:s18+$0xFFFFFFF0];
	_ =	sdelay $0x2  }
0x171: {  	s23 =	sadd.s32 $0x2, s19  }
0x172: {  	v4 =	vmov s23  }
0x173: {  	[tilespmem:v2+s0+$0x0] =	vst.idx.msk $0xffff, v3;
	v2 =	vand.u32 $0x7E, v4  }
0x174: {  	v3 =	vld [tilespmem:s18+$0x0];
	v4 =	vadd.s32 v0, v2;
	_ =	sdelay $0x4  }
0x175: {  	[tilespmem:v4+s0+$0x0] =	vst.idx.msk $0xffff, v3  }
0x176: {  	v2 =	vadd.s32 v1, v2;
	v3 =	vld [tilespmem:s18+$0x10];
	_ =	sdelay $0x2  }
0x177: {  	s23 =	sadd.s32 $0x3, s19;
	s19 =	smov.u32 s22  }
0x178: {  	v4 =	vmov s23  }
0x179: {  	[tilespmem:v2+s0+$0x0] =	vst.idx.msk $0xffff, v3;
	v3 =	vand.u32 $0x7F, v4  }
0x17a: {  	v2 =	vld [tilespmem:s18+$0x20];
	v4 =	vadd.s32 v0, v3;
	_ =	sdelay $0x4  }
0x17b: {  	[tilespmem:v4+s0+$0x0] =	vst.idx.msk $0xffff, v2  }
.Ltmp2:
0x17c: {  	v3 =	vadd.s32 v1, v3;
	v2 =	vld [tilespmem:s18+$0x30];
	(pc) =	sbr.rel @p2 .LBB2_7-.Ltmp2, $2  }
0x17d: {  	_ =	sdelay $0x2  }
0x17e: {  	s22 =	sadd.s32 $0x4, s22;
	v4 =	vmov s19  }
0x17f: {  	_ =	sdelay $0x3  }
0x180: {  	v4 =	vand.u32 $0x7C, v4;
	[tilespmem:v3+s0+$0x0] =	vst.idx.msk $0xffff, v2;
	s18 =	sadd.s32 $0x80, s18  }
0x181: {  	v2 =	vld [tilespmem:s18+$0xFFFFFFC0];
	v3 =	vadd.s32 v0, v4;
	_ =	sdelay $0x4  }
0x182: {  	[tilespmem:v3+s0+$0x0] =	vst.idx.msk $0xffff, v2  }
0x183: {  	v3 =	vadd.s32 v1, v4;
	v2 =	vld [tilespmem:s18+$0xFFFFFFD0];
	_ =	sdelay $0x2  }
0x184: {  	s22 =	sadd.s32 $0x1, s19  }
0x185: {  	v4 =	vmov s22  }
0x186: {  	[tilespmem:v3+s0+$0x0] =	vst.idx.msk $0xffff, v2;
	v2 =	vand.u32 $0x7D, v4  }
0x187: {  	v3 =	vld [tilespmem:s18+$0xFFFFFFE0];
	v4 =	vadd.s32 v0, v2;
	_ =	sdelay $0x4  }
0x188: {  	[tilespmem:v4+s0+$0x0] =	vst.idx.msk $0xffff, v3  }
0x189: {  	v2 =	vadd.s32 v1, v2;
	v3 =	vld [tilespmem:s18+$0xFFFFFFF0];
	_ =	sdelay $0x2  }
0x18a: {  	s23 =	sadd.s32 $0x2, s19  }
0x18b: {  	v4 =	vmov s23  }
0x18c: {  	[tilespmem:v2+s0+$0x0] =	vst.idx.msk $0xffff, v3;
	v2 =	vand.u32 $0x7E, v4  }
0x18d: {  	v3 =	vld [tilespmem:s18+$0x0];
	v4 =	vadd.s32 v0, v2;
	_ =	sdelay $0x4  }
0x18e: {  	[tilespmem:v4+s0+$0x0] =	vst.idx.msk $0xffff, v3  }
0x18f: {  	v2 =	vadd.s32 v1, v2;
	v3 =	vld [tilespmem:s18+$0x10];
	_ =	sdelay $0x2  }
0x190: {  	s23 =	sadd.s32 $0x3, s19  }
0x191: {  	v4 =	vmov s23  }
0x192: {  	[tilespmem:v2+s0+$0x0] =	vst.idx.msk $0xffff, v3;
	v2 =	vand.u32 $0x7F, v4  }
0x193: {  	v3 =	vld [tilespmem:s18+$0x20];
	v4 =	vadd.s32 v0, v2;
	_ =	sdelay $0x4  }
0x194: {  	[tilespmem:v4+s0+$0x0] =	vst.idx.msk $0xffff, v3  }
0x195: {  	v2 =	vadd.s32 v1, v2;
	v3 =	vld [tilespmem:s18+$0x30];
	_ =	sdelay $0x4  }
0x196: {  	s22 =	simm.s32 @!p1 $0x8400;
	s19 =	simm.s32 @!p1 $0x80;
	s18 =	sadd.s32 @!p1 $0x500, s16;
	[tilespmem:v2+s0+$0x0] =	vst.idx.msk $0xffff, v3  }
0x197: {  	[tilespmem:s22], [sflag:$0x3] =	stream.indirect.gather @!p1 [hbm4b:s4+s19], $0x20, s18, s19, $0xb8;
	[tilespmem:$0x16C00] =	vst v63  }
0x198: {  	s19 =	sor.u32 s8, s17  }
0x199: {  	s18 =	sshrl.u32 s19, $0x3  }
0x19a: {  	s18 =	sadd.s32 s2, s18  }
0x19b: {  	[hbm4b:s18+s3] =	stream.linear.scatter [tilespmem:s0], [sflag:$0xB], $0x80, $0x38;
	[tilespmem:$0x16C00] =	vst v63  }
0x19c: {  	s23 =	simm.s32 $0x10688;
	s22 =	sadd.s32 $0x10, s18  }
0x19d: {  	[hbm4b:s22+s3] =	stream.linear.scatter [tilespmem:s23], [sflag:$0xB], $0x80, $0x38;
	[tilespmem:$0x16C00] =	vst v63  }
0x19e: {  	s22 =	sadd.s32 $0x20, s18;
	s23 =	simm.s32 $0x10710  }
0x19f: {  	[hbm4b:s22+s3] =	stream.linear.scatter [tilespmem:s23], [sflag:$0xB], $0x80, $0x38;
	[tilespmem:$0x16C00] =	vst v63  }
0x1a0: {  	s22 =	sadd.s32 $0x30, s18;
	s23 =	simm.s32 $0x10798  }
0x1a1: {  	[hbm4b:s22+s3] =	stream.linear.scatter [tilespmem:s23], [sflag:$0xB], $0x80, $0x38;
	[tilespmem:$0x16C00] =	vst v63  }
0x1a2: {  	s22 =	sadd.s32 $0x40, s18;
	s23 =	simm.s32 $0x10820  }
0x1a3: {  	[hbm4b:s22+s3] =	stream.linear.scatter [tilespmem:s23], [sflag:$0xB], $0x80, $0x38;
	[tilespmem:$0x16C00] =	vst v63  }
0x1a4: {  	s22 =	sadd.s32 $0x50, s18;
	s23 =	simm.s32 $0x108A8  }
0x1a5: {  	[hbm4b:s22+s3] =	stream.linear.scatter [tilespmem:s23], [sflag:$0xB], $0x80, $0x38;
	[tilespmem:$0x16C00] =	vst v63  }
0x1a6: {  	s22 =	sadd.s32 $0x60, s18;
	s23 =	simm.s32 $0x10930  }
0x1a7: {  	[hbm4b:s22+s3] =	stream.linear.scatter [tilespmem:s23], [sflag:$0xB], $0x80, $0x38;
	[tilespmem:$0x16C00] =	vst v63  }
0x1a8: {  	s22 =	sadd.s32 $0x70, s18;
	s23 =	simm.s32 $0x109B8  }
0x1a9: {  	[hbm4b:s22+s3] =	stream.linear.scatter [tilespmem:s23], [sflag:$0xB], $0x80, $0x38;
	[tilespmem:$0x16C00] =	vst v63  }
0x1aa: {  	s22 =	sadd.s32 $0x4000, s18;
	s23 =	simm.s32 $0x10A40  }
0x1ab: {  	[hbm4b:s22+s3] =	stream.linear.scatter [tilespmem:s23], [sflag:$0xB], $0x80, $0x38;
	[tilespmem:$0x16C00] =	vst v63  }
0x1ac: {  	s22 =	sadd.s32 $0x4010, s18;
	s23 =	simm.s32 $0x10AC8  }
0x1ad: {  	[hbm4b:s22+s3] =	stream.linear.scatter [tilespmem:s23], [sflag:$0xB], $0x80, $0x38;
	[tilespmem:$0x16C00] =	vst v63  }
0x1ae: {  	s22 =	sadd.s32 $0x4020, s18;
	s23 =	simm.s32 $0x10B50  }
0x1af: {  	[hbm4b:s22+s3] =	stream.linear.scatter [tilespmem:s23], [sflag:$0xB], $0x80, $0x38;
	[tilespmem:$0x16C00] =	vst v63  }
0x1b0: {  	s22 =	sadd.s32 $0x4030, s18;
	s23 =	simm.s32 $0x10BD8  }
0x1b1: {  	[hbm4b:s22+s3] =	stream.linear.scatter [tilespmem:s23], [sflag:$0xB], $0x80, $0x38;
	[tilespmem:$0x16C00] =	vst v63  }
0x1b2: {  	s22 =	sadd.s32 $0x4040, s18;
	s23 =	simm.s32 $0x10C60  }
0x1b3: {  	[hbm4b:s22+s3] =	stream.linear.scatter [tilespmem:s23], [sflag:$0xB], $0x80, $0x38;
	[tilespmem:$0x16C00] =	vst v63  }
0x1b4: {  	s22 =	sadd.s32 $0x4050, s18;
	s23 =	simm.s32 $0x10CE8  }
0x1b5: {  	[hbm4b:s22+s3] =	stream.linear.scatter [tilespmem:s23], [sflag:$0xB], $0x80, $0x38;
	[tilespmem:$0x16C00] =	vst v63  }
0x1b6: {  	s22 =	sadd.s32 $0x4060, s18;
	s23 =	simm.s32 $0x10D70  }
0x1b7: {  	[hbm4b:s22+s3] =	stream.linear.scatter [tilespmem:s23], [sflag:$0xB], $0x80, $0x38;
	[tilespmem:$0x16C00] =	vst v63  }
0x1b8: {  	s22 =	sadd.s32 $0x4070, s18;
	s23 =	simm.s32 $0x10DF8  }
0x1b9: {  	[hbm4b:s22+s3] =	stream.linear.scatter [tilespmem:s23], [sflag:$0xB], $0x80, $0x38;
	[tilespmem:$0x16C00] =	vst v63  }
0x1ba: {  	s22 =	sadd.s32 $0x8000, s18;
	s23 =	simm.s32 $0x10E80  }
0x1bb: {  	[hbm4b:s22+s3] =	stream.linear.scatter [tilespmem:s23], [sflag:$0xB], $0x80, $0x38;
	[tilespmem:$0x16C00] =	vst v63  }
0x1bc: {  	s22 =	sadd.s32 $0x8010, s18;
	s23 =	simm.s32 $0x10F08  }
0x1bd: {  	[hbm4b:s22+s3] =	stream.linear.scatter [tilespmem:s23], [sflag:$0xB], $0x80, $0x38;
	[tilespmem:$0x16C00] =	vst v63  }
0x1be: {  	s22 =	sadd.s32 $0x8020, s18;
	s23 =	simm.s32 $0x10F90  }
0x1bf: {  	[hbm4b:s22+s3] =	stream.linear.scatter [tilespmem:s23], [sflag:$0xB], $0x80, $0x38;
	[tilespmem:$0x16C00] =	vst v63  }
0x1c0: {  	s22 =	sadd.s32 $0x8030, s18;
	s23 =	simm.s32 $0x11018  }
0x1c1: {  	[hbm4b:s22+s3] =	stream.linear.scatter [tilespmem:s23], [sflag:$0xB], $0x80, $0x38;
	[tilespmem:$0x16C00] =	vst v63  }
0x1c2: {  	s22 =	sadd.s32 $0x8040, s18;
	s23 =	simm.s32 $0x110A0  }
0x1c3: {  	[hbm4b:s22+s3] =	stream.linear.scatter [tilespmem:s23], [sflag:$0xB], $0x80, $0x38;
	[tilespmem:$0x16C00] =	vst v63  }
0x1c4: {  	s22 =	sadd.s32 $0x8050, s18;
	s23 =	simm.s32 $0x11128  }
0x1c5: {  	[hbm4b:s22+s3] =	stream.linear.scatter [tilespmem:s23], [sflag:$0xB], $0x80, $0x38;
	[tilespmem:$0x16C00] =	vst v63  }
0x1c6: {  	s22 =	sadd.s32 $0x8060, s18;
	s23 =	simm.s32 $0x111B0  }
0x1c7: {  	[hbm4b:s22+s3] =	stream.linear.scatter [tilespmem:s23], [sflag:$0xB], $0x80, $0x38;
	[tilespmem:$0x16C00] =	vst v63  }
0x1c8: {  	s22 =	sadd.s32 $0x8070, s18;
	s23 =	simm.s32 $0x11238  }
0x1c9: {  	[hbm4b:s22+s3] =	stream.linear.scatter [tilespmem:s23], [sflag:$0xB], $0x80, $0x38;
	[tilespmem:$0x16C00] =	vst v63  }
0x1ca: {  	s22 =	sadd.s32 $0xC000, s18;
	s23 =	simm.s32 $0x112C0  }
0x1cb: {  	[hbm4b:s22+s3] =	stream.linear.scatter [tilespmem:s23], [sflag:$0xB], $0x80, $0x38;
	[tilespmem:$0x16C00] =	vst v63  }
0x1cc: {  	s22 =	sadd.s32 $0xC010, s18;
	s23 =	simm.s32 $0x11348  }
0x1cd: {  	[hbm4b:s22+s3] =	stream.linear.scatter [tilespmem:s23], [sflag:$0xB], $0x80, $0x38;
	[tilespmem:$0x16C00] =	vst v63  }
0x1ce: {  	s22 =	sadd.s32 $0xC020, s18;
	s23 =	simm.s32 $0x113D0  }
0x1cf: {  	[hbm4b:s22+s3] =	stream.linear.scatter [tilespmem:s23], [sflag:$0xB], $0x80, $0x38;
	[tilespmem:$0x16C00] =	vst v63  }
0x1d0: {  	s22 =	sadd.s32 $0xC030, s18;
	s23 =	simm.s32 $0x11458  }
0x1d1: {  	[hbm4b:s22+s3] =	stream.linear.scatter [tilespmem:s23], [sflag:$0xB], $0x80, $0x38;
	[tilespmem:$0x16C00] =	vst v63  }
0x1d2: {  	s22 =	sadd.s32 $0xC040, s18;
	s23 =	simm.s32 $0x114E0  }
0x1d3: {  	[hbm4b:s22+s3] =	stream.linear.scatter [tilespmem:s23], [sflag:$0xB], $0x80, $0x38;
	[tilespmem:$0x16C00] =	vst v63  }
0x1d4: {  	s22 =	sadd.s32 $0xC050, s18;
	s23 =	simm.s32 $0x11568  }
0x1d5: {  	[hbm4b:s22+s3] =	stream.linear.scatter [tilespmem:s23], [sflag:$0xB], $0x80, $0x38;
	[tilespmem:$0x16C00] =	vst v63  }
0x1d6: {  	s22 =	sadd.s32 $0xC060, s18;
	s23 =	simm.s32 $0x115F0  }
0x1d7: {  	[hbm4b:s22+s3] =	stream.linear.scatter [tilespmem:s23], [sflag:$0xB], $0x80, $0x38;
	[tilespmem:$0x16C00] =	vst v63  }
0x1d8: {  	s18 =	sadd.s32 $0xC070, s18;
	s23 =	simm.s32 $0x11678  }
0x1d9: {  	[hbm4b:s18+s3] =	stream.linear.scatter [tilespmem:s23], [sflag:$0xB], $0x80, $0x38;
	[tilespmem:$0x16C00] =	vst v63  }
0x1da: {  	_ =	swait.ge [sflag:s11], $0x1000  }
0x1db: {  	[sflag:s11] =	ssyncset.done $0x0  }
0x1dc: {  	s18 =	simm.s32 @!p0 $0xC;
	[sflag:s11] =	ssyncadd.s32 $0xFFFFF000  }
0x1dd: {  	s22 =	simm.s32 $0x0;
	_ =	swait.ge @!p0 [sflag:s18], $0x1000  }
0x1de: {  	v2 =	vmov s22;
	[sflag:s18] =	ssyncset.done @!p0 $0x0  }
0x1df: {  	v2 =	vand.u32 $0x7C, v2;
	[sflag:s18] =	ssyncadd.s32 @!p0 $0xFFFFF000;
	s18 =	simm.s32 $0x9440  }
0x1e0: {  	v4 =	vadd.s32 v0, v2;
	v3 =	vld [tilespmem:s18+$0xFFFFFFC0];
	_ =	sdelay $0x4  }
0x1e1: {  	[tilespmem:v4+s6+$0x0] =	vst.idx.msk $0xffff, v3  }
0x1e2: {  	v2 =	vadd.s32 v1, v2;
	v3 =	vld [tilespmem:s18+$0xFFFFFFD0];
	_ =	sdelay $0x2  }
0x1e3: {  	s23 =	simm.s32 $0x1  }
0x1e4: {  	v4 =	vmov s23  }
0x1e5: {  	[tilespmem:v2+s6+$0x0] =	vst.idx.msk $0xffff, v3;
	v2 =	vand.u32 $0x7D, v4  }
0x1e6: {  	v3 =	vld [tilespmem:s18+$0xFFFFFFE0];
	v4 =	vadd.s32 v0, v2;
	_ =	sdelay $0x4  }
0x1e7: {  	[tilespmem:v4+s6+$0x0] =	vst.idx.msk $0xffff, v3  }
0x1e8: {  	v2 =	vadd.s32 v1, v2;
	v3 =	vld [tilespmem:s18+$0xFFFFFFF0];
	_ =	sdelay $0x2  }
0x1e9: {  	s22 =	simm.s32 $0x2  }
0x1ea: {  	v4 =	vmov s22  }
0x1eb: {  	[tilespmem:v2+s6+$0x0] =	vst.idx.msk $0xffff, v3;
	v2 =	vand.u32 $0x7E, v4  }
0x1ec: {  	v3 =	vld [tilespmem:s18+$0x0];
	v4 =	vadd.s32 v0, v2;
	_ =	sdelay $0x4  }
0x1ed: {  	[tilespmem:v4+s6+$0x0] =	vst.idx.msk $0xffff, v3  }
0x1ee: {  	v2 =	vadd.s32 v1, v2;
	v3 =	vld [tilespmem:s18+$0x10];
	_ =	sdelay $0x2  }
0x1ef: {  	s23 =	simm.s32 $0x3  }
0x1f0: {  	v4 =	vmov s23  }
0x1f1: {  	[tilespmem:v2+s6+$0x0] =	vst.idx.msk $0xffff, v3;
	v3 =	vand.u32 $0x7F, v4  }
0x1f2: {  	v2 =	vld [tilespmem:s18+$0x20];
	v4 =	vadd.s32 v0, v3;
	_ =	sdelay $0x4  }
0x1f3: {  	[tilespmem:v4+s6+$0x0] =	vst.idx.msk $0xffff, v2  }
0x1f4: {  	v3 =	vadd.s32 v1, v3;
	v2 =	vld [tilespmem:s18+$0x30];
	_ =	sdelay $0x2  }
0x1f5: {  	s19 =	simm.s32 $0x4  }
0x1f6: {  	s22 =	simm.s32 $0x8;
	v4 =	vmov s19  }
.LBB2_9:
0x1f7: {  	p2 =	sne.s32 s22, $0x7C;
	v4 =	vand.u32 $0x7C, v4;
	[tilespmem:v3+s6+$0x0] =	vst.idx.msk $0xffff, v2;
	s18 =	sadd.s32 $0x80, s18  }
0x1f8: {  	v2 =	vld [tilespmem:s18+$0xFFFFFFC0];
	v3 =	vadd.s32 v0, v4;
	_ =	sdelay $0x4  }
0x1f9: {  	[tilespmem:v3+s6+$0x0] =	vst.idx.msk $0xffff, v2  }
0x1fa: {  	v3 =	vadd.s32 v1, v4;
	v2 =	vld [tilespmem:s18+$0xFFFFFFD0];
	_ =	sdelay $0x2  }
0x1fb: {  	s23 =	sadd.s32 $0x1, s19  }
0x1fc: {  	v4 =	vmov s23  }
0x1fd: {  	[tilespmem:v3+s6+$0x0] =	vst.idx.msk $0xffff, v2;
	v2 =	vand.u32 $0x7D, v4  }
0x1fe: {  	v3 =	vld [tilespmem:s18+$0xFFFFFFE0];
	v4 =	vadd.s32 v0, v2;
	_ =	sdelay $0x4  }
0x1ff: {  	[tilespmem:v4+s6+$0x0] =	vst.idx.msk $0xffff, v3  }
0x200: {  	v2 =	vadd.s32 v1, v2;
	v3 =	vld [tilespmem:s18+$0xFFFFFFF0];
	_ =	sdelay $0x2  }
0x201: {  	s23 =	sadd.s32 $0x2, s19  }
0x202: {  	v4 =	vmov s23  }
0x203: {  	[tilespmem:v2+s6+$0x0] =	vst.idx.msk $0xffff, v3;
	v2 =	vand.u32 $0x7E, v4  }
0x204: {  	v3 =	vld [tilespmem:s18+$0x0];
	v4 =	vadd.s32 v0, v2;
	_ =	sdelay $0x4  }
0x205: {  	[tilespmem:v4+s6+$0x0] =	vst.idx.msk $0xffff, v3  }
0x206: {  	v2 =	vadd.s32 v1, v2;
	v3 =	vld [tilespmem:s18+$0x10];
	_ =	sdelay $0x2  }
0x207: {  	s23 =	sadd.s32 $0x3, s19;
	s19 =	smov.u32 s22  }
0x208: {  	v4 =	vmov s23  }
0x209: {  	[tilespmem:v2+s6+$0x0] =	vst.idx.msk $0xffff, v3;
	v3 =	vand.u32 $0x7F, v4  }
0x20a: {  	v2 =	vld [tilespmem:s18+$0x20];
	v4 =	vadd.s32 v0, v3;
	_ =	sdelay $0x4  }
0x20b: {  	[tilespmem:v4+s6+$0x0] =	vst.idx.msk $0xffff, v2  }
.Ltmp3:
0x20c: {  	v3 =	vadd.s32 v1, v3;
	v2 =	vld [tilespmem:s18+$0x30];
	(pc) =	sbr.rel @p2 .LBB2_9-.Ltmp3, $2  }
0x20d: {  	_ =	sdelay $0x2  }
0x20e: {  	s22 =	sadd.s32 $0x4, s22;
	v4 =	vmov s19  }
0x20f: {  	_ =	sdelay $0x3  }
0x210: {  	v4 =	vand.u32 $0x7C, v4;
	[tilespmem:v3+s6+$0x0] =	vst.idx.msk $0xffff, v2;
	s18 =	sadd.s32 $0x80, s18  }
0x211: {  	v2 =	vld [tilespmem:s18+$0xFFFFFFC0];
	v3 =	vadd.s32 v0, v4;
	_ =	sdelay $0x4  }
0x212: {  	[tilespmem:v3+s6+$0x0] =	vst.idx.msk $0xffff, v2  }
0x213: {  	v3 =	vadd.s32 v1, v4;
	v2 =	vld [tilespmem:s18+$0xFFFFFFD0];
	_ =	sdelay $0x2  }
0x214: {  	s22 =	sadd.s32 $0x1, s19  }
0x215: {  	v4 =	vmov s22  }
0x216: {  	[tilespmem:v3+s6+$0x0] =	vst.idx.msk $0xffff, v2;
	v2 =	vand.u32 $0x7D, v4  }
0x217: {  	v3 =	vld [tilespmem:s18+$0xFFFFFFE0];
	v4 =	vadd.s32 v0, v2;
	_ =	sdelay $0x4  }
0x218: {  	[tilespmem:v4+s6+$0x0] =	vst.idx.msk $0xffff, v3  }
0x219: {  	v2 =	vadd.s32 v1, v2;
	v3 =	vld [tilespmem:s18+$0xFFFFFFF0];
	_ =	sdelay $0x2  }
0x21a: {  	s23 =	sadd.s32 $0x2, s19  }
0x21b: {  	v4 =	vmov s23  }
0x21c: {  	[tilespmem:v2+s6+$0x0] =	vst.idx.msk $0xffff, v3;
	v2 =	vand.u32 $0x7E, v4  }
0x21d: {  	v3 =	vld [tilespmem:s18+$0x0];
	v4 =	vadd.s32 v0, v2;
	_ =	sdelay $0x4  }
0x21e: {  	[tilespmem:v4+s6+$0x0] =	vst.idx.msk $0xffff, v3  }
0x21f: {  	v2 =	vadd.s32 v1, v2;
	v3 =	vld [tilespmem:s18+$0x10];
	_ =	sdelay $0x2  }
0x220: {  	s23 =	sadd.s32 $0x3, s19  }
0x221: {  	v4 =	vmov s23  }
0x222: {  	[tilespmem:v2+s6+$0x0] =	vst.idx.msk $0xffff, v3;
	v2 =	vand.u32 $0x7F, v4  }
0x223: {  	v3 =	vld [tilespmem:s18+$0x20];
	v4 =	vadd.s32 v0, v2;
	_ =	sdelay $0x4  }
0x224: {  	[tilespmem:v4+s6+$0x0] =	vst.idx.msk $0xffff, v3  }
0x225: {  	v2 =	vadd.s32 v1, v2;
	v3 =	vld [tilespmem:s18+$0x30];
	_ =	sdelay $0x4  }
0x226: {  	s22 =	simm.s32 @!p1 $0x9400;
	s19 =	simm.s32 @!p1 $0x80;
	s18 =	sadd.s32 @!p1 $0x580, s16;
	[tilespmem:v2+s6+$0x0] =	vst.idx.msk $0xffff, v3  }
0x227: {  	[tilespmem:s22], [sflag:$0x4] =	stream.indirect.gather @!p1 [hbm4b:s4+s19], $0x20, s18, s19, $0xb8;
	[tilespmem:$0x16C00] =	vst v63  }
0x228: {  	s19 =	sor.u32 s9, s17  }
0x229: {  	s18 =	sshrl.u32 s19, $0x3  }
0x22a: {  	s18 =	sadd.s32 s2, s18  }
0x22b: {  	[hbm4b:s18+s3] =	stream.linear.scatter [tilespmem:s6], [sflag:$0xC], $0x80, $0x38;
	[tilespmem:$0x16C00] =	vst v63  }
0x22c: {  	s23 =	simm.s32 $0x11788;
	s22 =	sadd.s32 $0x10, s18  }
0x22d: {  	[hbm4b:s22+s3] =	stream.linear.scatter [tilespmem:s23], [sflag:$0xC], $0x80, $0x38;
	[tilespmem:$0x16C00] =	vst v63  }
0x22e: {  	s22 =	sadd.s32 $0x20, s18;
	s23 =	simm.s32 $0x11810  }
0x22f: {  	[hbm4b:s22+s3] =	stream.linear.scatter [tilespmem:s23], [sflag:$0xC], $0x80, $0x38;
	[tilespmem:$0x16C00] =	vst v63  }
0x230: {  	s22 =	sadd.s32 $0x30, s18;
	s23 =	simm.s32 $0x11898  }
0x231: {  	[hbm4b:s22+s3] =	stream.linear.scatter [tilespmem:s23], [sflag:$0xC], $0x80, $0x38;
	[tilespmem:$0x16C00] =	vst v63  }
0x232: {  	s22 =	sadd.s32 $0x40, s18;
	s23 =	simm.s32 $0x11920  }
0x233: {  	[hbm4b:s22+s3] =	stream.linear.scatter [tilespmem:s23], [sflag:$0xC], $0x80, $0x38;
	[tilespmem:$0x16C00] =	vst v63  }
0x234: {  	s22 =	sadd.s32 $0x50, s18;
	s23 =	simm.s32 $0x119A8  }
0x235: {  	[hbm4b:s22+s3] =	stream.linear.scatter [tilespmem:s23], [sflag:$0xC], $0x80, $0x38;
	[tilespmem:$0x16C00] =	vst v63  }
0x236: {  	s22 =	sadd.s32 $0x60, s18;
	s23 =	simm.s32 $0x11A30  }
0x237: {  	[hbm4b:s22+s3] =	stream.linear.scatter [tilespmem:s23], [sflag:$0xC], $0x80, $0x38;
	[tilespmem:$0x16C00] =	vst v63  }
0x238: {  	s22 =	sadd.s32 $0x70, s18;
	s23 =	simm.s32 $0x11AB8  }
0x239: {  	[hbm4b:s22+s3] =	stream.linear.scatter [tilespmem:s23], [sflag:$0xC], $0x80, $0x38;
	[tilespmem:$0x16C00] =	vst v63  }
0x23a: {  	s22 =	sadd.s32 $0x4000, s18;
	s23 =	simm.s32 $0x11B40  }
0x23b: {  	[hbm4b:s22+s3] =	stream.linear.scatter [tilespmem:s23], [sflag:$0xC], $0x80, $0x38;
	[tilespmem:$0x16C00] =	vst v63  }
0x23c: {  	s22 =	sadd.s32 $0x4010, s18;
	s23 =	simm.s32 $0x11BC8  }
0x23d: {  	[hbm4b:s22+s3] =	stream.linear.scatter [tilespmem:s23], [sflag:$0xC], $0x80, $0x38;
	[tilespmem:$0x16C00] =	vst v63  }
0x23e: {  	s22 =	sadd.s32 $0x4020, s18;
	s23 =	simm.s32 $0x11C50  }
0x23f: {  	[hbm4b:s22+s3] =	stream.linear.scatter [tilespmem:s23], [sflag:$0xC], $0x80, $0x38;
	[tilespmem:$0x16C00] =	vst v63  }
0x240: {  	s22 =	sadd.s32 $0x4030, s18;
	s23 =	simm.s32 $0x11CD8  }
0x241: {  	[hbm4b:s22+s3] =	stream.linear.scatter [tilespmem:s23], [sflag:$0xC], $0x80, $0x38;
	[tilespmem:$0x16C00] =	vst v63  }
0x242: {  	s22 =	sadd.s32 $0x4040, s18;
	s23 =	simm.s32 $0x11D60  }
0x243: {  	[hbm4b:s22+s3] =	stream.linear.scatter [tilespmem:s23], [sflag:$0xC], $0x80, $0x38;
	[tilespmem:$0x16C00] =	vst v63  }
0x244: {  	s22 =	sadd.s32 $0x4050, s18;
	s23 =	simm.s32 $0x11DE8  }
0x245: {  	[hbm4b:s22+s3] =	stream.linear.scatter [tilespmem:s23], [sflag:$0xC], $0x80, $0x38;
	[tilespmem:$0x16C00] =	vst v63  }
0x246: {  	s22 =	sadd.s32 $0x4060, s18;
	s23 =	simm.s32 $0x11E70  }
0x247: {  	[hbm4b:s22+s3] =	stream.linear.scatter [tilespmem:s23], [sflag:$0xC], $0x80, $0x38;
	[tilespmem:$0x16C00] =	vst v63  }
0x248: {  	s22 =	sadd.s32 $0x4070, s18;
	s23 =	simm.s32 $0x11EF8  }
0x249: {  	[hbm4b:s22+s3] =	stream.linear.scatter [tilespmem:s23], [sflag:$0xC], $0x80, $0x38;
	[tilespmem:$0x16C00] =	vst v63  }
0x24a: {  	s22 =	sadd.s32 $0x8000, s18;
	s23 =	simm.s32 $0x11F80  }
0x24b: {  	[hbm4b:s22+s3] =	stream.linear.scatter [tilespmem:s23], [sflag:$0xC], $0x80, $0x38;
	[tilespmem:$0x16C00] =	vst v63  }
0x24c: {  	s22 =	sadd.s32 $0x8010, s18;
	s23 =	simm.s32 $0x12008  }
0x24d: {  	[hbm4b:s22+s3] =	stream.linear.scatter [tilespmem:s23], [sflag:$0xC], $0x80, $0x38;
	[tilespmem:$0x16C00] =	vst v63  }
0x24e: {  	s22 =	sadd.s32 $0x8020, s18;
	s23 =	simm.s32 $0x12090  }
0x24f: {  	[hbm4b:s22+s3] =	stream.linear.scatter [tilespmem:s23], [sflag:$0xC], $0x80, $0x38;
	[tilespmem:$0x16C00] =	vst v63  }
0x250: {  	s22 =	sadd.s32 $0x8030, s18;
	s23 =	simm.s32 $0x12118  }
0x251: {  	[hbm4b:s22+s3] =	stream.linear.scatter [tilespmem:s23], [sflag:$0xC], $0x80, $0x38;
	[tilespmem:$0x16C00] =	vst v63  }
0x252: {  	s22 =	sadd.s32 $0x8040, s18;
	s23 =	simm.s32 $0x121A0  }
0x253: {  	[hbm4b:s22+s3] =	stream.linear.scatter [tilespmem:s23], [sflag:$0xC], $0x80, $0x38;
	[tilespmem:$0x16C00] =	vst v63  }
0x254: {  	s22 =	sadd.s32 $0x8050, s18;
	s23 =	simm.s32 $0x12228  }
0x255: {  	[hbm4b:s22+s3] =	stream.linear.scatter [tilespmem:s23], [sflag:$0xC], $0x80, $0x38;
	[tilespmem:$0x16C00] =	vst v63  }
0x256: {  	s22 =	sadd.s32 $0x8060, s18;
	s23 =	simm.s32 $0x122B0  }
0x257: {  	[hbm4b:s22+s3] =	stream.linear.scatter [tilespmem:s23], [sflag:$0xC], $0x80, $0x38;
	[tilespmem:$0x16C00] =	vst v63  }
0x258: {  	s22 =	sadd.s32 $0x8070, s18;
	s23 =	simm.s32 $0x12338  }
0x259: {  	[hbm4b:s22+s3] =	stream.linear.scatter [tilespmem:s23], [sflag:$0xC], $0x80, $0x38;
	[tilespmem:$0x16C00] =	vst v63  }
0x25a: {  	s22 =	sadd.s32 $0xC000, s18;
	s23 =	simm.s32 $0x123C0  }
0x25b: {  	[hbm4b:s22+s3] =	stream.linear.scatter [tilespmem:s23], [sflag:$0xC], $0x80, $0x38;
	[tilespmem:$0x16C00] =	vst v63  }
0x25c: {  	s22 =	sadd.s32 $0xC010, s18;
	s23 =	simm.s32 $0x12448  }
0x25d: {  	[hbm4b:s22+s3] =	stream.linear.scatter [tilespmem:s23], [sflag:$0xC], $0x80, $0x38;
	[tilespmem:$0x16C00] =	vst v63  }
0x25e: {  	s22 =	sadd.s32 $0xC020, s18;
	s23 =	simm.s32 $0x124D0  }
0x25f: {  	[hbm4b:s22+s3] =	stream.linear.scatter [tilespmem:s23], [sflag:$0xC], $0x80, $0x38;
	[tilespmem:$0x16C00] =	vst v63  }
0x260: {  	s22 =	sadd.s32 $0xC030, s18;
	s23 =	simm.s32 $0x12558  }
0x261: {  	[hbm4b:s22+s3] =	stream.linear.scatter [tilespmem:s23], [sflag:$0xC], $0x80, $0x38;
	[tilespmem:$0x16C00] =	vst v63  }
0x262: {  	s22 =	sadd.s32 $0xC040, s18;
	s23 =	simm.s32 $0x125E0  }
0x263: {  	[hbm4b:s22+s3] =	stream.linear.scatter [tilespmem:s23], [sflag:$0xC], $0x80, $0x38;
	[tilespmem:$0x16C00] =	vst v63  }
0x264: {  	s22 =	sadd.s32 $0xC050, s18;
	s23 =	simm.s32 $0x12668  }
0x265: {  	[hbm4b:s22+s3] =	stream.linear.scatter [tilespmem:s23], [sflag:$0xC], $0x80, $0x38;
	[tilespmem:$0x16C00] =	vst v63  }
0x266: {  	s22 =	sadd.s32 $0xC060, s18;
	s23 =	simm.s32 $0x126F0  }
0x267: {  	[hbm4b:s22+s3] =	stream.linear.scatter [tilespmem:s23], [sflag:$0xC], $0x80, $0x38;
	[tilespmem:$0x16C00] =	vst v63  }
0x268: {  	s18 =	sadd.s32 $0xC070, s18;
	s23 =	simm.s32 $0x12778  }
0x269: {  	[hbm4b:s18+s3] =	stream.linear.scatter [tilespmem:s23], [sflag:$0xC], $0x80, $0x38;
	[tilespmem:$0x16C00] =	vst v63  }
0x26a: {  	_ =	swait.ge [sflag:s28], $0x1000  }
0x26b: {  	[sflag:s28] =	ssyncset.done $0x0  }
0x26c: {  	s18 =	simm.s32 @!p0 $0xD;
	[sflag:s28] =	ssyncadd.s32 $0xFFFFF000  }
0x26d: {  	s22 =	simm.s32 $0x0;
	_ =	swait.ge @!p0 [sflag:s18], $0x1000  }
0x26e: {  	v2 =	vmov s22;
	[sflag:s18] =	ssyncset.done @!p0 $0x0  }
0x26f: {  	v2 =	vand.u32 $0x7C, v2;
	[sflag:s18] =	ssyncadd.s32 @!p0 $0xFFFFF000;
	s18 =	simm.s32 $0xA440  }
0x270: {  	v4 =	vadd.s32 v0, v2;
	v3 =	vld [tilespmem:s18+$0xFFFFFFC0];
	_ =	sdelay $0x4  }
0x271: {  	[tilespmem:v4+s10+$0x0] =	vst.idx.msk $0xffff, v3  }
0x272: {  	v2 =	vadd.s32 v1, v2;
	v3 =	vld [tilespmem:s18+$0xFFFFFFD0];
	_ =	sdelay $0x2  }
0x273: {  	s23 =	simm.s32 $0x1  }
0x274: {  	v4 =	vmov s23  }
0x275: {  	[tilespmem:v2+s10+$0x0] =	vst.idx.msk $0xffff, v3;
	v2 =	vand.u32 $0x7D, v4  }
0x276: {  	v3 =	vld [tilespmem:s18+$0xFFFFFFE0];
	v4 =	vadd.s32 v0, v2;
	_ =	sdelay $0x4  }
0x277: {  	[tilespmem:v4+s10+$0x0] =	vst.idx.msk $0xffff, v3  }
0x278: {  	v2 =	vadd.s32 v1, v2;
	v3 =	vld [tilespmem:s18+$0xFFFFFFF0];
	_ =	sdelay $0x2  }
0x279: {  	s22 =	simm.s32 $0x2  }
0x27a: {  	v4 =	vmov s22  }
0x27b: {  	[tilespmem:v2+s10+$0x0] =	vst.idx.msk $0xffff, v3;
	v2 =	vand.u32 $0x7E, v4  }
0x27c: {  	v3 =	vld [tilespmem:s18+$0x0];
	v4 =	vadd.s32 v0, v2;
	_ =	sdelay $0x4  }
0x27d: {  	[tilespmem:v4+s10+$0x0] =	vst.idx.msk $0xffff, v3  }
0x27e: {  	v2 =	vadd.s32 v1, v2;
	v3 =	vld [tilespmem:s18+$0x10];
	_ =	sdelay $0x2  }
0x27f: {  	s23 =	simm.s32 $0x3  }
0x280: {  	v4 =	vmov s23  }
0x281: {  	[tilespmem:v2+s10+$0x0] =	vst.idx.msk $0xffff, v3;
	v3 =	vand.u32 $0x7F, v4  }
0x282: {  	v2 =	vld [tilespmem:s18+$0x20];
	v4 =	vadd.s32 v0, v3;
	_ =	sdelay $0x4  }
0x283: {  	[tilespmem:v4+s10+$0x0] =	vst.idx.msk $0xffff, v2  }
0x284: {  	v3 =	vadd.s32 v1, v3;
	v2 =	vld [tilespmem:s18+$0x30];
	_ =	sdelay $0x2  }
0x285: {  	s19 =	simm.s32 $0x4  }
0x286: {  	s17 =	sor.u32 $0x80000, s17;
	s22 =	simm.s32 $0x8;
	v4 =	vmov s19  }
.LBB2_11:
0x287: {  	p2 =	sne.s32 s22, $0x7C;
	v4 =	vand.u32 $0x7C, v4;
	[tilespmem:v3+s10+$0x0] =	vst.idx.msk $0xffff, v2;
	s18 =	sadd.s32 $0x80, s18  }
0x288: {  	v2 =	vld [tilespmem:s18+$0xFFFFFFC0];
	v3 =	vadd.s32 v0, v4;
	_ =	sdelay $0x4  }
0x289: {  	[tilespmem:v3+s10+$0x0] =	vst.idx.msk $0xffff, v2  }
0x28a: {  	v3 =	vadd.s32 v1, v4;
	v2 =	vld [tilespmem:s18+$0xFFFFFFD0];
	_ =	sdelay $0x2  }
0x28b: {  	s23 =	sadd.s32 $0x1, s19  }
0x28c: {  	v4 =	vmov s23  }
0x28d: {  	[tilespmem:v3+s10+$0x0] =	vst.idx.msk $0xffff, v2;
	v2 =	vand.u32 $0x7D, v4  }
0x28e: {  	v3 =	vld [tilespmem:s18+$0xFFFFFFE0];
	v4 =	vadd.s32 v0, v2;
	_ =	sdelay $0x4  }
0x28f: {  	[tilespmem:v4+s10+$0x0] =	vst.idx.msk $0xffff, v3  }
0x290: {  	v2 =	vadd.s32 v1, v2;
	v3 =	vld [tilespmem:s18+$0xFFFFFFF0];
	_ =	sdelay $0x2  }
0x291: {  	s23 =	sadd.s32 $0x2, s19  }
0x292: {  	v4 =	vmov s23  }
0x293: {  	[tilespmem:v2+s10+$0x0] =	vst.idx.msk $0xffff, v3;
	v2 =	vand.u32 $0x7E, v4  }
0x294: {  	v3 =	vld [tilespmem:s18+$0x0];
	v4 =	vadd.s32 v0, v2;
	_ =	sdelay $0x4  }
0x295: {  	[tilespmem:v4+s10+$0x0] =	vst.idx.msk $0xffff, v3  }
0x296: {  	v2 =	vadd.s32 v1, v2;
	v3 =	vld [tilespmem:s18+$0x10];
	_ =	sdelay $0x2  }
0x297: {  	s23 =	sadd.s32 $0x3, s19;
	s19 =	smov.u32 s22  }
0x298: {  	v4 =	vmov s23  }
0x299: {  	[tilespmem:v2+s10+$0x0] =	vst.idx.msk $0xffff, v3;
	v3 =	vand.u32 $0x7F, v4  }
0x29a: {  	v2 =	vld [tilespmem:s18+$0x20];
	v4 =	vadd.s32 v0, v3;
	_ =	sdelay $0x4  }
0x29b: {  	[tilespmem:v4+s10+$0x0] =	vst.idx.msk $0xffff, v2  }
.Ltmp4:
0x29c: {  	v3 =	vadd.s32 v1, v3;
	v2 =	vld [tilespmem:s18+$0x30];
	(pc) =	sbr.rel @p2 .LBB2_11-.Ltmp4, $2  }
0x29d: {  	_ =	sdelay $0x2  }
0x29e: {  	s22 =	sadd.s32 $0x4, s22;
	v4 =	vmov s19  }
0x29f: {  	_ =	sdelay $0x3  }
0x2a0: {  	v4 =	vand.u32 $0x7C, v4;
	[tilespmem:v3+s10+$0x0] =	vst.idx.msk $0xffff, v2;
	s18 =	sadd.s32 $0x80, s18  }
0x2a1: {  	v2 =	vld [tilespmem:s18+$0xFFFFFFC0];
	v3 =	vadd.s32 v0, v4;
	_ =	sdelay $0x4  }
0x2a2: {  	[tilespmem:v3+s10+$0x0] =	vst.idx.msk $0xffff, v2  }
0x2a3: {  	v3 =	vadd.s32 v1, v4;
	v2 =	vld [tilespmem:s18+$0xFFFFFFD0];
	_ =	sdelay $0x2  }
0x2a4: {  	s22 =	sadd.s32 $0x1, s19  }
0x2a5: {  	v4 =	vmov s22  }
0x2a6: {  	[tilespmem:v3+s10+$0x0] =	vst.idx.msk $0xffff, v2;
	v2 =	vand.u32 $0x7D, v4  }
0x2a7: {  	v3 =	vld [tilespmem:s18+$0xFFFFFFE0];
	v4 =	vadd.s32 v0, v2;
	_ =	sdelay $0x4  }
0x2a8: {  	[tilespmem:v4+s10+$0x0] =	vst.idx.msk $0xffff, v3  }
0x2a9: {  	v2 =	vadd.s32 v1, v2;
	v3 =	vld [tilespmem:s18+$0xFFFFFFF0];
	_ =	sdelay $0x2  }
0x2aa: {  	s23 =	sadd.s32 $0x2, s19  }
0x2ab: {  	v4 =	vmov s23  }
0x2ac: {  	[tilespmem:v2+s10+$0x0] =	vst.idx.msk $0xffff, v3;
	v2 =	vand.u32 $0x7E, v4  }
0x2ad: {  	v3 =	vld [tilespmem:s18+$0x0];
	v4 =	vadd.s32 v0, v2;
	_ =	sdelay $0x4  }
0x2ae: {  	[tilespmem:v4+s10+$0x0] =	vst.idx.msk $0xffff, v3  }
0x2af: {  	v2 =	vadd.s32 v1, v2;
	v3 =	vld [tilespmem:s18+$0x10];
	_ =	sdelay $0x2  }
0x2b0: {  	s23 =	sadd.s32 $0x3, s19  }
0x2b1: {  	v4 =	vmov s23  }
0x2b2: {  	[tilespmem:v2+s10+$0x0] =	vst.idx.msk $0xffff, v3;
	v2 =	vand.u32 $0x7F, v4  }
0x2b3: {  	v3 =	vld [tilespmem:s18+$0x20];
	v4 =	vadd.s32 v0, v2;
	_ =	sdelay $0x4  }
0x2b4: {  	[tilespmem:v4+s10+$0x0] =	vst.idx.msk $0xffff, v3  }
0x2b5: {  	v2 =	vadd.s32 v1, v2;
	v3 =	vld [tilespmem:s18+$0x30];
	_ =	sdelay $0x4  }
0x2b6: {  	s22 =	simm.s32 @!p1 $0xA400;
	s19 =	simm.s32 @!p1 $0x80;
	s18 =	sadd.s32 @!p1 $0x600, s16;
	[tilespmem:v2+s10+$0x0] =	vst.idx.msk $0xffff, v3  }
0x2b7: {  	[tilespmem:s22], [sflag:$0x5] =	stream.indirect.gather @!p1 [hbm4b:s4+s19], $0x20, s18, s19, $0xb8;
	[tilespmem:$0x16C00] =	vst v63  }
0x2b8: {  	s19 =	sor.u32 s5, s17  }
0x2b9: {  	s18 =	sshrl.u32 s19, $0x3  }
0x2ba: {  	s18 =	sadd.s32 s2, s18  }
0x2bb: {  	[hbm4b:s18+s3] =	stream.linear.scatter [tilespmem:s10], [sflag:$0xD], $0x80, $0x38;
	[tilespmem:$0x16C00] =	vst v63  }
0x2bc: {  	s23 =	simm.s32 $0x12888;
	s22 =	sadd.s32 $0x10, s18  }
0x2bd: {  	[hbm4b:s22+s3] =	stream.linear.scatter [tilespmem:s23], [sflag:$0xD], $0x80, $0x38;
	[tilespmem:$0x16C00] =	vst v63  }
0x2be: {  	s22 =	sadd.s32 $0x20, s18;
	s23 =	simm.s32 $0x12910  }
0x2bf: {  	[hbm4b:s22+s3] =	stream.linear.scatter [tilespmem:s23], [sflag:$0xD], $0x80, $0x38;
	[tilespmem:$0x16C00] =	vst v63  }
0x2c0: {  	s22 =	sadd.s32 $0x30, s18;
	s23 =	simm.s32 $0x12998  }
0x2c1: {  	[hbm4b:s22+s3] =	stream.linear.scatter [tilespmem:s23], [sflag:$0xD], $0x80, $0x38;
	[tilespmem:$0x16C00] =	vst v63  }
0x2c2: {  	s22 =	sadd.s32 $0x40, s18;
	s23 =	simm.s32 $0x12A20  }
0x2c3: {  	[hbm4b:s22+s3] =	stream.linear.scatter [tilespmem:s23], [sflag:$0xD], $0x80, $0x38;
	[tilespmem:$0x16C00] =	vst v63  }
0x2c4: {  	s22 =	sadd.s32 $0x50, s18;
	s23 =	simm.s32 $0x12AA8  }
0x2c5: {  	[hbm4b:s22+s3] =	stream.linear.scatter [tilespmem:s23], [sflag:$0xD], $0x80, $0x38;
	[tilespmem:$0x16C00] =	vst v63  }
0x2c6: {  	s22 =	sadd.s32 $0x60, s18;
	s23 =	simm.s32 $0x12B30  }
0x2c7: {  	[hbm4b:s22+s3] =	stream.linear.scatter [tilespmem:s23], [sflag:$0xD], $0x80, $0x38;
	[tilespmem:$0x16C00] =	vst v63  }
0x2c8: {  	s22 =	sadd.s32 $0x70, s18;
	s23 =	simm.s32 $0x12BB8  }
0x2c9: {  	[hbm4b:s22+s3] =	stream.linear.scatter [tilespmem:s23], [sflag:$0xD], $0x80, $0x38;
	[tilespmem:$0x16C00] =	vst v63  }
0x2ca: {  	s22 =	sadd.s32 $0x4000, s18;
	s23 =	simm.s32 $0x12C40  }
0x2cb: {  	[hbm4b:s22+s3] =	stream.linear.scatter [tilespmem:s23], [sflag:$0xD], $0x80, $0x38;
	[tilespmem:$0x16C00] =	vst v63  }
0x2cc: {  	s22 =	sadd.s32 $0x4010, s18;
	s23 =	simm.s32 $0x12CC8  }
0x2cd: {  	[hbm4b:s22+s3] =	stream.linear.scatter [tilespmem:s23], [sflag:$0xD], $0x80, $0x38;
	[tilespmem:$0x16C00] =	vst v63  }
0x2ce: {  	s22 =	sadd.s32 $0x4020, s18;
	s23 =	simm.s32 $0x12D50  }
0x2cf: {  	[hbm4b:s22+s3] =	stream.linear.scatter [tilespmem:s23], [sflag:$0xD], $0x80, $0x38;
	[tilespmem:$0x16C00] =	vst v63  }
0x2d0: {  	s22 =	sadd.s32 $0x4030, s18;
	s23 =	simm.s32 $0x12DD8  }
0x2d1: {  	[hbm4b:s22+s3] =	stream.linear.scatter [tilespmem:s23], [sflag:$0xD], $0x80, $0x38;
	[tilespmem:$0x16C00] =	vst v63  }
0x2d2: {  	s22 =	sadd.s32 $0x4040, s18;
	s23 =	simm.s32 $0x12E60  }
0x2d3: {  	[hbm4b:s22+s3] =	stream.linear.scatter [tilespmem:s23], [sflag:$0xD], $0x80, $0x38;
	[tilespmem:$0x16C00] =	vst v63  }
0x2d4: {  	s22 =	sadd.s32 $0x4050, s18;
	s23 =	simm.s32 $0x12EE8  }
0x2d5: {  	[hbm4b:s22+s3] =	stream.linear.scatter [tilespmem:s23], [sflag:$0xD], $0x80, $0x38;
	[tilespmem:$0x16C00] =	vst v63  }
0x2d6: {  	s22 =	sadd.s32 $0x4060, s18;
	s23 =	simm.s32 $0x12F70  }
0x2d7: {  	[hbm4b:s22+s3] =	stream.linear.scatter [tilespmem:s23], [sflag:$0xD], $0x80, $0x38;
	[tilespmem:$0x16C00] =	vst v63  }
0x2d8: {  	s22 =	sadd.s32 $0x4070, s18;
	s23 =	simm.s32 $0x12FF8  }
0x2d9: {  	[hbm4b:s22+s3] =	stream.linear.scatter [tilespmem:s23], [sflag:$0xD], $0x80, $0x38;
	[tilespmem:$0x16C00] =	vst v63  }
0x2da: {  	s22 =	sadd.s32 $0x8000, s18;
	s23 =	simm.s32 $0x13080  }
0x2db: {  	[hbm4b:s22+s3] =	stream.linear.scatter [tilespmem:s23], [sflag:$0xD], $0x80, $0x38;
	[tilespmem:$0x16C00] =	vst v63  }
0x2dc: {  	s22 =	sadd.s32 $0x8010, s18;
	s23 =	simm.s32 $0x13108  }
0x2dd: {  	[hbm4b:s22+s3] =	stream.linear.scatter [tilespmem:s23], [sflag:$0xD], $0x80, $0x38;
	[tilespmem:$0x16C00] =	vst v63  }
0x2de: {  	s22 =	sadd.s32 $0x8020, s18;
	s23 =	simm.s32 $0x13190  }
0x2df: {  	[hbm4b:s22+s3] =	stream.linear.scatter [tilespmem:s23], [sflag:$0xD], $0x80, $0x38;
	[tilespmem:$0x16C00] =	vst v63  }
0x2e0: {  	s22 =	sadd.s32 $0x8030, s18;
	s23 =	simm.s32 $0x13218  }
0x2e1: {  	[hbm4b:s22+s3] =	stream.linear.scatter [tilespmem:s23], [sflag:$0xD], $0x80, $0x38;
	[tilespmem:$0x16C00] =	vst v63  }
0x2e2: {  	s22 =	sadd.s32 $0x8040, s18;
	s23 =	simm.s32 $0x132A0  }
0x2e3: {  	[hbm4b:s22+s3] =	stream.linear.scatter [tilespmem:s23], [sflag:$0xD], $0x80, $0x38;
	[tilespmem:$0x16C00] =	vst v63  }
0x2e4: {  	s22 =	sadd.s32 $0x8050, s18;
	s23 =	simm.s32 $0x13328  }
0x2e5: {  	[hbm4b:s22+s3] =	stream.linear.scatter [tilespmem:s23], [sflag:$0xD], $0x80, $0x38;
	[tilespmem:$0x16C00] =	vst v63  }
0x2e6: {  	s22 =	sadd.s32 $0x8060, s18;
	s23 =	simm.s32 $0x133B0  }
0x2e7: {  	[hbm4b:s22+s3] =	stream.linear.scatter [tilespmem:s23], [sflag:$0xD], $0x80, $0x38;
	[tilespmem:$0x16C00] =	vst v63  }
0x2e8: {  	s22 =	sadd.s32 $0x8070, s18;
	s23 =	simm.s32 $0x13438  }
0x2e9: {  	[hbm4b:s22+s3] =	stream.linear.scatter [tilespmem:s23], [sflag:$0xD], $0x80, $0x38;
	[tilespmem:$0x16C00] =	vst v63  }
0x2ea: {  	s22 =	sadd.s32 $0xC000, s18;
	s23 =	simm.s32 $0x134C0  }
0x2eb: {  	[hbm4b:s22+s3] =	stream.linear.scatter [tilespmem:s23], [sflag:$0xD], $0x80, $0x38;
	[tilespmem:$0x16C00] =	vst v63  }
0x2ec: {  	s22 =	sadd.s32 $0xC010, s18;
	s23 =	simm.s32 $0x13548  }
0x2ed: {  	[hbm4b:s22+s3] =	stream.linear.scatter [tilespmem:s23], [sflag:$0xD], $0x80, $0x38;
	[tilespmem:$0x16C00] =	vst v63  }
0x2ee: {  	s22 =	sadd.s32 $0xC020, s18;
	s23 =	simm.s32 $0x135D0  }
0x2ef: {  	[hbm4b:s22+s3] =	stream.linear.scatter [tilespmem:s23], [sflag:$0xD], $0x80, $0x38;
	[tilespmem:$0x16C00] =	vst v63  }
0x2f0: {  	s22 =	sadd.s32 $0xC030, s18;
	s23 =	simm.s32 $0x13658  }
0x2f1: {  	[hbm4b:s22+s3] =	stream.linear.scatter [tilespmem:s23], [sflag:$0xD], $0x80, $0x38;
	[tilespmem:$0x16C00] =	vst v63  }
0x2f2: {  	s22 =	sadd.s32 $0xC040, s18;
	s23 =	simm.s32 $0x136E0  }
0x2f3: {  	[hbm4b:s22+s3] =	stream.linear.scatter [tilespmem:s23], [sflag:$0xD], $0x80, $0x38;
	[tilespmem:$0x16C00] =	vst v63  }
0x2f4: {  	s22 =	sadd.s32 $0xC050, s18;
	s23 =	simm.s32 $0x13768  }
0x2f5: {  	[hbm4b:s22+s3] =	stream.linear.scatter [tilespmem:s23], [sflag:$0xD], $0x80, $0x38;
	[tilespmem:$0x16C00] =	vst v63  }
0x2f6: {  	s22 =	sadd.s32 $0xC060, s18;
	s23 =	simm.s32 $0x137F0  }
0x2f7: {  	[hbm4b:s22+s3] =	stream.linear.scatter [tilespmem:s23], [sflag:$0xD], $0x80, $0x38;
	[tilespmem:$0x16C00] =	vst v63  }
0x2f8: {  	s18 =	sadd.s32 $0xC070, s18;
	s23 =	simm.s32 $0x13878  }
0x2f9: {  	[hbm4b:s18+s3] =	stream.linear.scatter [tilespmem:s23], [sflag:$0xD], $0x80, $0x38;
	[tilespmem:$0x16C00] =	vst v63  }
0x2fa: {  	_ =	swait.ge [sflag:s12], $0x1000  }
0x2fb: {  	[sflag:s12] =	ssyncset.done $0x0  }
0x2fc: {  	s18 =	simm.s32 @!p0 $0xE;
	[sflag:s12] =	ssyncadd.s32 $0xFFFFF000  }
0x2fd: {  	s22 =	simm.s32 $0x0;
	_ =	swait.ge @!p0 [sflag:s18], $0x1000  }
0x2fe: {  	v2 =	vmov s22;
	[sflag:s18] =	ssyncset.done @!p0 $0x0  }
0x2ff: {  	v2 =	vand.u32 $0x7C, v2;
	[sflag:s18] =	ssyncadd.s32 @!p0 $0xFFFFF000;
	s18 =	simm.s32 $0xB440  }
0x300: {  	v4 =	vadd.s32 v0, v2;
	v3 =	vld [tilespmem:s18+$0xFFFFFFC0];
	_ =	sdelay $0x4  }
0x301: {  	[tilespmem:v4+s15+$0x0] =	vst.idx.msk $0xffff, v3  }
0x302: {  	v2 =	vadd.s32 v1, v2;
	v3 =	vld [tilespmem:s18+$0xFFFFFFD0];
	_ =	sdelay $0x2  }
0x303: {  	s23 =	simm.s32 $0x1  }
0x304: {  	v4 =	vmov s23  }
0x305: {  	[tilespmem:v2+s15+$0x0] =	vst.idx.msk $0xffff, v3;
	v2 =	vand.u32 $0x7D, v4  }
0x306: {  	v3 =	vld [tilespmem:s18+$0xFFFFFFE0];
	v4 =	vadd.s32 v0, v2;
	_ =	sdelay $0x4  }
0x307: {  	[tilespmem:v4+s15+$0x0] =	vst.idx.msk $0xffff, v3  }
0x308: {  	v2 =	vadd.s32 v1, v2;
	v3 =	vld [tilespmem:s18+$0xFFFFFFF0];
	_ =	sdelay $0x2  }
0x309: {  	s22 =	simm.s32 $0x2  }
0x30a: {  	v4 =	vmov s22  }
0x30b: {  	[tilespmem:v2+s15+$0x0] =	vst.idx.msk $0xffff, v3;
	v2 =	vand.u32 $0x7E, v4  }
0x30c: {  	v3 =	vld [tilespmem:s18+$0x0];
	v4 =	vadd.s32 v0, v2;
	_ =	sdelay $0x4  }
0x30d: {  	[tilespmem:v4+s15+$0x0] =	vst.idx.msk $0xffff, v3  }
0x30e: {  	v2 =	vadd.s32 v1, v2;
	v3 =	vld [tilespmem:s18+$0x10];
	_ =	sdelay $0x2  }
0x30f: {  	s23 =	simm.s32 $0x3  }
0x310: {  	v4 =	vmov s23  }
0x311: {  	[tilespmem:v2+s15+$0x0] =	vst.idx.msk $0xffff, v3;
	v3 =	vand.u32 $0x7F, v4  }
0x312: {  	v2 =	vld [tilespmem:s18+$0x20];
	v4 =	vadd.s32 v0, v3;
	_ =	sdelay $0x4  }
0x313: {  	[tilespmem:v4+s15+$0x0] =	vst.idx.msk $0xffff, v2  }
0x314: {  	v3 =	vadd.s32 v1, v3;
	v2 =	vld [tilespmem:s18+$0x30];
	_ =	sdelay $0x2  }
0x315: {  	s19 =	simm.s32 $0x4  }
0x316: {  	s22 =	simm.s32 $0x8;
	v4 =	vmov s19  }
.LBB2_13:
0x317: {  	p2 =	sne.s32 s22, $0x7C;
	v4 =	vand.u32 $0x7C, v4;
	[tilespmem:v3+s15+$0x0] =	vst.idx.msk $0xffff, v2;
	s18 =	sadd.s32 $0x80, s18  }
0x318: {  	v2 =	vld [tilespmem:s18+$0xFFFFFFC0];
	v3 =	vadd.s32 v0, v4;
	_ =	sdelay $0x4  }
0x319: {  	[tilespmem:v3+s15+$0x0] =	vst.idx.msk $0xffff, v2  }
0x31a: {  	v3 =	vadd.s32 v1, v4;
	v2 =	vld [tilespmem:s18+$0xFFFFFFD0];
	_ =	sdelay $0x2  }
0x31b: {  	s23 =	sadd.s32 $0x1, s19  }
0x31c: {  	v4 =	vmov s23  }
0x31d: {  	[tilespmem:v3+s15+$0x0] =	vst.idx.msk $0xffff, v2;
	v2 =	vand.u32 $0x7D, v4  }
0x31e: {  	v3 =	vld [tilespmem:s18+$0xFFFFFFE0];
	v4 =	vadd.s32 v0, v2;
	_ =	sdelay $0x4  }
0x31f: {  	[tilespmem:v4+s15+$0x0] =	vst.idx.msk $0xffff, v3  }
0x320: {  	v2 =	vadd.s32 v1, v2;
	v3 =	vld [tilespmem:s18+$0xFFFFFFF0];
	_ =	sdelay $0x2  }
0x321: {  	s23 =	sadd.s32 $0x2, s19  }
0x322: {  	v4 =	vmov s23  }
0x323: {  	[tilespmem:v2+s15+$0x0] =	vst.idx.msk $0xffff, v3;
	v2 =	vand.u32 $0x7E, v4  }
0x324: {  	v3 =	vld [tilespmem:s18+$0x0];
	v4 =	vadd.s32 v0, v2;
	_ =	sdelay $0x4  }
0x325: {  	[tilespmem:v4+s15+$0x0] =	vst.idx.msk $0xffff, v3  }
0x326: {  	v2 =	vadd.s32 v1, v2;
	v3 =	vld [tilespmem:s18+$0x10];
	_ =	sdelay $0x2  }
0x327: {  	s23 =	sadd.s32 $0x3, s19;
	s19 =	smov.u32 s22  }
0x328: {  	v4 =	vmov s23  }
0x329: {  	[tilespmem:v2+s15+$0x0] =	vst.idx.msk $0xffff, v3;
	v3 =	vand.u32 $0x7F, v4  }
0x32a: {  	v2 =	vld [tilespmem:s18+$0x20];
	v4 =	vadd.s32 v0, v3;
	_ =	sdelay $0x4  }
0x32b: {  	[tilespmem:v4+s15+$0x0] =	vst.idx.msk $0xffff, v2  }
.Ltmp5:
0x32c: {  	v3 =	vadd.s32 v1, v3;
	v2 =	vld [tilespmem:s18+$0x30];
	(pc) =	sbr.rel @p2 .LBB2_13-.Ltmp5, $2  }
0x32d: {  	_ =	sdelay $0x2  }
0x32e: {  	s22 =	sadd.s32 $0x4, s22;
	v4 =	vmov s19  }
0x32f: {  	_ =	sdelay $0x3  }
0x330: {  	v4 =	vand.u32 $0x7C, v4;
	[tilespmem:v3+s15+$0x0] =	vst.idx.msk $0xffff, v2;
	s18 =	sadd.s32 $0x80, s18  }
0x331: {  	v2 =	vld [tilespmem:s18+$0xFFFFFFC0];
	v3 =	vadd.s32 v0, v4;
	_ =	sdelay $0x4  }
0x332: {  	[tilespmem:v3+s15+$0x0] =	vst.idx.msk $0xffff, v2  }
0x333: {  	v3 =	vadd.s32 v1, v4;
	v2 =	vld [tilespmem:s18+$0xFFFFFFD0];
	_ =	sdelay $0x2  }
0x334: {  	s22 =	sadd.s32 $0x1, s19  }
0x335: {  	v4 =	vmov s22  }
0x336: {  	[tilespmem:v3+s15+$0x0] =	vst.idx.msk $0xffff, v2;
	v2 =	vand.u32 $0x7D, v4  }
0x337: {  	v3 =	vld [tilespmem:s18+$0xFFFFFFE0];
	v4 =	vadd.s32 v0, v2;
	_ =	sdelay $0x4  }
0x338: {  	[tilespmem:v4+s15+$0x0] =	vst.idx.msk $0xffff, v3  }
0x339: {  	v2 =	vadd.s32 v1, v2;
	v3 =	vld [tilespmem:s18+$0xFFFFFFF0];
	_ =	sdelay $0x2  }
0x33a: {  	s23 =	sadd.s32 $0x2, s19  }
0x33b: {  	v4 =	vmov s23  }
0x33c: {  	[tilespmem:v2+s15+$0x0] =	vst.idx.msk $0xffff, v3;
	v2 =	vand.u32 $0x7E, v4  }
0x33d: {  	v3 =	vld [tilespmem:s18+$0x0];
	v4 =	vadd.s32 v0, v2;
	_ =	sdelay $0x4  }
0x33e: {  	[tilespmem:v4+s15+$0x0] =	vst.idx.msk $0xffff, v3  }
0x33f: {  	v2 =	vadd.s32 v1, v2;
	v3 =	vld [tilespmem:s18+$0x10];
	_ =	sdelay $0x2  }
0x340: {  	s23 =	sadd.s32 $0x3, s19  }
0x341: {  	v4 =	vmov s23  }
0x342: {  	[tilespmem:v2+s15+$0x0] =	vst.idx.msk $0xffff, v3;
	v2 =	vand.u32 $0x7F, v4  }
0x343: {  	v3 =	vld [tilespmem:s18+$0x20];
	v4 =	vadd.s32 v0, v2;
	_ =	sdelay $0x4  }
0x344: {  	[tilespmem:v4+s15+$0x0] =	vst.idx.msk $0xffff, v3  }
0x345: {  	v2 =	vadd.s32 v1, v2;
	v3 =	vld [tilespmem:s18+$0x30];
	_ =	sdelay $0x4  }
0x346: {  	s22 =	simm.s32 @!p1 $0xB400;
	s19 =	simm.s32 @!p1 $0x80;
	s18 =	sadd.s32 @!p1 $0x680, s16;
	[tilespmem:v2+s15+$0x0] =	vst.idx.msk $0xffff, v3  }
0x347: {  	[tilespmem:s22], [sflag:$0x6] =	stream.indirect.gather @!p1 [hbm4b:s4+s19], $0x20, s18, s19, $0xb8;
	[tilespmem:$0x16C00] =	vst v63  }
0x348: {  	s19 =	sor.u32 s7, s17  }
0x349: {  	s18 =	sshrl.u32 s19, $0x3  }
0x34a: {  	s18 =	sadd.s32 s2, s18  }
0x34b: {  	[hbm4b:s18+s3] =	stream.linear.scatter [tilespmem:s15], [sflag:$0xE], $0x80, $0x38;
	[tilespmem:$0x16C00] =	vst v63  }
0x34c: {  	s23 =	simm.s32 $0x13988;
	s22 =	sadd.s32 $0x10, s18  }
0x34d: {  	[hbm4b:s22+s3] =	stream.linear.scatter [tilespmem:s23], [sflag:$0xE], $0x80, $0x38;
	[tilespmem:$0x16C00] =	vst v63  }
0x34e: {  	s22 =	sadd.s32 $0x20, s18;
	s23 =	simm.s32 $0x13A10  }
0x34f: {  	[hbm4b:s22+s3] =	stream.linear.scatter [tilespmem:s23], [sflag:$0xE], $0x80, $0x38;
	[tilespmem:$0x16C00] =	vst v63  }
0x350: {  	s22 =	sadd.s32 $0x30, s18;
	s23 =	simm.s32 $0x13A98  }
0x351: {  	[hbm4b:s22+s3] =	stream.linear.scatter [tilespmem:s23], [sflag:$0xE], $0x80, $0x38;
	[tilespmem:$0x16C00] =	vst v63  }
0x352: {  	s22 =	sadd.s32 $0x40, s18;
	s23 =	simm.s32 $0x13B20  }
0x353: {  	[hbm4b:s22+s3] =	stream.linear.scatter [tilespmem:s23], [sflag:$0xE], $0x80, $0x38;
	[tilespmem:$0x16C00] =	vst v63  }
0x354: {  	s22 =	sadd.s32 $0x50, s18;
	s23 =	simm.s32 $0x13BA8  }
0x355: {  	[hbm4b:s22+s3] =	stream.linear.scatter [tilespmem:s23], [sflag:$0xE], $0x80, $0x38;
	[tilespmem:$0x16C00] =	vst v63  }
0x356: {  	s22 =	sadd.s32 $0x60, s18;
	s23 =	simm.s32 $0x13C30  }
0x357: {  	[hbm4b:s22+s3] =	stream.linear.scatter [tilespmem:s23], [sflag:$0xE], $0x80, $0x38;
	[tilespmem:$0x16C00] =	vst v63  }
0x358: {  	s22 =	sadd.s32 $0x70, s18;
	s23 =	simm.s32 $0x13CB8  }
0x359: {  	[hbm4b:s22+s3] =	stream.linear.scatter [tilespmem:s23], [sflag:$0xE], $0x80, $0x38;
	[tilespmem:$0x16C00] =	vst v63  }
0x35a: {  	s22 =	sadd.s32 $0x4000, s18;
	s23 =	simm.s32 $0x13D40  }
0x35b: {  	[hbm4b:s22+s3] =	stream.linear.scatter [tilespmem:s23], [sflag:$0xE], $0x80, $0x38;
	[tilespmem:$0x16C00] =	vst v63  }
0x35c: {  	s22 =	sadd.s32 $0x4010, s18;
	s23 =	simm.s32 $0x13DC8  }
0x35d: {  	[hbm4b:s22+s3] =	stream.linear.scatter [tilespmem:s23], [sflag:$0xE], $0x80, $0x38;
	[tilespmem:$0x16C00] =	vst v63  }
0x35e: {  	s22 =	sadd.s32 $0x4020, s18;
	s23 =	simm.s32 $0x13E50  }
0x35f: {  	[hbm4b:s22+s3] =	stream.linear.scatter [tilespmem:s23], [sflag:$0xE], $0x80, $0x38;
	[tilespmem:$0x16C00] =	vst v63  }
0x360: {  	s22 =	sadd.s32 $0x4030, s18;
	s23 =	simm.s32 $0x13ED8  }
0x361: {  	[hbm4b:s22+s3] =	stream.linear.scatter [tilespmem:s23], [sflag:$0xE], $0x80, $0x38;
	[tilespmem:$0x16C00] =	vst v63  }
0x362: {  	s22 =	sadd.s32 $0x4040, s18;
	s23 =	simm.s32 $0x13F60  }
0x363: {  	[hbm4b:s22+s3] =	stream.linear.scatter [tilespmem:s23], [sflag:$0xE], $0x80, $0x38;
	[tilespmem:$0x16C00] =	vst v63  }
0x364: {  	s22 =	sadd.s32 $0x4050, s18;
	s23 =	simm.s32 $0x13FE8  }
0x365: {  	[hbm4b:s22+s3] =	stream.linear.scatter [tilespmem:s23], [sflag:$0xE], $0x80, $0x38;
	[tilespmem:$0x16C00] =	vst v63  }
0x366: {  	s22 =	sadd.s32 $0x4060, s18;
	s23 =	simm.s32 $0x14070  }
0x367: {  	[hbm4b:s22+s3] =	stream.linear.scatter [tilespmem:s23], [sflag:$0xE], $0x80, $0x38;
	[tilespmem:$0x16C00] =	vst v63  }
0x368: {  	s22 =	sadd.s32 $0x4070, s18;
	s23 =	simm.s32 $0x140F8  }
0x369: {  	[hbm4b:s22+s3] =	stream.linear.scatter [tilespmem:s23], [sflag:$0xE], $0x80, $0x38;
	[tilespmem:$0x16C00] =	vst v63  }
0x36a: {  	s22 =	sadd.s32 $0x8000, s18;
	s23 =	simm.s32 $0x14180  }
0x36b: {  	[hbm4b:s22+s3] =	stream.linear.scatter [tilespmem:s23], [sflag:$0xE], $0x80, $0x38;
	[tilespmem:$0x16C00] =	vst v63  }
0x36c: {  	s22 =	sadd.s32 $0x8010, s18;
	s23 =	simm.s32 $0x14208  }
0x36d: {  	[hbm4b:s22+s3] =	stream.linear.scatter [tilespmem:s23], [sflag:$0xE], $0x80, $0x38;
	[tilespmem:$0x16C00] =	vst v63  }
0x36e: {  	s22 =	sadd.s32 $0x8020, s18;
	s23 =	simm.s32 $0x14290  }
0x36f: {  	[hbm4b:s22+s3] =	stream.linear.scatter [tilespmem:s23], [sflag:$0xE], $0x80, $0x38;
	[tilespmem:$0x16C00] =	vst v63  }
0x370: {  	s22 =	sadd.s32 $0x8030, s18;
	s23 =	simm.s32 $0x14318  }
0x371: {  	[hbm4b:s22+s3] =	stream.linear.scatter [tilespmem:s23], [sflag:$0xE], $0x80, $0x38;
	[tilespmem:$0x16C00] =	vst v63  }
0x372: {  	s22 =	sadd.s32 $0x8040, s18;
	s23 =	simm.s32 $0x143A0  }
0x373: {  	[hbm4b:s22+s3] =	stream.linear.scatter [tilespmem:s23], [sflag:$0xE], $0x80, $0x38;
	[tilespmem:$0x16C00] =	vst v63  }
0x374: {  	s22 =	sadd.s32 $0x8050, s18;
	s23 =	simm.s32 $0x14428  }
0x375: {  	[hbm4b:s22+s3] =	stream.linear.scatter [tilespmem:s23], [sflag:$0xE], $0x80, $0x38;
	[tilespmem:$0x16C00] =	vst v63  }
0x376: {  	s22 =	sadd.s32 $0x8060, s18;
	s23 =	simm.s32 $0x144B0  }
0x377: {  	[hbm4b:s22+s3] =	stream.linear.scatter [tilespmem:s23], [sflag:$0xE], $0x80, $0x38;
	[tilespmem:$0x16C00] =	vst v63  }
0x378: {  	s22 =	sadd.s32 $0x8070, s18;
	s23 =	simm.s32 $0x14538  }
0x379: {  	[hbm4b:s22+s3] =	stream.linear.scatter [tilespmem:s23], [sflag:$0xE], $0x80, $0x38;
	[tilespmem:$0x16C00] =	vst v63  }
0x37a: {  	s22 =	sadd.s32 $0xC000, s18;
	s23 =	simm.s32 $0x145C0  }
0x37b: {  	[hbm4b:s22+s3] =	stream.linear.scatter [tilespmem:s23], [sflag:$0xE], $0x80, $0x38;
	[tilespmem:$0x16C00] =	vst v63  }
0x37c: {  	s22 =	sadd.s32 $0xC010, s18;
	s23 =	simm.s32 $0x14648  }
0x37d: {  	[hbm4b:s22+s3] =	stream.linear.scatter [tilespmem:s23], [sflag:$0xE], $0x80, $0x38;
	[tilespmem:$0x16C00] =	vst v63  }
0x37e: {  	s22 =	sadd.s32 $0xC020, s18;
	s23 =	simm.s32 $0x146D0  }
0x37f: {  	[hbm4b:s22+s3] =	stream.linear.scatter [tilespmem:s23], [sflag:$0xE], $0x80, $0x38;
	[tilespmem:$0x16C00] =	vst v63  }
0x380: {  	s22 =	sadd.s32 $0xC030, s18;
	s23 =	simm.s32 $0x14758  }
0x381: {  	[hbm4b:s22+s3] =	stream.linear.scatter [tilespmem:s23], [sflag:$0xE], $0x80, $0x38;
	[tilespmem:$0x16C00] =	vst v63  }
0x382: {  	s22 =	sadd.s32 $0xC040, s18;
	s23 =	simm.s32 $0x147E0  }
0x383: {  	[hbm4b:s22+s3] =	stream.linear.scatter [tilespmem:s23], [sflag:$0xE], $0x80, $0x38;
	[tilespmem:$0x16C00] =	vst v63  }
0x384: {  	s22 =	sadd.s32 $0xC050, s18;
	s23 =	simm.s32 $0x14868  }
0x385: {  	[hbm4b:s22+s3] =	stream.linear.scatter [tilespmem:s23], [sflag:$0xE], $0x80, $0x38;
	[tilespmem:$0x16C00] =	vst v63  }
0x386: {  	s22 =	sadd.s32 $0xC060, s18;
	s23 =	simm.s32 $0x148F0  }
0x387: {  	[hbm4b:s22+s3] =	stream.linear.scatter [tilespmem:s23], [sflag:$0xE], $0x80, $0x38;
	[tilespmem:$0x16C00] =	vst v63  }
0x388: {  	s18 =	sadd.s32 $0xC070, s18;
	s23 =	simm.s32 $0x14978  }
0x389: {  	[hbm4b:s18+s3] =	stream.linear.scatter [tilespmem:s23], [sflag:$0xE], $0x80, $0x38;
	[tilespmem:$0x16C00] =	vst v63  }
0x38a: {  	_ =	swait.ge [sflag:s25], $0x1000  }
0x38b: {  	[sflag:s25] =	ssyncset.done $0x0  }
0x38c: {  	s18 =	simm.s32 @!p0 $0xF;
	[sflag:s25] =	ssyncadd.s32 $0xFFFFF000  }
0x38d: {  	s22 =	simm.s32 $0x0;
	_ =	swait.ge @!p0 [sflag:s18], $0x1000  }
0x38e: {  	v2 =	vmov s22;
	[sflag:s18] =	ssyncset.done @!p0 $0x0  }
0x38f: {  	v2 =	vand.u32 $0x7C, v2;
	[sflag:s18] =	ssyncadd.s32 @!p0 $0xFFFFF000;
	s18 =	simm.s32 $0xC440  }
0x390: {  	v4 =	vadd.s32 v0, v2;
	v3 =	vld [tilespmem:s18+$0xFFFFFFC0];
	_ =	sdelay $0x4  }
0x391: {  	[tilespmem:v4+s26+$0x0] =	vst.idx.msk $0xffff, v3  }
0x392: {  	v2 =	vadd.s32 v1, v2;
	v3 =	vld [tilespmem:s18+$0xFFFFFFD0];
	_ =	sdelay $0x2  }
0x393: {  	s23 =	simm.s32 $0x1  }
0x394: {  	v4 =	vmov s23  }
0x395: {  	[tilespmem:v2+s26+$0x0] =	vst.idx.msk $0xffff, v3;
	v2 =	vand.u32 $0x7D, v4  }
0x396: {  	v3 =	vld [tilespmem:s18+$0xFFFFFFE0];
	v4 =	vadd.s32 v0, v2;
	_ =	sdelay $0x4  }
0x397: {  	[tilespmem:v4+s26+$0x0] =	vst.idx.msk $0xffff, v3  }
0x398: {  	v2 =	vadd.s32 v1, v2;
	v3 =	vld [tilespmem:s18+$0xFFFFFFF0];
	_ =	sdelay $0x2  }
0x399: {  	s22 =	simm.s32 $0x2  }
0x39a: {  	v4 =	vmov s22  }
0x39b: {  	[tilespmem:v2+s26+$0x0] =	vst.idx.msk $0xffff, v3;
	v2 =	vand.u32 $0x7E, v4  }
0x39c: {  	v3 =	vld [tilespmem:s18+$0x0];
	v4 =	vadd.s32 v0, v2;
	_ =	sdelay $0x4  }
0x39d: {  	[tilespmem:v4+s26+$0x0] =	vst.idx.msk $0xffff, v3  }
0x39e: {  	v2 =	vadd.s32 v1, v2;
	v3 =	vld [tilespmem:s18+$0x10];
	_ =	sdelay $0x2  }
0x39f: {  	s23 =	simm.s32 $0x3  }
0x3a0: {  	v4 =	vmov s23  }
0x3a1: {  	[tilespmem:v2+s26+$0x0] =	vst.idx.msk $0xffff, v3;
	v3 =	vand.u32 $0x7F, v4  }
0x3a2: {  	v2 =	vld [tilespmem:s18+$0x20];
	v4 =	vadd.s32 v0, v3;
	_ =	sdelay $0x4  }
0x3a3: {  	[tilespmem:v4+s26+$0x0] =	vst.idx.msk $0xffff, v2  }
0x3a4: {  	v3 =	vadd.s32 v1, v3;
	v2 =	vld [tilespmem:s18+$0x30];
	_ =	sdelay $0x2  }
0x3a5: {  	s19 =	simm.s32 $0x4  }
0x3a6: {  	s22 =	simm.s32 $0x8;
	v4 =	vmov s19  }
.LBB2_15:
0x3a7: {  	p2 =	sne.s32 s22, $0x7C;
	v4 =	vand.u32 $0x7C, v4;
	[tilespmem:v3+s26+$0x0] =	vst.idx.msk $0xffff, v2;
	s18 =	sadd.s32 $0x80, s18  }
0x3a8: {  	v2 =	vld [tilespmem:s18+$0xFFFFFFC0];
	v3 =	vadd.s32 v0, v4;
	_ =	sdelay $0x4  }
0x3a9: {  	[tilespmem:v3+s26+$0x0] =	vst.idx.msk $0xffff, v2  }
0x3aa: {  	v3 =	vadd.s32 v1, v4;
	v2 =	vld [tilespmem:s18+$0xFFFFFFD0];
	_ =	sdelay $0x2  }
0x3ab: {  	s23 =	sadd.s32 $0x1, s19  }
0x3ac: {  	v4 =	vmov s23  }
0x3ad: {  	[tilespmem:v3+s26+$0x0] =	vst.idx.msk $0xffff, v2;
	v2 =	vand.u32 $0x7D, v4  }
0x3ae: {  	v3 =	vld [tilespmem:s18+$0xFFFFFFE0];
	v4 =	vadd.s32 v0, v2;
	_ =	sdelay $0x4  }
0x3af: {  	[tilespmem:v4+s26+$0x0] =	vst.idx.msk $0xffff, v3  }
0x3b0: {  	v2 =	vadd.s32 v1, v2;
	v3 =	vld [tilespmem:s18+$0xFFFFFFF0];
	_ =	sdelay $0x2  }
0x3b1: {  	s23 =	sadd.s32 $0x2, s19  }
0x3b2: {  	v4 =	vmov s23  }
0x3b3: {  	[tilespmem:v2+s26+$0x0] =	vst.idx.msk $0xffff, v3;
	v2 =	vand.u32 $0x7E, v4  }
0x3b4: {  	v3 =	vld [tilespmem:s18+$0x0];
	v4 =	vadd.s32 v0, v2;
	_ =	sdelay $0x4  }
0x3b5: {  	[tilespmem:v4+s26+$0x0] =	vst.idx.msk $0xffff, v3  }
0x3b6: {  	v2 =	vadd.s32 v1, v2;
	v3 =	vld [tilespmem:s18+$0x10];
	_ =	sdelay $0x2  }
0x3b7: {  	s23 =	sadd.s32 $0x3, s19;
	s19 =	smov.u32 s22  }
0x3b8: {  	v4 =	vmov s23  }
0x3b9: {  	[tilespmem:v2+s26+$0x0] =	vst.idx.msk $0xffff, v3;
	v3 =	vand.u32 $0x7F, v4  }
0x3ba: {  	v2 =	vld [tilespmem:s18+$0x20];
	v4 =	vadd.s32 v0, v3;
	_ =	sdelay $0x4  }
0x3bb: {  	[tilespmem:v4+s26+$0x0] =	vst.idx.msk $0xffff, v2  }
.Ltmp6:
0x3bc: {  	v3 =	vadd.s32 v1, v3;
	v2 =	vld [tilespmem:s18+$0x30];
	(pc) =	sbr.rel @p2 .LBB2_15-.Ltmp6, $2  }
0x3bd: {  	_ =	sdelay $0x2  }
0x3be: {  	s22 =	sadd.s32 $0x4, s22;
	v4 =	vmov s19  }
0x3bf: {  	_ =	sdelay $0x3  }
0x3c0: {  	v4 =	vand.u32 $0x7C, v4;
	[tilespmem:v3+s26+$0x0] =	vst.idx.msk $0xffff, v2;
	s18 =	sadd.s32 $0x80, s18  }
0x3c1: {  	v2 =	vld [tilespmem:s18+$0xFFFFFFC0];
	v3 =	vadd.s32 v0, v4;
	_ =	sdelay $0x4  }
0x3c2: {  	[tilespmem:v3+s26+$0x0] =	vst.idx.msk $0xffff, v2  }
0x3c3: {  	v3 =	vadd.s32 v1, v4;
	v2 =	vld [tilespmem:s18+$0xFFFFFFD0];
	_ =	sdelay $0x2  }
0x3c4: {  	s22 =	sadd.s32 $0x1, s19  }
0x3c5: {  	v4 =	vmov s22  }
0x3c6: {  	[tilespmem:v3+s26+$0x0] =	vst.idx.msk $0xffff, v2;
	v2 =	vand.u32 $0x7D, v4  }
0x3c7: {  	v3 =	vld [tilespmem:s18+$0xFFFFFFE0];
	v4 =	vadd.s32 v0, v2;
	_ =	sdelay $0x4  }
0x3c8: {  	[tilespmem:v4+s26+$0x0] =	vst.idx.msk $0xffff, v3  }
0x3c9: {  	v2 =	vadd.s32 v1, v2;
	v3 =	vld [tilespmem:s18+$0xFFFFFFF0];
	_ =	sdelay $0x2  }
0x3ca: {  	s23 =	sadd.s32 $0x2, s19  }
0x3cb: {  	v4 =	vmov s23  }
0x3cc: {  	[tilespmem:v2+s26+$0x0] =	vst.idx.msk $0xffff, v3;
	v2 =	vand.u32 $0x7E, v4  }
0x3cd: {  	v3 =	vld [tilespmem:s18+$0x0];
	v4 =	vadd.s32 v0, v2;
	_ =	sdelay $0x4  }
0x3ce: {  	[tilespmem:v4+s26+$0x0] =	vst.idx.msk $0xffff, v3  }
0x3cf: {  	v2 =	vadd.s32 v1, v2;
	v3 =	vld [tilespmem:s18+$0x10];
	_ =	sdelay $0x2  }
0x3d0: {  	s23 =	sadd.s32 $0x3, s19  }
0x3d1: {  	v4 =	vmov s23  }
0x3d2: {  	[tilespmem:v2+s26+$0x0] =	vst.idx.msk $0xffff, v3;
	v2 =	vand.u32 $0x7F, v4  }
0x3d3: {  	v3 =	vld [tilespmem:s18+$0x20];
	v4 =	vadd.s32 v0, v2;
	_ =	sdelay $0x4  }
0x3d4: {  	[tilespmem:v4+s26+$0x0] =	vst.idx.msk $0xffff, v3  }
0x3d5: {  	v2 =	vadd.s32 v1, v2;
	v3 =	vld [tilespmem:s18+$0x30];
	_ =	sdelay $0x4  }
0x3d6: {  	s22 =	simm.s32 @!p1 $0xC400;
	s19 =	simm.s32 @!p1 $0x80;
	s18 =	sadd.s32 @!p1 $0x700, s16;
	[tilespmem:v2+s26+$0x0] =	vst.idx.msk $0xffff, v3  }
0x3d7: {  	[tilespmem:s22], [sflag:$0x7] =	stream.indirect.gather @!p1 [hbm4b:s4+s19], $0x20, s18, s19, $0xb8;
	[tilespmem:$0x16C00] =	vst v63  }
0x3d8: {  	s19 =	sor.u32 s8, s17  }
0x3d9: {  	s18 =	sshrl.u32 s19, $0x3  }
0x3da: {  	s18 =	sadd.s32 s2, s18  }
0x3db: {  	[hbm4b:s18+s3] =	stream.linear.scatter [tilespmem:s26], [sflag:$0xF], $0x80, $0x38;
	[tilespmem:$0x16C00] =	vst v63  }
0x3dc: {  	s23 =	simm.s32 $0x14A88;
	s22 =	sadd.s32 $0x10, s18  }
0x3dd: {  	[hbm4b:s22+s3] =	stream.linear.scatter [tilespmem:s23], [sflag:$0xF], $0x80, $0x38;
	[tilespmem:$0x16C00] =	vst v63  }
0x3de: {  	s22 =	sadd.s32 $0x20, s18;
	s23 =	simm.s32 $0x14B10  }
0x3df: {  	[hbm4b:s22+s3] =	stream.linear.scatter [tilespmem:s23], [sflag:$0xF], $0x80, $0x38;
	[tilespmem:$0x16C00] =	vst v63  }
0x3e0: {  	s22 =	sadd.s32 $0x30, s18;
	s23 =	simm.s32 $0x14B98  }
0x3e1: {  	[hbm4b:s22+s3] =	stream.linear.scatter [tilespmem:s23], [sflag:$0xF], $0x80, $0x38;
	[tilespmem:$0x16C00] =	vst v63  }
0x3e2: {  	s22 =	sadd.s32 $0x40, s18;
	s23 =	simm.s32 $0x14C20  }
0x3e3: {  	[hbm4b:s22+s3] =	stream.linear.scatter [tilespmem:s23], [sflag:$0xF], $0x80, $0x38;
	[tilespmem:$0x16C00] =	vst v63  }
0x3e4: {  	s22 =	sadd.s32 $0x50, s18;
	s23 =	simm.s32 $0x14CA8  }
0x3e5: {  	[hbm4b:s22+s3] =	stream.linear.scatter [tilespmem:s23], [sflag:$0xF], $0x80, $0x38;
	[tilespmem:$0x16C00] =	vst v63  }
0x3e6: {  	s22 =	sadd.s32 $0x60, s18;
	s23 =	simm.s32 $0x14D30  }
0x3e7: {  	[hbm4b:s22+s3] =	stream.linear.scatter [tilespmem:s23], [sflag:$0xF], $0x80, $0x38;
	[tilespmem:$0x16C00] =	vst v63  }
0x3e8: {  	s22 =	sadd.s32 $0x70, s18;
	s23 =	simm.s32 $0x14DB8  }
0x3e9: {  	[hbm4b:s22+s3] =	stream.linear.scatter [tilespmem:s23], [sflag:$0xF], $0x80, $0x38;
	[tilespmem:$0x16C00] =	vst v63  }
0x3ea: {  	s22 =	sadd.s32 $0x4000, s18;
	s23 =	simm.s32 $0x14E40  }
0x3eb: {  	[hbm4b:s22+s3] =	stream.linear.scatter [tilespmem:s23], [sflag:$0xF], $0x80, $0x38;
	[tilespmem:$0x16C00] =	vst v63  }
0x3ec: {  	s22 =	sadd.s32 $0x4010, s18;
	s23 =	simm.s32 $0x14EC8  }
0x3ed: {  	[hbm4b:s22+s3] =	stream.linear.scatter [tilespmem:s23], [sflag:$0xF], $0x80, $0x38;
	[tilespmem:$0x16C00] =	vst v63  }
0x3ee: {  	s22 =	sadd.s32 $0x4020, s18;
	s23 =	simm.s32 $0x14F50  }
0x3ef: {  	[hbm4b:s22+s3] =	stream.linear.scatter [tilespmem:s23], [sflag:$0xF], $0x80, $0x38;
	[tilespmem:$0x16C00] =	vst v63  }
0x3f0: {  	s22 =	sadd.s32 $0x4030, s18;
	s23 =	simm.s32 $0x14FD8  }
0x3f1: {  	[hbm4b:s22+s3] =	stream.linear.scatter [tilespmem:s23], [sflag:$0xF], $0x80, $0x38;
	[tilespmem:$0x16C00] =	vst v63  }
0x3f2: {  	s22 =	sadd.s32 $0x4040, s18;
	s23 =	simm.s32 $0x15060  }
0x3f3: {  	[hbm4b:s22+s3] =	stream.linear.scatter [tilespmem:s23], [sflag:$0xF], $0x80, $0x38;
	[tilespmem:$0x16C00] =	vst v63  }
0x3f4: {  	s22 =	sadd.s32 $0x4050, s18;
	s23 =	simm.s32 $0x150E8  }
0x3f5: {  	[hbm4b:s22+s3] =	stream.linear.scatter [tilespmem:s23], [sflag:$0xF], $0x80, $0x38;
	[tilespmem:$0x16C00] =	vst v63  }
0x3f6: {  	s22 =	sadd.s32 $0x4060, s18;
	s23 =	simm.s32 $0x15170  }
0x3f7: {  	[hbm4b:s22+s3] =	stream.linear.scatter [tilespmem:s23], [sflag:$0xF], $0x80, $0x38;
	[tilespmem:$0x16C00] =	vst v63  }
0x3f8: {  	s22 =	sadd.s32 $0x4070, s18;
	s23 =	simm.s32 $0x151F8  }
0x3f9: {  	[hbm4b:s22+s3] =	stream.linear.scatter [tilespmem:s23], [sflag:$0xF], $0x80, $0x38;
	[tilespmem:$0x16C00] =	vst v63  }
0x3fa: {  	s22 =	sadd.s32 $0x8000, s18;
	s23 =	simm.s32 $0x15280  }
0x3fb: {  	[hbm4b:s22+s3] =	stream.linear.scatter [tilespmem:s23], [sflag:$0xF], $0x80, $0x38;
	[tilespmem:$0x16C00] =	vst v63  }
0x3fc: {  	s22 =	sadd.s32 $0x8010, s18;
	s23 =	simm.s32 $0x15308  }
0x3fd: {  	[hbm4b:s22+s3] =	stream.linear.scatter [tilespmem:s23], [sflag:$0xF], $0x80, $0x38;
	[tilespmem:$0x16C00] =	vst v63  }
0x3fe: {  	s22 =	sadd.s32 $0x8020, s18;
	s23 =	simm.s32 $0x15390  }
0x3ff: {  	[hbm4b:s22+s3] =	stream.linear.scatter [tilespmem:s23], [sflag:$0xF], $0x80, $0x38;
	[tilespmem:$0x16C00] =	vst v63  }
0x400: {  	s22 =	sadd.s32 $0x8030, s18;
	s23 =	simm.s32 $0x15418  }
0x401: {  	[hbm4b:s22+s3] =	stream.linear.scatter [tilespmem:s23], [sflag:$0xF], $0x80, $0x38;
	[tilespmem:$0x16C00] =	vst v63  }
0x402: {  	s22 =	sadd.s32 $0x8040, s18;
	s23 =	simm.s32 $0x154A0  }
0x403: {  	[hbm4b:s22+s3] =	stream.linear.scatter [tilespmem:s23], [sflag:$0xF], $0x80, $0x38;
	[tilespmem:$0x16C00] =	vst v63  }
0x404: {  	s22 =	sadd.s32 $0x8050, s18;
	s23 =	simm.s32 $0x15528  }
0x405: {  	[hbm4b:s22+s3] =	stream.linear.scatter [tilespmem:s23], [sflag:$0xF], $0x80, $0x38;
	[tilespmem:$0x16C00] =	vst v63  }
0x406: {  	s22 =	sadd.s32 $0x8060, s18;
	s23 =	simm.s32 $0x155B0  }
0x407: {  	[hbm4b:s22+s3] =	stream.linear.scatter [tilespmem:s23], [sflag:$0xF], $0x80, $0x38;
	[tilespmem:$0x16C00] =	vst v63  }
0x408: {  	s22 =	sadd.s32 $0x8070, s18;
	s23 =	simm.s32 $0x15638  }
0x409: {  	[hbm4b:s22+s3] =	stream.linear.scatter [tilespmem:s23], [sflag:$0xF], $0x80, $0x38;
	[tilespmem:$0x16C00] =	vst v63  }
0x40a: {  	s22 =	sadd.s32 $0xC000, s18;
	s23 =	simm.s32 $0x156C0  }
0x40b: {  	[hbm4b:s22+s3] =	stream.linear.scatter [tilespmem:s23], [sflag:$0xF], $0x80, $0x38;
	[tilespmem:$0x16C00] =	vst v63  }
0x40c: {  	s22 =	sadd.s32 $0xC010, s18;
	s23 =	simm.s32 $0x15748  }
0x40d: {  	[hbm4b:s22+s3] =	stream.linear.scatter [tilespmem:s23], [sflag:$0xF], $0x80, $0x38;
	[tilespmem:$0x16C00] =	vst v63  }
0x40e: {  	s22 =	sadd.s32 $0xC020, s18;
	s23 =	simm.s32 $0x157D0  }
0x40f: {  	[hbm4b:s22+s3] =	stream.linear.scatter [tilespmem:s23], [sflag:$0xF], $0x80, $0x38;
	[tilespmem:$0x16C00] =	vst v63  }
0x410: {  	s22 =	sadd.s32 $0xC030, s18;
	s23 =	simm.s32 $0x15858  }
0x411: {  	[hbm4b:s22+s3] =	stream.linear.scatter [tilespmem:s23], [sflag:$0xF], $0x80, $0x38;
	[tilespmem:$0x16C00] =	vst v63  }
0x412: {  	s22 =	sadd.s32 $0xC040, s18;
	s23 =	simm.s32 $0x158E0  }
0x413: {  	[hbm4b:s22+s3] =	stream.linear.scatter [tilespmem:s23], [sflag:$0xF], $0x80, $0x38;
	[tilespmem:$0x16C00] =	vst v63  }
0x414: {  	s22 =	sadd.s32 $0xC050, s18;
	s23 =	simm.s32 $0x15968  }
0x415: {  	[hbm4b:s22+s3] =	stream.linear.scatter [tilespmem:s23], [sflag:$0xF], $0x80, $0x38;
	[tilespmem:$0x16C00] =	vst v63  }
0x416: {  	s22 =	sadd.s32 $0xC060, s18;
	s23 =	simm.s32 $0x159F0  }
0x417: {  	[hbm4b:s22+s3] =	stream.linear.scatter [tilespmem:s23], [sflag:$0xF], $0x80, $0x38;
	[tilespmem:$0x16C00] =	vst v63  }
0x418: {  	s18 =	sadd.s32 $0xC070, s18;
	s23 =	simm.s32 $0x15A78  }
0x419: {  	[hbm4b:s18+s3] =	stream.linear.scatter [tilespmem:s23], [sflag:$0xF], $0x80, $0x38;
	[tilespmem:$0x16C00] =	vst v63  }
0x41a: {  	_ =	swait.ge [sflag:s14], $0x1000  }
0x41b: {  	[sflag:s14] =	ssyncset.done $0x0  }
0x41c: {  	s18 =	simm.s32 @!p0 $0x10;
	[sflag:s14] =	ssyncadd.s32 $0xFFFFF000  }
0x41d: {  	s22 =	simm.s32 $0x0;
	_ =	swait.ge @!p0 [sflag:s18], $0x1000  }
0x41e: {  	v2 =	vmov s22;
	[sflag:s18] =	ssyncset.done @!p0 $0x0  }
0x41f: {  	v2 =	vand.u32 $0x7C, v2;
	[sflag:s18] =	ssyncadd.s32 @!p0 $0xFFFFF000;
	s18 =	simm.s32 $0xD440  }
0x420: {  	v4 =	vadd.s32 v0, v2;
	v3 =	vld [tilespmem:s18+$0xFFFFFFC0];
	_ =	sdelay $0x4  }
0x421: {  	[tilespmem:v4+s1+$0x0] =	vst.idx.msk $0xffff, v3  }
0x422: {  	v2 =	vadd.s32 v1, v2;
	v3 =	vld [tilespmem:s18+$0xFFFFFFD0];
	_ =	sdelay $0x2  }
0x423: {  	s23 =	simm.s32 $0x1  }
0x424: {  	v4 =	vmov s23  }
0x425: {  	[tilespmem:v2+s1+$0x0] =	vst.idx.msk $0xffff, v3;
	v2 =	vand.u32 $0x7D, v4  }
0x426: {  	v3 =	vld [tilespmem:s18+$0xFFFFFFE0];
	v4 =	vadd.s32 v0, v2;
	_ =	sdelay $0x4  }
0x427: {  	[tilespmem:v4+s1+$0x0] =	vst.idx.msk $0xffff, v3  }
0x428: {  	v2 =	vadd.s32 v1, v2;
	v3 =	vld [tilespmem:s18+$0xFFFFFFF0];
	_ =	sdelay $0x2  }
0x429: {  	s22 =	simm.s32 $0x2  }
0x42a: {  	v4 =	vmov s22  }
0x42b: {  	[tilespmem:v2+s1+$0x0] =	vst.idx.msk $0xffff, v3;
	v2 =	vand.u32 $0x7E, v4  }
0x42c: {  	v3 =	vld [tilespmem:s18+$0x0];
	v4 =	vadd.s32 v0, v2;
	_ =	sdelay $0x4  }
0x42d: {  	[tilespmem:v4+s1+$0x0] =	vst.idx.msk $0xffff, v3  }
0x42e: {  	v2 =	vadd.s32 v1, v2;
	v3 =	vld [tilespmem:s18+$0x10];
	_ =	sdelay $0x2  }
0x42f: {  	s23 =	simm.s32 $0x3  }
0x430: {  	v4 =	vmov s23  }
0x431: {  	[tilespmem:v2+s1+$0x0] =	vst.idx.msk $0xffff, v3;
	v3 =	vand.u32 $0x7F, v4  }
0x432: {  	v2 =	vld [tilespmem:s18+$0x20];
	v4 =	vadd.s32 v0, v3;
	_ =	sdelay $0x4  }
0x433: {  	[tilespmem:v4+s1+$0x0] =	vst.idx.msk $0xffff, v2  }
0x434: {  	v3 =	vadd.s32 v1, v3;
	v2 =	vld [tilespmem:s18+$0x30];
	_ =	sdelay $0x2  }
0x435: {  	s19 =	simm.s32 $0x4  }
0x436: {  	s22 =	simm.s32 $0x8;
	v4 =	vmov s19  }
.LBB2_17:
0x437: {  	p0 =	sne.s32 s22, $0x7C;
	v4 =	vand.u32 $0x7C, v4;
	[tilespmem:v3+s1+$0x0] =	vst.idx.msk $0xffff, v2;
	s18 =	sadd.s32 $0x80, s18  }
0x438: {  	v2 =	vld [tilespmem:s18+$0xFFFFFFC0];
	v3 =	vadd.s32 v0, v4;
	_ =	sdelay $0x4  }
0x439: {  	[tilespmem:v3+s1+$0x0] =	vst.idx.msk $0xffff, v2  }
0x43a: {  	v3 =	vadd.s32 v1, v4;
	v2 =	vld [tilespmem:s18+$0xFFFFFFD0];
	_ =	sdelay $0x2  }
0x43b: {  	s23 =	sadd.s32 $0x1, s19  }
0x43c: {  	v4 =	vmov s23  }
0x43d: {  	[tilespmem:v3+s1+$0x0] =	vst.idx.msk $0xffff, v2;
	v2 =	vand.u32 $0x7D, v4  }
0x43e: {  	v3 =	vld [tilespmem:s18+$0xFFFFFFE0];
	v4 =	vadd.s32 v0, v2;
	_ =	sdelay $0x4  }
0x43f: {  	[tilespmem:v4+s1+$0x0] =	vst.idx.msk $0xffff, v3  }
0x440: {  	v2 =	vadd.s32 v1, v2;
	v3 =	vld [tilespmem:s18+$0xFFFFFFF0];
	_ =	sdelay $0x2  }
0x441: {  	s23 =	sadd.s32 $0x2, s19  }
0x442: {  	v4 =	vmov s23  }
0x443: {  	[tilespmem:v2+s1+$0x0] =	vst.idx.msk $0xffff, v3;
	v2 =	vand.u32 $0x7E, v4  }
0x444: {  	v3 =	vld [tilespmem:s18+$0x0];
	v4 =	vadd.s32 v0, v2;
	_ =	sdelay $0x4  }
0x445: {  	[tilespmem:v4+s1+$0x0] =	vst.idx.msk $0xffff, v3  }
0x446: {  	v2 =	vadd.s32 v1, v2;
	v3 =	vld [tilespmem:s18+$0x10];
	_ =	sdelay $0x2  }
0x447: {  	s23 =	sadd.s32 $0x3, s19;
	s19 =	smov.u32 s22  }
0x448: {  	v4 =	vmov s23  }
0x449: {  	[tilespmem:v2+s1+$0x0] =	vst.idx.msk $0xffff, v3;
	v3 =	vand.u32 $0x7F, v4  }
0x44a: {  	v2 =	vld [tilespmem:s18+$0x20];
	v4 =	vadd.s32 v0, v3;
	_ =	sdelay $0x4  }
0x44b: {  	[tilespmem:v4+s1+$0x0] =	vst.idx.msk $0xffff, v2  }
.Ltmp7:
0x44c: {  	v3 =	vadd.s32 v1, v3;
	v2 =	vld [tilespmem:s18+$0x30];
	(pc) =	sbr.rel @p0 .LBB2_17-.Ltmp7, $2  }
0x44d: {  	_ =	sdelay $0x2  }
0x44e: {  	s22 =	sadd.s32 $0x4, s22;
	v4 =	vmov s19  }
0x44f: {  	_ =	sdelay $0x3  }
0x450: {  	v4 =	vand.u32 $0x7C, v4;
	[tilespmem:v3+s1+$0x0] =	vst.idx.msk $0xffff, v2;
	s18 =	sadd.s32 $0x80, s18  }
0x451: {  	v2 =	vld [tilespmem:s18+$0xFFFFFFC0];
	v3 =	vadd.s32 v0, v4;
	_ =	sdelay $0x4  }
0x452: {  	[tilespmem:v3+s1+$0x0] =	vst.idx.msk $0xffff, v2  }
0x453: {  	v3 =	vadd.s32 v1, v4;
	v2 =	vld [tilespmem:s18+$0xFFFFFFD0];
	_ =	sdelay $0x2  }
0x454: {  	s22 =	sadd.s32 $0x1, s19  }
0x455: {  	v61 =	vmov s22  }
0x456: {  	[tilespmem:v3+s1+$0x0] =	vst.idx.msk $0xffff, v2;
	v2 =	vand.u32 $0x7D, v61  }
0x457: {  	v3 =	vld [tilespmem:s18+$0xFFFFFFE0];
	v4 =	vadd.s32 v0, v2;
	_ =	sdelay $0x4  }
0x458: {  	[tilespmem:v4+s1+$0x0] =	vst.idx.msk $0xffff, v3  }
0x459: {  	v2 =	vadd.s32 v1, v2;
	v3 =	vld [tilespmem:s18+$0xFFFFFFF0];
	_ =	sdelay $0x2  }
0x45a: {  	s23 =	sadd.s32 $0x2, s19  }
0x45b: {  	v62 =	vmov s23  }
0x45c: {  	[tilespmem:v2+s1+$0x0] =	vst.idx.msk $0xffff, v3;
	v2 =	vand.u32 $0x7E, v62  }
0x45d: {  	v3 =	vld [tilespmem:s18+$0x0];
	v4 =	vadd.s32 v0, v2;
	_ =	sdelay $0x4  }
0x45e: {  	[tilespmem:v4+s1+$0x0] =	vst.idx.msk $0xffff, v3  }
0x45f: {  	v2 =	vadd.s32 v1, v2;
	v3 =	vld [tilespmem:s18+$0x10];
	_ =	sdelay $0x2  }
0x460: {  	s23 =	sadd.s32 $0x3, s19  }
0x461: {  	v63 =	vmov s23  }
0x462: {  	[tilespmem:v2+s1+$0x0] =	vst.idx.msk $0xffff, v3;
	v2 =	vand.u32 $0x7F, v63  }
0x463: {  	v3 =	vld [tilespmem:s18+$0x20];
	v4 =	vadd.s32 v0, v2;
	_ =	sdelay $0x4  }
0x464: {  	[tilespmem:v4+s1+$0x0] =	vst.idx.msk $0xffff, v3  }
0x465: {  	v2 =	vadd.s32 v1, v2;
	v3 =	vld [tilespmem:s18+$0x30];
	_ =	sdelay $0x3  }
0x466: {  	s16 =	sadd.s32 @!p1 $0x780, s16  }
0x467: {  	s17 =	sor.u32 s9, s17;
	s19 =	simm.s32 @!p1 $0xD400;
	s18 =	simm.s32 @!p1 $0x80;
	[tilespmem:v2+s1+$0x0] =	vst.idx.msk $0xffff, v3  }
0x468: {  	[tilespmem:s19], [sflag:$0x8] =	stream.indirect.gather @!p1 [hbm4b:s4+s18], $0x20, s16, s18, $0xb8;
	[tilespmem:$0x16C00] =	vst v63  }
0x469: {  	s16 =	sshrl.u32 s17, $0x3  }
0x46a: {  	s16 =	sadd.s32 s2, s16  }
0x46b: {  	[hbm4b:s16+s3] =	stream.linear.scatter [tilespmem:s1], [sflag:$0x10], $0x80, $0x38;
	[tilespmem:$0x16C00] =	vst v63  }
0x46c: {  	s19 =	simm.s32 $0x15B88;
	s18 =	sadd.s32 $0x10, s16  }
0x46d: {  	[hbm4b:s18+s3] =	stream.linear.scatter [tilespmem:s19], [sflag:$0x10], $0x80, $0x38;
	[tilespmem:$0x16C00] =	vst v63  }
0x46e: {  	s23 =	simm.s32 $0x15C10;
	s22 =	sadd.s32 $0x20, s16  }
0x46f: {  	[hbm4b:s22+s3] =	stream.linear.scatter [tilespmem:s23], [sflag:$0x10], $0x80, $0x38;
	[tilespmem:$0x16C00] =	vst v63  }
0x470: {  	s18 =	sadd.s32 $0x30, s16;
	s19 =	simm.s32 $0x15C98  }
0x471: {  	[hbm4b:s18+s3] =	stream.linear.scatter [tilespmem:s19], [sflag:$0x10], $0x80, $0x38;
	[tilespmem:$0x16C00] =	vst v63  }
0x472: {  	s22 =	sadd.s32 $0x40, s16;
	s23 =	simm.s32 $0x15D20  }
0x473: {  	[hbm4b:s22+s3] =	stream.linear.scatter [tilespmem:s23], [sflag:$0x10], $0x80, $0x38;
	[tilespmem:$0x16C00] =	vst v63  }
0x474: {  	s18 =	sadd.s32 $0x50, s16;
	s19 =	simm.s32 $0x15DA8  }
0x475: {  	[hbm4b:s18+s3] =	stream.linear.scatter [tilespmem:s19], [sflag:$0x10], $0x80, $0x38;
	[tilespmem:$0x16C00] =	vst v63  }
0x476: {  	s22 =	sadd.s32 $0x60, s16;
	s23 =	simm.s32 $0x15E30  }
0x477: {  	[hbm4b:s22+s3] =	stream.linear.scatter [tilespmem:s23], [sflag:$0x10], $0x80, $0x38;
	[tilespmem:$0x16C00] =	vst v63  }
0x478: {  	s18 =	sadd.s32 $0x70, s16;
	s19 =	simm.s32 $0x15EB8  }
0x479: {  	[hbm4b:s18+s3] =	stream.linear.scatter [tilespmem:s19], [sflag:$0x10], $0x80, $0x38;
	[tilespmem:$0x16C00] =	vst v63  }
0x47a: {  	s22 =	sadd.s32 $0x4000, s16;
	s23 =	simm.s32 $0x15F40  }
0x47b: {  	[hbm4b:s22+s3] =	stream.linear.scatter [tilespmem:s23], [sflag:$0x10], $0x80, $0x38;
	[tilespmem:$0x16C00] =	vst v63  }
0x47c: {  	s18 =	sadd.s32 $0x4010, s16;
	s19 =	simm.s32 $0x15FC8  }
0x47d: {  	[hbm4b:s18+s3] =	stream.linear.scatter [tilespmem:s19], [sflag:$0x10], $0x80, $0x38;
	[tilespmem:$0x16C00] =	vst v63  }
0x47e: {  	s22 =	sadd.s32 $0x4020, s16;
	s23 =	simm.s32 $0x16050  }
0x47f: {  	[hbm4b:s22+s3] =	stream.linear.scatter [tilespmem:s23], [sflag:$0x10], $0x80, $0x38;
	[tilespmem:$0x16C00] =	vst v63  }
0x480: {  	s18 =	sadd.s32 $0x4030, s16;
	s19 =	simm.s32 $0x160D8  }
0x481: {  	[hbm4b:s18+s3] =	stream.linear.scatter [tilespmem:s19], [sflag:$0x10], $0x80, $0x38;
	[tilespmem:$0x16C00] =	vst v63  }
0x482: {  	s22 =	sadd.s32 $0x4040, s16;
	s23 =	simm.s32 $0x16160  }
0x483: {  	[hbm4b:s22+s3] =	stream.linear.scatter [tilespmem:s23], [sflag:$0x10], $0x80, $0x38;
	[tilespmem:$0x16C00] =	vst v63  }
0x484: {  	s18 =	sadd.s32 $0x4050, s16;
	s19 =	simm.s32 $0x161E8  }
0x485: {  	[hbm4b:s18+s3] =	stream.linear.scatter [tilespmem:s19], [sflag:$0x10], $0x80, $0x38;
	[tilespmem:$0x16C00] =	vst v63  }
0x486: {  	s22 =	sadd.s32 $0x4060, s16;
	s23 =	simm.s32 $0x16270  }
0x487: {  	[hbm4b:s22+s3] =	stream.linear.scatter [tilespmem:s23], [sflag:$0x10], $0x80, $0x38;
	[tilespmem:$0x16C00] =	vst v63  }
0x488: {  	s18 =	sadd.s32 $0x4070, s16;
	s19 =	simm.s32 $0x162F8  }
0x489: {  	[hbm4b:s18+s3] =	stream.linear.scatter [tilespmem:s19], [sflag:$0x10], $0x80, $0x38;
	[tilespmem:$0x16C00] =	vst v63  }
0x48a: {  	s22 =	sadd.s32 $0x8000, s16;
	s23 =	simm.s32 $0x16380  }
0x48b: {  	[hbm4b:s22+s3] =	stream.linear.scatter [tilespmem:s23], [sflag:$0x10], $0x80, $0x38;
	[tilespmem:$0x16C00] =	vst v63  }
0x48c: {  	s18 =	sadd.s32 $0x8010, s16;
	s19 =	simm.s32 $0x16408  }
0x48d: {  	[hbm4b:s18+s3] =	stream.linear.scatter [tilespmem:s19], [sflag:$0x10], $0x80, $0x38;
	[tilespmem:$0x16C00] =	vst v63  }
0x48e: {  	s22 =	sadd.s32 $0x8020, s16;
	s23 =	simm.s32 $0x16490  }
0x48f: {  	[hbm4b:s22+s3] =	stream.linear.scatter [tilespmem:s23], [sflag:$0x10], $0x80, $0x38;
	[tilespmem:$0x16C00] =	vst v63  }
0x490: {  	s18 =	sadd.s32 $0x8030, s16;
	s19 =	simm.s32 $0x16518  }
0x491: {  	[hbm4b:s18+s3] =	stream.linear.scatter [tilespmem:s19], [sflag:$0x10], $0x80, $0x38;
	[tilespmem:$0x16C00] =	vst v63  }
0x492: {  	s22 =	sadd.s32 $0x8040, s16;
	s23 =	simm.s32 $0x165A0  }
0x493: {  	[hbm4b:s22+s3] =	stream.linear.scatter [tilespmem:s23], [sflag:$0x10], $0x80, $0x38;
	[tilespmem:$0x16C00] =	vst v63  }
0x494: {  	s18 =	sadd.s32 $0x8050, s16;
	s19 =	simm.s32 $0x16628  }
0x495: {  	[hbm4b:s18+s3] =	stream.linear.scatter [tilespmem:s19], [sflag:$0x10], $0x80, $0x38;
	[tilespmem:$0x16C00] =	vst v63  }
0x496: {  	s22 =	sadd.s32 $0x8060, s16;
	s23 =	simm.s32 $0x166B0  }
0x497: {  	[hbm4b:s22+s3] =	stream.linear.scatter [tilespmem:s23], [sflag:$0x10], $0x80, $0x38;
	[tilespmem:$0x16C00] =	vst v63  }
0x498: {  	s18 =	sadd.s32 $0x8070, s16;
	s19 =	simm.s32 $0x16738  }
0x499: {  	[hbm4b:s18+s3] =	stream.linear.scatter [tilespmem:s19], [sflag:$0x10], $0x80, $0x38;
	[tilespmem:$0x16C00] =	vst v63  }
0x49a: {  	s22 =	sadd.s32 $0xC000, s16;
	s23 =	simm.s32 $0x167C0  }
0x49b: {  	[hbm4b:s22+s3] =	stream.linear.scatter [tilespmem:s23], [sflag:$0x10], $0x80, $0x38;
	[tilespmem:$0x16C00] =	vst v63  }
0x49c: {  	s18 =	sadd.s32 $0xC010, s16;
	s19 =	simm.s32 $0x16848  }
0x49d: {  	[hbm4b:s18+s3] =	stream.linear.scatter [tilespmem:s19], [sflag:$0x10], $0x80, $0x38;
	[tilespmem:$0x16C00] =	vst v63  }
0x49e: {  	s22 =	sadd.s32 $0xC020, s16;
	s23 =	simm.s32 $0x168D0  }
0x49f: {  	[hbm4b:s22+s3] =	stream.linear.scatter [tilespmem:s23], [sflag:$0x10], $0x80, $0x38;
	[tilespmem:$0x16C00] =	vst v63  }
0x4a0: {  	s18 =	sadd.s32 $0xC030, s16;
	s19 =	simm.s32 $0x16958  }
0x4a1: {  	[hbm4b:s18+s3] =	stream.linear.scatter [tilespmem:s19], [sflag:$0x10], $0x80, $0x38;
	[tilespmem:$0x16C00] =	vst v63  }
0x4a2: {  	s13 =	sadd.s32 $0x1, s13;
	s22 =	sadd.s32 $0xC040, s16;
	s23 =	simm.s32 $0x169E0  }
0x4a3: {  	[hbm4b:s22+s3] =	stream.linear.scatter [tilespmem:s23], [sflag:$0x10], $0x80, $0x38;
	[tilespmem:$0x16C00] =	vst v63  }
0x4a4: {  	p0 =	sne.s32 s13, $0x19;
	s18 =	sadd.s32 $0xC050, s16;
	s19 =	simm.s32 $0x16A68  }
0x4a5: {  	[hbm4b:s18+s3] =	stream.linear.scatter [tilespmem:s19], [sflag:$0x10], $0x80, $0x38;
	[tilespmem:$0x16C00] =	vst v63  }
.Ltmp8:
0x4a6: {  	_ = 	snop;
	(pc) =	sbr.rel @p0 .LBB2_2-.Ltmp8, $4  }
0x4a7: {  	s22 =	sadd.s32 $0xC060, s16;
	s23 =	simm.s32 $0x16AF0  }
0x4a8: {  	[hbm4b:s22+s3] =	stream.linear.scatter [tilespmem:s23], [sflag:$0x10], $0x80, $0x38;
	[tilespmem:$0x16C00] =	vst v63  }
0x4a9: {  	s16 =	sadd.s32 $0xC070, s16  }
0x4aa: {  	[hbm4b:s16+s3] =	stream.linear.scatter [tilespmem:s24], [sflag:$0x10], $0x80, $0x38;
	[tilespmem:$0x16C00] =	vst v63  }
0x4ab: {  	s13 =	simm.s32 $0x9  }
0x4ac: {  	_ =	swait.ge [sflag:s13], $0x1000  }
0x4ad: {  	[sflag:s13] =	ssyncset.done $0x0  }
0x4ae: {  	s23 =	simm.s32 $0xA;
	[sflag:s13] =	ssyncadd.s32 $0xFFFFF000  }
0x4af: {  	_ =	swait.ge [sflag:s23], $0x1000  }
0x4b0: {  	[sflag:s23] =	ssyncset.done $0x0  }
0x4b1: {  	s16 =	simm.s32 $0xB;
	[sflag:s23] =	ssyncadd.s32 $0xFFFFF000  }
0x4b2: {  	_ =	swait.ge [sflag:s16], $0x1000  }
0x4b3: {  	[sflag:s16] =	ssyncset.done $0x0  }
0x4b4: {  	s17 =	simm.s32 $0xC;
	[sflag:s16] =	ssyncadd.s32 $0xFFFFF000  }
0x4b5: {  	_ =	swait.ge [sflag:s17], $0x1000  }
0x4b6: {  	[sflag:s17] =	ssyncset.done $0x0  }
0x4b7: {  	s18 =	simm.s32 $0xD;
	[sflag:s17] =	ssyncadd.s32 $0xFFFFF000  }
0x4b8: {  	_ =	swait.ge [sflag:s18], $0x1000  }
0x4b9: {  	[sflag:s18] =	ssyncset.done $0x0  }
0x4ba: {  	s19 =	simm.s32 $0xE;
	[sflag:s18] =	ssyncadd.s32 $0xFFFFF000  }
0x4bb: {  	_ =	swait.ge [sflag:s19], $0x1000  }
0x4bc: {  	[sflag:s19] =	ssyncset.done $0x0  }
0x4bd: {  	s22 =	simm.s32 $0xF;
	[sflag:s19] =	ssyncadd.s32 $0xFFFFF000  }
0x4be: {  	_ =	swait.ge [sflag:s22], $0x1000  }
0x4bf: {  	[sflag:s22] =	ssyncset.done $0x0  }
0x4c0: {  	s16 =	simm.s32 $0x10;
	[sflag:s22] =	ssyncadd.s32 $0xFFFFF000  }
0x4c1: {  	_ =	swait.ge [sflag:s16], $0x1000  }
0x4c2: {  	s17 =	rddreg [dreg:$0x5]  }
0x4c3: {  	s23 =	rddreg [dreg:$0x4];
	s17 =	sadd.s32 $0x1, s17  }
0x4c4: {  	p0 =	sne.s32 s17, s23  }
.Ltmp9:
0x4c5: {  	_ = 	snop;
	(pc) =	sbr.rel @p0 .LBB2_1-.Ltmp9, $3  }
0x4c6: {  	_ =	sdelay $0x1  }
0x4c7: {  	[sflag:s16] =	ssyncset.done $0x0  }
0x4c8: {  	[sflag:s16] =	ssyncadd.s32 $0xFFFFF000  }
0x4c9: {  	_ =	sfence.sel $0x180000  }
0x4ca: {  	[bflag:$0x0] =	sbarrier.arrive $0xFFFF  }
0x4cb: {  	_ =	strace $0x90000047  }
0x4cc: {  	s0 =	stileid.u32;
	[bflag:$0x2] =	sbarrier.arrive $0xFFFF  }
0x4cd: {  	p0 =	sne.s32 s0, $0x0;
	s0 =	rddreg [dreg:$0x2]  }
0x4ce: {  	s0 =	sadd.s32 @!p0 $0x100000, s0  }
0x4cf: {  	[sflag:s0] =	ssyncadd.tile.s32 @!p0 $0x1;
	_ =	shalt  }
.Lfunc_end2:
_tile_overlayer_lowered:
.L_overlay_start_2:
0x4d0: {  	(tag) =	ssettag $0x2  }
0x4d1: {  	s0 =	rddreg [dreg:$0x0];
	s2 =	stileid.u32  }
0x4d2: {  	s1 =	rddreg [dreg:$0x1];
	p0 =	sne.s32 s2, $0x0  }
0x4d3: {  	s3 =	rddreg [dreg:$0x2];
	[bflag:$0x3] =	sbarrier.arrive $0xFFFF;
	s2 =	simm.s32 @!p0 $0x1C12  }
0x4d4: {  	[timem:s3], [sflag:s2] =	dma.local @!p0 [hbm:s0], s1  }
0x4d5: {  	s0 =	simm.s32 @!p0 $0x12  }
0x4d6: {  	_ =	swait.ge @!p0 [sflag:s0], s1  }
0x4d7: {  	s1 =	ssub.s32 @!p0 $0x0, s1;
	[sflag:s0] =	ssyncset.done @!p0 $0x0  }
0x4d8: {  	[sflag:s0] =	ssyncadd.s32 @!p0 s1  }
0x4d9: {  	[bflag:$0x3] =	sbarrier.arrive $0xFFFF  }
0x4da: {  	_ =	shalt  }

</sc_bundles>
